<compile_context>
chip_gen: v7x
topology: tpu7x:2x2x1
jax: 0.10.2.dev20260603
libtpu: 0.0.44.dev20260713+nightly
codegen_flags: <defaults>
</compile_context>

<pallas_src>
import functools

import jax
import jax.numpy as jnp
from jax import lax
from jax.experimental import pallas as pl
from jax.experimental.pallas import tpu as pltpu
from jax.experimental.pallas import tpu_sc as plsc

N = 10000
E = 320000
D_IN = 128
D_HID = 64

NC, NS = 2, 16
NW = NC * NS
CHUNK = 128
CH_PER_W = 80
E_PAD = CH_PER_W * NW * CHUNK
NBUF = 4
TRASH_ROWS = 512
ROWS_A = 640
ROWS_LAST = N - (NS - 1) * ROWS_A

_mesh = plsc.VectorSubcoreMesh(core_axis_name="c", subcore_axis_name="s")


def _per_tile_rows(sid, copy):
    @pl.when(sid < NS - 1)
    def _():
        copy(sid * ROWS_A, ROWS_A)

    @pl.when(sid == NS - 1)
    def _():
        copy((NS - 1) * ROWS_A, ROWS_LAST)


DEG_W = 16


@functools.partial(
    pl.kernel,
    out_type=jax.ShapeDtypeStruct((NC, N, DEG_W), jnp.float32),
    mesh=_mesh,
    scratch_types=[
        pltpu.VMEM((CH_PER_W, CHUNK), jnp.int32),
        pltpu.VMEM((CHUNK, DEG_W), jnp.float32),
        pltpu.VMEM_SHARED((N + TRASH_ROWS, DEG_W), jnp.float32),
        pltpu.SemaphoreType.DMA,
        pltpu.SemaphoreType.DMA,
    ],
    compiler_params=pltpu.CompilerParams(use_tc_tiling_on_sc=False),
)
def _sc_degree(dst_hbm, zcol_hbm, ones_hbm, deg_hbm, dst_v, ones_v, acc_s,
               sem_i, sem_s):
    cid = lax.axis_index("c")
    sid = lax.axis_index("s")
    wid = sid * NC + cid
    cpd = pltpu.async_copy(dst_hbm.at[wid], dst_v, sem_i)

    def init(off, cnt):
        pltpu.sync_copy(zcol_hbm.at[pl.ds(0, cnt)], acc_s.at[pl.ds(off, cnt)])

    _per_tile_rows(sid, init)
    pltpu.sync_copy(ones_hbm, ones_v)
    cpd.wait()
    plsc.subcore_barrier()

    def body(g, carry):
        for j in range(NBUF):
            c = NBUF * g + j
            pltpu.async_copy(ones_v, acc_s.at[dst_v.at[c]], sem_s, add=True)
        for j in range(NBUF):
            c = NBUF * g + j
            pltpu.make_async_copy(ones_v, acc_s.at[dst_v.at[c]], sem_s).wait()
        return carry

    lax.fori_loop(0, CH_PER_W // NBUF, body, 0)
    plsc.subcore_barrier()

    def writeout(off, cnt):
        pltpu.sync_copy(acc_s.at[pl.ds(off, cnt)],
                        deg_hbm.at[cid, pl.ds(off, cnt)])

    _per_tile_rows(sid, writeout)


@functools.partial(
    pl.kernel,
    out_type=jax.ShapeDtypeStruct((NC, N, D_HID), jnp.float32),
    mesh=_mesh,
    scratch_types=[
        pltpu.VMEM((CH_PER_W, CHUNK), jnp.int32),
        pltpu.VMEM((CH_PER_W, CHUNK), jnp.int32),
        pltpu.VMEM((CHUNK, D_HID), jnp.float32),
        pltpu.VMEM((CHUNK, D_HID), jnp.float32),
        pltpu.VMEM((CHUNK, D_HID), jnp.float32),
        pltpu.VMEM((CHUNK, D_HID), jnp.float32),
        pltpu.VMEM_SHARED((N + TRASH_ROWS, D_HID), jnp.float32),
        pltpu.SemaphoreType.DMA,
        pltpu.SemaphoreType.DMA,
        pltpu.SemaphoreType.DMA,
        pltpu.SemaphoreType.DMA,
        pltpu.SemaphoreType.DMA,
    ],
    compiler_params=pltpu.CompilerParams(use_tc_tiling_on_sc=False),
)
def _sc_aggregate(table_hbm, src_hbm, dst_hbm, zeros_hbm, out_hbm,
                  src_v, dst_v, b0, b1, b2, b3, acc_s,
                  sem_i, s0, s1, s2, s3):
    cid = lax.axis_index("c")
    sid = lax.axis_index("s")
    wid = sid * NC + cid
    bufs = (b0, b1, b2, b3)
    sems = (s0, s1, s2, s3)

    cps = pltpu.async_copy(src_hbm.at[wid], src_v, sem_i)
    cpd = pltpu.async_copy(dst_hbm.at[wid], dst_v, sem_i)

    def init(off, cnt):
        @pl.when(cid == 0)
        def _():
            pltpu.sync_copy(table_hbm.at[pl.ds(off, cnt)],
                            acc_s.at[pl.ds(off, cnt)])

        @pl.when(cid == 1)
        def _():
            pltpu.sync_copy(zeros_hbm.at[pl.ds(0, cnt)],
                            acc_s.at[pl.ds(off, cnt)])

    _per_tile_rows(sid, init)
    cps.wait()
    cpd.wait()
    for j in range(NBUF):
        pltpu.async_copy(table_hbm.at[src_v.at[j]], bufs[j], sems[j])
    plsc.subcore_barrier()

    def body(g, carry):
        for j in range(NBUF):
            c = NBUF * g + j
            pltpu.make_async_copy(table_hbm.at[src_v.at[c]],
                                  bufs[j], sems[j]).wait()
            pltpu.sync_copy(bufs[j], acc_s.at[dst_v.at[c]], add=True)

            @pl.when(c + NBUF < CH_PER_W)
            def _():
                pltpu.async_copy(table_hbm.at[src_v.at[c + NBUF]],
                                 bufs[j], sems[j])
        return carry

    lax.fori_loop(0, CH_PER_W // NBUF, body, 0)
    plsc.subcore_barrier()

    def writeout(off, cnt):
        pltpu.sync_copy(acc_s.at[pl.ds(off, cnt)],
                        out_hbm.at[cid, pl.ds(off, cnt)])

    _per_tile_rows(sid, writeout)


BLK = 2000


def _tc_mm_body(x_ref, w_ref, o_ref):
    o_ref[...] = jnp.dot(x_ref[...], w_ref[...],
                         preferred_element_type=jnp.float32)


def _tc_mm(x, w):
    m, k = x.shape
    n = w.shape[1]
    return pl.pallas_call(
        _tc_mm_body,
        grid=(m // BLK,),
        in_specs=[
            pl.BlockSpec((BLK, k), lambda i: (i, 0)),
            pl.BlockSpec((k, n), lambda i: (0, 0)),
        ],
        out_specs=pl.BlockSpec((BLK, n), lambda i: (i, 0)),
        out_shape=jax.ShapeDtypeStruct((m, n), jnp.float32),
    )(x, w)


def _tc_scale_body(h_ref, d0_ref, d1_ref, o_ref):
    dinv = 1.0 / jnp.sqrt(d0_ref[0, :, 0:1] + d1_ref[0, :, 0:1] + 1.0)
    o_ref[...] = h_ref[...] * dinv


def _tc_scale(h, deg):
    m, n = h.shape
    return pl.pallas_call(
        _tc_scale_body,
        grid=(m // BLK,),
        in_specs=[
            pl.BlockSpec((BLK, n), lambda i: (i, 0)),
            pl.BlockSpec((1, BLK, DEG_W), lambda i: (0, i, 0)),
            pl.BlockSpec((1, BLK, DEG_W), lambda i: (1, i, 0)),
        ],
        out_specs=pl.BlockSpec((BLK, n), lambda i: (i, 0)),
        out_shape=jax.ShapeDtypeStruct((m, n), jnp.float32),
    )(h, deg, deg)


def _tc_layer2_body(a0_ref, a1_ref, d0_ref, d1_ref, b_ref, w_ref, o_ref):
    dinv = 1.0 / jnp.sqrt(d0_ref[0, :, 0:1] + d1_ref[0, :, 0:1] + 1.0)
    h = jnp.maximum((a0_ref[0] + a1_ref[0]) * dinv + b_ref[...], 0.0)
    o_ref[...] = jnp.dot(h, w_ref[...],
                         preferred_element_type=jnp.float32) * dinv


def _tc_layer2(acc, deg, b, w):
    n = acc.shape[2]
    m = acc.shape[1]
    return pl.pallas_call(
        _tc_layer2_body,
        grid=(m // BLK,),
        in_specs=[
            pl.BlockSpec((1, BLK, n), lambda i: (0, i, 0)),
            pl.BlockSpec((1, BLK, n), lambda i: (1, i, 0)),
            pl.BlockSpec((1, BLK, DEG_W), lambda i: (0, i, 0)),
            pl.BlockSpec((1, BLK, DEG_W), lambda i: (1, i, 0)),
            pl.BlockSpec((1, n), lambda i: (0, 0)),
            pl.BlockSpec((n, n), lambda i: (0, 0)),
        ],
        out_specs=pl.BlockSpec((BLK, n), lambda i: (i, 0)),
        out_shape=jax.ShapeDtypeStruct((m, n), jnp.float32),
    )(acc, acc, deg, deg, b, w)


def _tc_final_body(a0_ref, a1_ref, d0_ref, d1_ref, b_ref, o_ref):
    @pl.when(pl.program_id(0) == 0)
    def _():
        o_ref[...] = jnp.zeros_like(o_ref)

    dinv = 1.0 / jnp.sqrt(d0_ref[0, :, 0:1] + d1_ref[0, :, 0:1] + 1.0)
    h = jnp.maximum((a0_ref[0] + a1_ref[0]) * dinv + b_ref[...], 0.0)
    o_ref[...] += jnp.sum(h, axis=0, keepdims=True)


def _tc_final(acc, deg, b):
    n = acc.shape[2]
    m = acc.shape[1]
    return pl.pallas_call(
        _tc_final_body,
        grid=(m // BLK,),
        in_specs=[
            pl.BlockSpec((1, BLK, n), lambda i: (0, i, 0)),
            pl.BlockSpec((1, BLK, n), lambda i: (1, i, 0)),
            pl.BlockSpec((1, BLK, DEG_W), lambda i: (0, i, 0)),
            pl.BlockSpec((1, BLK, DEG_W), lambda i: (1, i, 0)),
            pl.BlockSpec((1, n), lambda i: (0, 0)),
        ],
        out_specs=pl.BlockSpec((1, n), lambda i: (0, 0)),
        out_shape=jax.ShapeDtypeStruct((1, n), jnp.float32),
    )(acc, acc, deg, deg, b)


def kernel(x, edge_index, W1, b1, W2, b2, Wfc, bfc):
    src = edge_index[0].astype(jnp.int32)
    dst = edge_index[1].astype(jnp.int32)
    pad = E_PAD - E
    pad_src = jnp.arange(pad, dtype=jnp.int32) % N
    srcp = jnp.concatenate([src, pad_src])
    srcp = srcp.reshape(NW, CH_PER_W, CHUNK)
    trash_idx = N + (jnp.arange(pad, dtype=jnp.int32) % TRASH_ROWS)
    dstp = jnp.concatenate([dst, trash_idx])
    dstp = dstp.reshape(NW, CH_PER_W, CHUNK)
    zeros64 = jnp.zeros((ROWS_A, D_HID), jnp.float32)
    zcol = jnp.zeros((ROWS_A, DEG_W), jnp.float32)
    ones = jnp.ones((CHUNK, DEG_W), jnp.float32)

    h1 = _tc_mm(x, W1)
    deg = _sc_degree(dstp, zcol, ones)

    h1p = _tc_scale(h1, deg)
    acc1 = _sc_aggregate(h1p, srcp, dstp, zeros64)
    h2p = _tc_layer2(acc1, deg, b1.reshape(1, -1), W2)
    acc2 = _sc_aggregate(h2p, srcp, dstp, zeros64)
    g = _tc_final(acc2, deg, b2.reshape(1, -1))

    return (g.reshape((-1,)) / N) @ Wfc + bfc

# --- scband reference (transcript-rebuilt; emitter-appended) ---
"""Pipeline reference for scband-gnnmodel-67697274520408 (READ-ONLY COPY).

The authoritative reference and input builder live on the scoring server;
editing this copy changes nothing except your own understanding.
"""

import jax, jax.numpy as jnp
import numpy as np

N_NODES = 10000
N_EDGES = 320000
D_IN = 128
D_HID = 64
D_OUT = 1


def gcn_conv(x, edge_index, W, b):
    # Faithful PyG GCNConv: add self-loops, symmetric normalization,
    # message = norm * (x @ W)[src], aggregate = scatter-add over dst, then + bias.
    N = x.shape[0]
    loop = jnp.arange(N, dtype=edge_index.dtype)
    src = jnp.concatenate([edge_index[0], loop])
    dst = jnp.concatenate([edge_index[1], loop])
    deg = jnp.zeros((N,), dtype=x.dtype).at[dst].add(1.0)
    dinv = jnp.where(deg > 0, 1.0 / jnp.sqrt(deg), 0.0)
    norm = dinv[src] * dinv[dst]
    h = x @ W
    msg = h[src] * norm[:, None]
    out = jnp.zeros((N, W.shape[1]), dtype=x.dtype).at[dst].add(msg)
    return out + b


def setup_inputs(seed: int = 0) -> dict:
    key = jax.random.key(seed)
    ks = jax.random.split(key, 8)
    x = jax.random.normal(ks[0], (N_NODES, D_IN), dtype=jnp.float32)
    edge_index = jax.random.randint(ks[1], (2, N_EDGES), 0, N_NODES, dtype=jnp.int64)
    W1 = jax.random.normal(ks[2], (D_IN, D_HID), dtype=jnp.float32) * (1.0 / np.sqrt(D_IN))
    b1 = jnp.zeros((D_HID,), dtype=jnp.float32)
    W2 = jax.random.normal(ks[3], (D_HID, D_HID), dtype=jnp.float32) * (1.0 / np.sqrt(D_HID))
    b2 = jnp.zeros((D_HID,), dtype=jnp.float32)
    Wfc = jax.random.normal(ks[4], (D_HID, D_OUT), dtype=jnp.float32) * (1.0 / np.sqrt(D_HID))
    bfc = jnp.zeros((D_OUT,), dtype=jnp.float32)
    return {"x": x, "edge_index": edge_index, "W1": W1, "b1": b1, "W2": W2, "b2": b2, "Wfc": Wfc, "bfc": bfc}


def reference(x, edge_index, W1, b1, W2, b2, Wfc, bfc):
    h = jax.nn.relu(gcn_conv(x, edge_index, W1, b1))
    h = jax.nn.relu(gcn_conv(h, edge_index, W2, b2))
    g = jnp.mean(h, axis=0)
    return g @ Wfc + bfc

if __name__ == "__main__":
    import jax
    _d = setup_inputs()
    print(jax.jit(kernel)(*tuple(_d.values())))

</pallas_src>

<mosaic_0001>
#map = affine_map<(d0, d1) -> (0, 0, 0)>
#map1 = affine_map<(d0, d1) -> (0, 0)>
module attributes {stable_mosaic.version = 14 : i64} {
  func.func @_sc_degree(%arg0: i32, %arg1: i32, %arg2: memref<32x80x128xi32, #tpu.memory_space<hbm>>, %arg3: memref<640x16xf32, #tpu.memory_space<hbm>>, %arg4: memref<128x16xf32, #tpu.memory_space<hbm>>, %arg5: memref<2x10000x16xf32, #tpu.memory_space<hbm>>, %arg6: memref<80x128xi32, #tpu.memory_space<vmem>>, %arg7: memref<128x16xf32, #tpu.memory_space<vmem>>, %arg8: memref<10512x16xf32, #tpu.memory_space<vmem_shared>>, %arg9: memref<!tpu.dma_semaphore, #tpu.memory_space<semaphore_mem>>, %arg10: memref<!tpu.dma_semaphore, #tpu.memory_space<semaphore_mem>>) attributes {dimension_semantics = [#tpu.dimension_semantics<core_parallel>, #tpu.dimension_semantics<subcore_parallel>], iteration_bounds = array<i64: 2, 16>, scalar_prefetch = 0 : i64, scratch_operands = 5 : i64, tpu.core_type = #tpu.core_type<sc_vector_subcore>, window_params = [{transform_indices = #map}, {transform_indices = #map1}, {transform_indices = #map1}, {transform_indices = #map}]} {
    %mul3A = arith.constant 2 : i32
    %mul3A_0 = arith.muli %arg1, %mul3A : i32
    %add3A = arith.addi %mul3A_0, %arg0 : i32
    %dma_start3A = arith.constant 0 : i32
    %dma_start3A_1 = arith.constant 0 : i32
    %dma_start3A_2 = tpu.memref_slice %arg2[%add3A, %dma_start3A, %dma_start3A_1] : memref<32x80x128xi32, #tpu.memory_space<hbm>> -> memref<1x80x128xi32, #tpu.memory_space<hbm>>
    %dma_start3A_3 = tpu.memref_squeeze %dma_start3A_2 : memref<1x80x128xi32, #tpu.memory_space<hbm>> -> memref<80x128xi32, #tpu.memory_space<hbm>>
    %dma_start3A_4 = arith.constant 0 : i32
    %dma_start3A_5 = arith.constant 0 : i32
    %dma_start3A_6 = tpu.memref_slice %arg2[%add3A, %dma_start3A_4, %dma_start3A_5] : memref<32x80x128xi32, #tpu.memory_space<hbm>> -> memref<1x80x128xi32, #tpu.memory_space<hbm>>
    %dma_start3A_7 = tpu.memref_squeeze %dma_start3A_6 : memref<1x80x128xi32, #tpu.memory_space<hbm>> -> memref<80x128xi32, #tpu.memory_space<hbm>>
    tpu.enqueue_dma source(%dma_start3A_7 : memref<80x128xi32, #tpu.memory_space<hbm>>) target(%arg6 : memref<80x128xi32, #tpu.memory_space<vmem>>) target_semaphore(%arg9 : memref<!tpu.dma_semaphore, #tpu.memory_space<semaphore_mem>>)
    %lt3A = arith.constant 15 : i32
    %lt3A_8 = arith.cmpi slt, %arg1, %lt3A : i32
    %convert_element_type3A = arith.extui %lt3A_8 : i1 to i32
    %cond3A = arith.constant 0 : i32
    %cond3A_9 = arith.cmpi ne, %convert_element_type3A, %cond3A : i32
    scf.if %cond3A_9 {
      %mul3A_37 = arith.constant 640 : i32
      %mul3A_38 = arith.muli %arg1, %mul3A_37 : i32
      "tpu.region"() ({
        %run_scoped3A = tpu.sem_alloc : memref<!tpu.dma_semaphore, #tpu.memory_space<semaphore_mem>>
        %dma_start3A_39 = arith.constant 0 : i32
        %dma_start3A_40 = tpu.memref_slice %arg8[%mul3A_38, %dma_start3A_39] : memref<10512x16xf32, #tpu.memory_space<vmem_shared>> -> memref<640x16xf32, #tpu.memory_space<vmem_shared>>
        %dma_start3A_41 = arith.constant 0 : i32
        %dma_start3A_42 = arith.constant 0 : i32
        %dma_start3A_43 = tpu.memref_slice %arg3[%dma_start3A_41, %dma_start3A_42] : memref<640x16xf32, #tpu.memory_space<hbm>> -> memref<640x16xf32, #tpu.memory_space<hbm>>
        tpu.enqueue_dma source(%dma_start3A_43 : memref<640x16xf32, #tpu.memory_space<hbm>>) target(%dma_start3A_40 : memref<640x16xf32, #tpu.memory_space<vmem_shared>>) target_semaphore(%run_scoped3A : memref<!tpu.dma_semaphore, #tpu.memory_space<semaphore_mem>>)
        %dma_wait3A_44 = arith.constant 0 : i32
        %dma_wait3A_45 = tpu.memref_slice %arg8[%mul3A_38, %dma_wait3A_44] : memref<10512x16xf32, #tpu.memory_space<vmem_shared>> -> memref<640x16xf32, #tpu.memory_space<vmem_shared>>
        %dma_wait3A_46 = arith.constant 0 : i32
        %dma_wait3A_47 = arith.constant 0 : i32
        %dma_wait3A_48 = tpu.memref_slice %arg3[%dma_wait3A_46, %dma_wait3A_47] : memref<640x16xf32, #tpu.memory_space<hbm>> -> memref<640x16xf32, #tpu.memory_space<hbm>>
        tpu.wait_dma2 semaphore(%run_scoped3A : memref<!tpu.dma_semaphore, #tpu.memory_space<semaphore_mem>>) src(%dma_wait3A_48 : memref<640x16xf32, #tpu.memory_space<hbm>>) dst(%dma_wait3A_45 : memref<640x16xf32, #tpu.memory_space<vmem_shared>>)
        tpu.yield
      }) : () -> ()
    } else {
    }
    %eq3A = arith.constant 15 : i32
    %eq3A_10 = arith.cmpi eq, %arg1, %eq3A : i32
    %convert_element_type3A_11 = arith.extui %eq3A_10 : i1 to i32
    %cond3A_12 = arith.constant 0 : i32
    %cond3A_13 = arith.cmpi ne, %convert_element_type3A_11, %cond3A_12 : i32
    scf.if %cond3A_13 {
      "tpu.region"() ({
        %run_scoped3A = tpu.sem_alloc : memref<!tpu.dma_semaphore, #tpu.memory_space<semaphore_mem>>
        %dma_start3A_37 = arith.constant 9600 : i32
        %dma_start3A_38 = arith.constant 0 : i32
        %dma_start3A_39 = tpu.memref_slice %arg8[%dma_start3A_37, %dma_start3A_38] : memref<10512x16xf32, #tpu.memory_space<vmem_shared>> -> memref<400x16xf32, #tpu.memory_space<vmem_shared>>
        %dma_start3A_40 = arith.constant 0 : i32
        %dma_start3A_41 = arith.constant 0 : i32
        %dma_start3A_42 = tpu.memref_slice %arg3[%dma_start3A_40, %dma_start3A_41] : memref<640x16xf32, #tpu.memory_space<hbm>> -> memref<400x16xf32, #tpu.memory_space<hbm>>
        tpu.enqueue_dma source(%dma_start3A_42 : memref<400x16xf32, #tpu.memory_space<hbm>>) target(%dma_start3A_39 : memref<400x16xf32, #tpu.memory_space<vmem_shared>>) target_semaphore(%run_scoped3A : memref<!tpu.dma_semaphore, #tpu.memory_space<semaphore_mem>>)
        %dma_wait3A_43 = arith.constant 9600 : i32
        %dma_wait3A_44 = arith.constant 0 : i32
        %dma_wait3A_45 = tpu.memref_slice %arg8[%dma_wait3A_43, %dma_wait3A_44] : memref<10512x16xf32, #tpu.memory_space<vmem_shared>> -> memref<400x16xf32, #tpu.memory_space<vmem_shared>>
        %dma_wait3A_46 = arith.constant 0 : i32
        %dma_wait3A_47 = arith.constant 0 : i32
        %dma_wait3A_48 = tpu.memref_slice %arg3[%dma_wait3A_46, %dma_wait3A_47] : memref<640x16xf32, #tpu.memory_space<hbm>> -> memref<400x16xf32, #tpu.memory_space<hbm>>
        tpu.wait_dma2 semaphore(%run_scoped3A : memref<!tpu.dma_semaphore, #tpu.memory_space<semaphore_mem>>) src(%dma_wait3A_48 : memref<400x16xf32, #tpu.memory_space<hbm>>) dst(%dma_wait3A_45 : memref<400x16xf32, #tpu.memory_space<vmem_shared>>)
        tpu.yield
      }) : () -> ()
    } else {
    }
    "tpu.region"() ({
      %run_scoped3A = tpu.sem_alloc : memref<!tpu.dma_semaphore, #tpu.memory_space<semaphore_mem>>
      tpu.enqueue_dma source(%arg4 : memref<128x16xf32, #tpu.memory_space<hbm>>) target(%arg7 : memref<128x16xf32, #tpu.memory_space<vmem>>) target_semaphore(%run_scoped3A : memref<!tpu.dma_semaphore, #tpu.memory_space<semaphore_mem>>)
      tpu.wait_dma2 semaphore(%run_scoped3A : memref<!tpu.dma_semaphore, #tpu.memory_space<semaphore_mem>>) src(%arg4 : memref<128x16xf32, #tpu.memory_space<hbm>>) dst(%arg7 : memref<128x16xf32, #tpu.memory_space<vmem>>)
      tpu.yield
    }) : () -> ()
    %dma_wait3A = arith.constant 0 : i32
    %dma_wait3A_14 = arith.constant 0 : i32
    %dma_wait3A_15 = tpu.memref_slice %arg2[%add3A, %dma_wait3A, %dma_wait3A_14] : memref<32x80x128xi32, #tpu.memory_space<hbm>> -> memref<1x80x128xi32, #tpu.memory_space<hbm>>
    %dma_wait3A_16 = tpu.memref_squeeze %dma_wait3A_15 : memref<1x80x128xi32, #tpu.memory_space<hbm>> -> memref<80x128xi32, #tpu.memory_space<hbm>>
    %dma_wait3A_17 = arith.constant 0 : i32
    %dma_wait3A_18 = arith.constant 0 : i32
    %dma_wait3A_19 = tpu.memref_slice %arg2[%add3A, %dma_wait3A_17, %dma_wait3A_18] : memref<32x80x128xi32, #tpu.memory_space<hbm>> -> memref<1x80x128xi32, #tpu.memory_space<hbm>>
    %dma_wait3A_20 = tpu.memref_squeeze %dma_wait3A_19 : memref<1x80x128xi32, #tpu.memory_space<hbm>> -> memref<80x128xi32, #tpu.memory_space<hbm>>
    tpu.wait_dma2 semaphore(%arg9 : memref<!tpu.dma_semaphore, #tpu.memory_space<semaphore_mem>>) src(%dma_wait3A_20 : memref<80x128xi32, #tpu.memory_space<hbm>>) dst(%arg6 : memref<80x128xi32, #tpu.memory_space<vmem>>)
    %barrier3A = arith.constant 0 : index
    tpu.barrier barrier_id(%barrier3A)
    %scan3A = arith.constant 0 : i32
    %scan3A_21 = arith.constant 0 : i32
    %scan3A_22 = arith.constant 20 : i32
    %scan3A_23 = arith.addi %scan3A_21, %scan3A_22 : i32
    %scan3A_24 = arith.constant 1 : i32
    scf.for %scan3A_37 = %scan3A_21 to %scan3A_23 step %scan3A_24  : i32 {
      %mul3A_38 = arith.constant 4 : i32
      %mul3A_39 = arith.muli %mul3A_38, %scan3A_37 : i32
      %add3A_40 = arith.constant 0 : i32
      %add3A_41 = arith.addi %mul3A_39, %add3A_40 : i32
      %dma_start3A_42 = arith.constant 0 : i32
      %dma_start3A_43 = tpu.memref_slice %arg6[%add3A_41, %dma_start3A_42] : memref<80x128xi32, #tpu.memory_space<vmem>> -> memref<1x128xi32, #tpu.memory_space<vmem>>
      %dma_start3A_44 = tpu.memref_squeeze %dma_start3A_43 : memref<1x128xi32, #tpu.memory_space<vmem>> -> memref<128xi32, #tpu.memory_space<vmem>>
      %dma_start3A_45 = arith.constant 0 : i32
      %dma_start3A_46 = arith.constant 0 : i32
      %dma_start3A_47 = tpu.memref_slice %arg8[%dma_start3A_45, %dma_start3A_46] : memref<10512x16xf32, #tpu.memory_space<vmem_shared>> -> memref<10512x16xf32, #tpu.memory_space<vmem_shared>>
      tpu.enqueue_indirect_dma source(%arg7 : memref<128x16xf32, #tpu.memory_space<vmem>>) target(%dma_start3A_47 : memref<10512x16xf32, #tpu.memory_space<vmem_shared>>) offsets(%dma_start3A_44 : memref<128xi32, #tpu.memory_space<vmem>>) semaphore(%arg10 : memref<!tpu.dma_semaphore, #tpu.memory_space<semaphore_mem>>) {add = true}
      %mul3A_48 = arith.constant 4 : i32
      %mul3A_49 = arith.muli %mul3A_48, %scan3A_37 : i32
      %add3A_50 = arith.constant 1 : i32
      %add3A_51 = arith.addi %mul3A_49, %add3A_50 : i32
      %dma_start3A_52 = arith.constant 0 : i32
      %dma_start3A_53 = tpu.memref_slice %arg6[%add3A_51, %dma_start3A_52] : memref<80x128xi32, #tpu.memory_space<vmem>> -> memref<1x128xi32, #tpu.memory_space<vmem>>
      %dma_start3A_54 = tpu.memref_squeeze %dma_start3A_53 : memref<1x128xi32, #tpu.memory_space<vmem>> -> memref<128xi32, #tpu.memory_space<vmem>>
      %dma_start3A_55 = arith.constant 0 : i32
      %dma_start3A_56 = arith.constant 0 : i32
      %dma_start3A_57 = tpu.memref_slice %arg8[%dma_start3A_55, %dma_start3A_56] : memref<10512x16xf32, #tpu.memory_space<vmem_shared>> -> memref<10512x16xf32, #tpu.memory_space<vmem_shared>>
      tpu.enqueue_indirect_dma source(%arg7 : memref<128x16xf32, #tpu.memory_space<vmem>>) target(%dma_start3A_57 : memref<10512x16xf32, #tpu.memory_space<vmem_shared>>) offsets(%dma_start3A_54 : memref<128xi32, #tpu.memory_space<vmem>>) semaphore(%arg10 : memref<!tpu.dma_semaphore, #tpu.memory_space<semaphore_mem>>) {add = true}
      %mul3A_58 = arith.constant 4 : i32
      %mul3A_59 = arith.muli %mul3A_58, %scan3A_37 : i32
      %add3A_60 = arith.constant 2 : i32
      %add3A_61 = arith.addi %mul3A_59, %add3A_60 : i32
      %dma_start3A_62 = arith.constant 0 : i32
      %dma_start3A_63 = tpu.memref_slice %arg6[%add3A_61, %dma_start3A_62] : memref<80x128xi32, #tpu.memory_space<vmem>> -> memref<1x128xi32, #tpu.memory_space<vmem>>
      %dma_start3A_64 = tpu.memref_squeeze %dma_start3A_63 : memref<1x128xi32, #tpu.memory_space<vmem>> -> memref<128xi32, #tpu.memory_space<vmem>>
      %dma_start3A_65 = arith.constant 0 : i32
      %dma_start3A_66 = arith.constant 0 : i32
      %dma_start3A_67 = tpu.memref_slice %arg8[%dma_start3A_65, %dma_start3A_66] : memref<10512x16xf32, #tpu.memory_space<vmem_shared>> -> memref<10512x16xf32, #tpu.memory_space<vmem_shared>>
      tpu.enqueue_indirect_dma source(%arg7 : memref<128x16xf32, #tpu.memory_space<vmem>>) target(%dma_start3A_67 : memref<10512x16xf32, #tpu.memory_space<vmem_shared>>) offsets(%dma_start3A_64 : memref<128xi32, #tpu.memory_space<vmem>>) semaphore(%arg10 : memref<!tpu.dma_semaphore, #tpu.memory_space<semaphore_mem>>) {add = true}
      %mul3A_68 = arith.constant 4 : i32
      %mul3A_69 = arith.muli %mul3A_68, %scan3A_37 : i32
      %add3A_70 = arith.constant 3 : i32
      %add3A_71 = arith.addi %mul3A_69, %add3A_70 : i32
      %dma_start3A_72 = arith.constant 0 : i32
      %dma_start3A_73 = tpu.memref_slice %arg6[%add3A_71, %dma_start3A_72] : memref<80x128xi32, #tpu.memory_space<vmem>> -> memref<1x128xi32, #tpu.memory_space<vmem>>
      %dma_start3A_74 = tpu.memref_squeeze %dma_start3A_73 : memref<1x128xi32, #tpu.memory_space<vmem>> -> memref<128xi32, #tpu.memory_space<vmem>>
      %dma_start3A_75 = arith.constant 0 : i32
      %dma_start3A_76 = arith.constant 0 : i32
      %dma_start3A_77 = tpu.memref_slice %arg8[%dma_start3A_75, %dma_start3A_76] : memref<10512x16xf32, #tpu.memory_space<vmem_shared>> -> memref<10512x16xf32, #tpu.memory_space<vmem_shared>>
      tpu.enqueue_indirect_dma source(%arg7 : memref<128x16xf32, #tpu.memory_space<vmem>>) target(%dma_start3A_77 : memref<10512x16xf32, #tpu.memory_space<vmem_shared>>) offsets(%dma_start3A_74 : memref<128xi32, #tpu.memory_space<vmem>>) semaphore(%arg10 : memref<!tpu.dma_semaphore, #tpu.memory_space<semaphore_mem>>) {add = true}
      %mul3A_78 = arith.constant 4 : i32
      %mul3A_79 = arith.muli %mul3A_78, %scan3A_37 : i32
      %add3A_80 = arith.constant 0 : i32
      %add3A_81 = arith.addi %mul3A_79, %add3A_80 : i32
      %dma_wait3A_82 = arith.constant 0 : i32
      %dma_wait3A_83 = tpu.memref_slice %arg6[%add3A_81, %dma_wait3A_82] : memref<80x128xi32, #tpu.memory_space<vmem>> -> memref<1x128xi32, #tpu.memory_space<vmem>>
      %dma_wait3A_84 = tpu.memref_squeeze %dma_wait3A_83 : memref<1x128xi32, #tpu.memory_space<vmem>> -> memref<128xi32, #tpu.memory_space<vmem>>
      %dma_wait3A_85 = arith.constant 0 : i32
      %dma_wait3A_86 = arith.constant 0 : i32
      %dma_wait3A_87 = tpu.memref_slice %arg8[%dma_wait3A_85, %dma_wait3A_86] : memref<10512x16xf32, #tpu.memory_space<vmem_shared>> -> memref<10512x16xf32, #tpu.memory_space<vmem_shared>>
      tpu.wait_indirect_dma semaphore(%arg10 : memref<!tpu.dma_semaphore, #tpu.memory_space<semaphore_mem>>) src(%arg7 : memref<128x16xf32, #tpu.memory_space<vmem>>) dst(%dma_wait3A_87 : memref<10512x16xf32, #tpu.memory_space<vmem_shared>>)
      %mul3A_88 = arith.constant 4 : i32
      %mul3A_89 = arith.muli %mul3A_88, %scan3A_37 : i32
      %add3A_90 = arith.constant 1 : i32
      %add3A_91 = arith.addi %mul3A_89, %add3A_90 : i32
      %dma_wait3A_92 = arith.constant 0 : i32
      %dma_wait3A_93 = tpu.memref_slice %arg6[%add3A_91, %dma_wait3A_92] : memref<80x128xi32, #tpu.memory_space<vmem>> -> memref<1x128xi32, #tpu.memory_space<vmem>>
      %dma_wait3A_94 = tpu.memref_squeeze %dma_wait3A_93 : memref<1x128xi32, #tpu.memory_space<vmem>> -> memref<128xi32, #tpu.memory_space<vmem>>
      %dma_wait3A_95 = arith.constant 0 : i32
      %dma_wait3A_96 = arith.constant 0 : i32
      %dma_wait3A_97 = tpu.memref_slice %arg8[%dma_wait3A_95, %dma_wait3A_96] : memref<10512x16xf32, #tpu.memory_space<vmem_shared>> -> memref<10512x16xf32, #tpu.memory_space<vmem_shared>>
      tpu.wait_indirect_dma semaphore(%arg10 : memref<!tpu.dma_semaphore, #tpu.memory_space<semaphore_mem>>) src(%arg7 : memref<128x16xf32, #tpu.memory_space<vmem>>) dst(%dma_wait3A_97 : memref<10512x16xf32, #tpu.memory_space<vmem_shared>>)
      %mul3A_98 = arith.constant 4 : i32
      %mul3A_99 = arith.muli %mul3A_98, %scan3A_37 : i32
      %add3A_100 = arith.constant 2 : i32
      %add3A_101 = arith.addi %mul3A_99, %add3A_100 : i32
      %dma_wait3A_102 = arith.constant 0 : i32
      %dma_wait3A_103 = tpu.memref_slice %arg6[%add3A_101, %dma_wait3A_102] : memref<80x128xi32, #tpu.memory_space<vmem>> -> memref<1x128xi32, #tpu.memory_space<vmem>>
      %dma_wait3A_104 = tpu.memref_squeeze %dma_wait3A_103 : memref<1x128xi32, #tpu.memory_space<vmem>> -> memref<128xi32, #tpu.memory_space<vmem>>
      %dma_wait3A_105 = arith.constant 0 : i32
      %dma_wait3A_106 = arith.constant 0 : i32
      %dma_wait3A_107 = tpu.memref_slice %arg8[%dma_wait3A_105, %dma_wait3A_106] : memref<10512x16xf32, #tpu.memory_space<vmem_shared>> -> memref<10512x16xf32, #tpu.memory_space<vmem_shared>>
      tpu.wait_indirect_dma semaphore(%arg10 : memref<!tpu.dma_semaphore, #tpu.memory_space<semaphore_mem>>) src(%arg7 : memref<128x16xf32, #tpu.memory_space<vmem>>) dst(%dma_wait3A_107 : memref<10512x16xf32, #tpu.memory_space<vmem_shared>>)
      %mul3A_108 = arith.constant 4 : i32
      %mul3A_109 = arith.muli %mul3A_108, %scan3A_37 : i32
      %add3A_110 = arith.constant 3 : i32
      %add3A_111 = arith.addi %mul3A_109, %add3A_110 : i32
      %dma_wait3A_112 = arith.constant 0 : i32
      %dma_wait3A_113 = tpu.memref_slice %arg6[%add3A_111, %dma_wait3A_112] : memref<80x128xi32, #tpu.memory_space<vmem>> -> memref<1x128xi32, #tpu.memory_space<vmem>>
      %dma_wait3A_114 = tpu.memref_squeeze %dma_wait3A_113 : memref<1x128xi32, #tpu.memory_space<vmem>> -> memref<128xi32, #tpu.memory_space<vmem>>
      %dma_wait3A_115 = arith.constant 0 : i32
      %dma_wait3A_116 = arith.constant 0 : i32
      %dma_wait3A_117 = tpu.memref_slice %arg8[%dma_wait3A_115, %dma_wait3A_116] : memref<10512x16xf32, #tpu.memory_space<vmem_shared>> -> memref<10512x16xf32, #tpu.memory_space<vmem_shared>>
      tpu.wait_indirect_dma semaphore(%arg10 : memref<!tpu.dma_semaphore, #tpu.memory_space<semaphore_mem>>) src(%arg7 : memref<128x16xf32, #tpu.memory_space<vmem>>) dst(%dma_wait3A_117 : memref<10512x16xf32, #tpu.memory_space<vmem_shared>>)
    }
    %scan3A_25 = arith.constant 20 : i32
    %barrier3A_26 = arith.constant 0 : index
    tpu.barrier barrier_id(%barrier3A_26)
    %lt3A_27 = arith.constant 15 : i32
    %lt3A_28 = arith.cmpi slt, %arg1, %lt3A_27 : i32
    %convert_element_type3A_29 = arith.extui %lt3A_28 : i1 to i32
    %cond3A_30 = arith.constant 0 : i32
    %cond3A_31 = arith.cmpi ne, %convert_element_type3A_29, %cond3A_30 : i32
    scf.if %cond3A_31 {
      %mul3A_37 = arith.constant 640 : i32
      %mul3A_38 = arith.muli %arg1, %mul3A_37 : i32
      "tpu.region"() ({
        %run_scoped3A = tpu.sem_alloc : memref<!tpu.dma_semaphore, #tpu.memory_space<semaphore_mem>>
        %dma_start3A_39 = arith.constant 0 : i32
        %dma_start3A_40 = tpu.memref_slice %arg5[%arg0, %mul3A_38, %dma_start3A_39] : memref<2x10000x16xf32, #tpu.memory_space<hbm>> -> memref<1x640x16xf32, #tpu.memory_space<hbm>>
        %dma_start3A_41 = tpu.memref_squeeze %dma_start3A_40 : memref<1x640x16xf32, #tpu.memory_space<hbm>> -> memref<640x16xf32, #tpu.memory_space<hbm>>
        %dma_start3A_42 = arith.constant 0 : i32
        %dma_start3A_43 = tpu.memref_slice %arg8[%mul3A_38, %dma_start3A_42] : memref<10512x16xf32, #tpu.memory_space<vmem_shared>> -> memref<640x16xf32, #tpu.memory_space<vmem_shared>>
        tpu.enqueue_dma source(%dma_start3A_43 : memref<640x16xf32, #tpu.memory_space<vmem_shared>>) target(%dma_start3A_41 : memref<640x16xf32, #tpu.memory_space<hbm>>) target_semaphore(%run_scoped3A : memref<!tpu.dma_semaphore, #tpu.memory_space<semaphore_mem>>)
        %dma_wait3A_44 = arith.constant 0 : i32
        %dma_wait3A_45 = tpu.memref_slice %arg5[%arg0, %mul3A_38, %dma_wait3A_44] : memref<2x10000x16xf32, #tpu.memory_space<hbm>> -> memref<1x640x16xf32, #tpu.memory_space<hbm>>
        %dma_wait3A_46 = tpu.memref_squeeze %dma_wait3A_45 : memref<1x640x16xf32, #tpu.memory_space<hbm>> -> memref<640x16xf32, #tpu.memory_space<hbm>>
        %dma_wait3A_47 = arith.constant 0 : i32
        %dma_wait3A_48 = tpu.memref_slice %arg8[%mul3A_38, %dma_wait3A_47] : memref<10512x16xf32, #tpu.memory_space<vmem_shared>> -> memref<640x16xf32, #tpu.memory_space<vmem_shared>>
        tpu.wait_dma2 semaphore(%run_scoped3A : memref<!tpu.dma_semaphore, #tpu.memory_space<semaphore_mem>>) src(%dma_wait3A_48 : memref<640x16xf32, #tpu.memory_space<vmem_shared>>) dst(%dma_wait3A_46 : memref<640x16xf32, #tpu.memory_space<hbm>>)
        tpu.yield
      }) : () -> ()
    } else {
    }
    %eq3A_32 = arith.constant 15 : i32
    %eq3A_33 = arith.cmpi eq, %arg1, %eq3A_32 : i32
    %convert_element_type3A_34 = arith.extui %eq3A_33 : i1 to i32
    %cond3A_35 = arith.constant 0 : i32
    %cond3A_36 = arith.cmpi ne, %convert_element_type3A_34, %cond3A_35 : i32
    scf.if %cond3A_36 {
      "tpu.region"() ({
        %run_scoped3A = tpu.sem_alloc : memref<!tpu.dma_semaphore, #tpu.memory_space<semaphore_mem>>
        %dma_start3A_37 = arith.constant 9600 : i32
        %dma_start3A_38 = arith.constant 0 : i32
        %dma_start3A_39 = tpu.memref_slice %arg5[%arg0, %dma_start3A_37, %dma_start3A_38] : memref<2x10000x16xf32, #tpu.memory_space<hbm>> -> memref<1x400x16xf32, #tpu.memory_space<hbm>>
        %dma_start3A_40 = tpu.memref_squeeze %dma_start3A_39 : memref<1x400x16xf32, #tpu.memory_space<hbm>> -> memref<400x16xf32, #tpu.memory_space<hbm>>
        %dma_start3A_41 = arith.constant 9600 : i32
        %dma_start3A_42 = arith.constant 0 : i32
        %dma_start3A_43 = tpu.memref_slice %arg8[%dma_start3A_41, %dma_start3A_42] : memref<10512x16xf32, #tpu.memory_space<vmem_shared>> -> memref<400x16xf32, #tpu.memory_space<vmem_shared>>
        tpu.enqueue_dma source(%dma_start3A_43 : memref<400x16xf32, #tpu.memory_space<vmem_shared>>) target(%dma_start3A_40 : memref<400x16xf32, #tpu.memory_space<hbm>>) target_semaphore(%run_scoped3A : memref<!tpu.dma_semaphore, #tpu.memory_space<semaphore_mem>>)
        %dma_wait3A_44 = arith.constant 9600 : i32
        %dma_wait3A_45 = arith.constant 0 : i32
        %dma_wait3A_46 = tpu.memref_slice %arg5[%arg0, %dma_wait3A_44, %dma_wait3A_45] : memref<2x10000x16xf32, #tpu.memory_space<hbm>> -> memref<1x400x16xf32, #tpu.memory_space<hbm>>
        %dma_wait3A_47 = tpu.memref_squeeze %dma_wait3A_46 : memref<1x400x16xf32, #tpu.memory_space<hbm>> -> memref<400x16xf32, #tpu.memory_space<hbm>>
        %dma_wait3A_48 = arith.constant 9600 : i32
        %dma_wait3A_49 = arith.constant 0 : i32
        %dma_wait3A_50 = tpu.memref_slice %arg8[%dma_wait3A_48, %dma_wait3A_49] : memref<10512x16xf32, #tpu.memory_space<vmem_shared>> -> memref<400x16xf32, #tpu.memory_space<vmem_shared>>
        tpu.wait_dma2 semaphore(%run_scoped3A : memref<!tpu.dma_semaphore, #tpu.memory_space<semaphore_mem>>) src(%dma_wait3A_50 : memref<400x16xf32, #tpu.memory_space<vmem_shared>>) dst(%dma_wait3A_47 : memref<400x16xf32, #tpu.memory_space<hbm>>)
        tpu.yield
      }) : () -> ()
    } else {
    }
    return
  }
}

#map = affine_map<(d0, d1) -> (0, 0)>
#map1 = affine_map<(d0, d1) -> (0, 0, 0)>
module attributes {stable_mosaic.version = 14 : i64} {
  func.func @_sc_aggregate(%arg0: i32, %arg1: i32, %arg2: memref<10000x64xf32, #tpu.memory_space<hbm>>, %arg3: memref<32x80x128xi32, #tpu.memory_space<hbm>>, %arg4: memref<32x80x128xi32, #tpu.memory_space<hbm>>, %arg5: memref<640x64xf32, #tpu.memory_space<hbm>>, %arg6: memref<2x10000x64xf32, #tpu.memory_space<hbm>>, %arg7: memref<80x128xi32, #tpu.memory_space<vmem>>, %arg8: memref<80x128xi32, #tpu.memory_space<vmem>>, %arg9: memref<128x64xf32, #tpu.memory_space<vmem>>, %arg10: memref<128x64xf32, #tpu.memory_space<vmem>>, %arg11: memref<128x64xf32, #tpu.memory_space<vmem>>, %arg12: memref<128x64xf32, #tpu.memory_space<vmem>>, %arg13: memref<10512x64xf32, #tpu.memory_space<vmem_shared>>, %arg14: memref<!tpu.dma_semaphore, #tpu.memory_space<semaphore_mem>>, %arg15: memref<!tpu.dma_semaphore, #tpu.memory_space<semaphore_mem>>, %arg16: memref<!tpu.dma_semaphore, #tpu.memory_space<semaphore_mem>>, %arg17: memref<!tpu.dma_semaphore, #tpu.memory_space<semaphore_mem>>, %arg18: memref<!tpu.dma_semaphore, #tpu.memory_space<semaphore_mem>>) attributes {dimension_semantics = [#tpu.dimension_semantics<core_parallel>, #tpu.dimension_semantics<subcore_parallel>], iteration_bounds = array<i64: 2, 16>, scalar_prefetch = 0 : i64, scratch_operands = 12 : i64, tpu.core_type = #tpu.core_type<sc_vector_subcore>, window_params = [{transform_indices = #map}, {transform_indices = #map1}, {transform_indices = #map1}, {transform_indices = #map}, {transform_indices = #map1}]} {
    %mul3A = arith.constant 2 : i32
    %mul3A_0 = arith.muli %arg1, %mul3A : i32
    %add3A = arith.addi %mul3A_0, %arg0 : i32
    %dma_start3A = arith.constant 0 : i32
    %dma_start3A_1 = arith.constant 0 : i32
    %dma_start3A_2 = tpu.memref_slice %arg3[%add3A, %dma_start3A, %dma_start3A_1] : memref<32x80x128xi32, #tpu.memory_space<hbm>> -> memref<1x80x128xi32, #tpu.memory_space<hbm>>
    %dma_start3A_3 = tpu.memref_squeeze %dma_start3A_2 : memref<1x80x128xi32, #tpu.memory_space<hbm>> -> memref<80x128xi32, #tpu.memory_space<hbm>>
    %dma_start3A_4 = arith.constant 0 : i32
    %dma_start3A_5 = arith.constant 0 : i32
    %dma_start3A_6 = tpu.memref_slice %arg3[%add3A, %dma_start3A_4, %dma_start3A_5] : memref<32x80x128xi32, #tpu.memory_space<hbm>> -> memref<1x80x128xi32, #tpu.memory_space<hbm>>
    %dma_start3A_7 = tpu.memref_squeeze %dma_start3A_6 : memref<1x80x128xi32, #tpu.memory_space<hbm>> -> memref<80x128xi32, #tpu.memory_space<hbm>>
    tpu.enqueue_dma source(%dma_start3A_7 : memref<80x128xi32, #tpu.memory_space<hbm>>) target(%arg7 : memref<80x128xi32, #tpu.memory_space<vmem>>) target_semaphore(%arg14 : memref<!tpu.dma_semaphore, #tpu.memory_space<semaphore_mem>>)
    %dma_start3A_8 = arith.constant 0 : i32
    %dma_start3A_9 = arith.constant 0 : i32
    %dma_start3A_10 = tpu.memref_slice %arg4[%add3A, %dma_start3A_8, %dma_start3A_9] : memref<32x80x128xi32, #tpu.memory_space<hbm>> -> memref<1x80x128xi32, #tpu.memory_space<hbm>>
    %dma_start3A_11 = tpu.memref_squeeze %dma_start3A_10 : memref<1x80x128xi32, #tpu.memory_space<hbm>> -> memref<80x128xi32, #tpu.memory_space<hbm>>
    %dma_start3A_12 = arith.constant 0 : i32
    %dma_start3A_13 = arith.constant 0 : i32
    %dma_start3A_14 = tpu.memref_slice %arg4[%add3A, %dma_start3A_12, %dma_start3A_13] : memref<32x80x128xi32, #tpu.memory_space<hbm>> -> memref<1x80x128xi32, #tpu.memory_space<hbm>>
    %dma_start3A_15 = tpu.memref_squeeze %dma_start3A_14 : memref<1x80x128xi32, #tpu.memory_space<hbm>> -> memref<80x128xi32, #tpu.memory_space<hbm>>
    tpu.enqueue_dma source(%dma_start3A_15 : memref<80x128xi32, #tpu.memory_space<hbm>>) target(%arg8 : memref<80x128xi32, #tpu.memory_space<vmem>>) target_semaphore(%arg14 : memref<!tpu.dma_semaphore, #tpu.memory_space<semaphore_mem>>)
    %lt3A = arith.constant 15 : i32
    %lt3A_16 = arith.cmpi slt, %arg1, %lt3A : i32
    %convert_element_type3A = arith.extui %lt3A_16 : i1 to i32
    %cond3A = arith.constant 0 : i32
    %cond3A_17 = arith.cmpi ne, %convert_element_type3A, %cond3A : i32
    scf.if %cond3A_17 {
      %mul3A_81 = arith.constant 640 : i32
      %mul3A_82 = arith.muli %arg1, %mul3A_81 : i32
      %eq3A_83 = arith.constant 0 : i32
      %eq3A_84 = arith.cmpi eq, %arg0, %eq3A_83 : i32
      %convert_element_type3A_85 = arith.extui %eq3A_84 : i1 to i32
      %cond3A_86 = arith.constant 0 : i32
      %cond3A_87 = arith.cmpi ne, %convert_element_type3A_85, %cond3A_86 : i32
      scf.if %cond3A_87 {
        "tpu.region"() ({
          %run_scoped3A = tpu.sem_alloc : memref<!tpu.dma_semaphore, #tpu.memory_space<semaphore_mem>>
          %dma_start3A_93 = arith.constant 0 : i32
          %dma_start3A_94 = tpu.memref_slice %arg13[%mul3A_82, %dma_start3A_93] : memref<10512x64xf32, #tpu.memory_space<vmem_shared>> -> memref<640x64xf32, #tpu.memory_space<vmem_shared>>
          %dma_start3A_95 = arith.constant 0 : i32
          %dma_start3A_96 = tpu.memref_slice %arg2[%mul3A_82, %dma_start3A_95] : memref<10000x64xf32, #tpu.memory_space<hbm>> -> memref<640x64xf32, #tpu.memory_space<hbm>>
          tpu.enqueue_dma source(%dma_start3A_96 : memref<640x64xf32, #tpu.memory_space<hbm>>) target(%dma_start3A_94 : memref<640x64xf32, #tpu.memory_space<vmem_shared>>) target_semaphore(%run_scoped3A : memref<!tpu.dma_semaphore, #tpu.memory_space<semaphore_mem>>)
          %dma_wait3A_97 = arith.constant 0 : i32
          %dma_wait3A_98 = tpu.memref_slice %arg13[%mul3A_82, %dma_wait3A_97] : memref<10512x64xf32, #tpu.memory_space<vmem_shared>> -> memref<640x64xf32, #tpu.memory_space<vmem_shared>>
          %dma_wait3A_99 = arith.constant 0 : i32
          %dma_wait3A_100 = tpu.memref_slice %arg2[%mul3A_82, %dma_wait3A_99] : memref<10000x64xf32, #tpu.memory_space<hbm>> -> memref<640x64xf32, #tpu.memory_space<hbm>>
          tpu.wait_dma2 semaphore(%run_scoped3A : memref<!tpu.dma_semaphore, #tpu.memory_space<semaphore_mem>>) src(%dma_wait3A_100 : memref<640x64xf32, #tpu.memory_space<hbm>>) dst(%dma_wait3A_98 : memref<640x64xf32, #tpu.memory_space<vmem_shared>>)
          tpu.yield
        }) : () -> ()
      } else {
      }
      %eq3A_88 = arith.constant 1 : i32
      %eq3A_89 = arith.cmpi eq, %arg0, %eq3A_88 : i32
      %convert_element_type3A_90 = arith.extui %eq3A_89 : i1 to i32
      %cond3A_91 = arith.constant 0 : i32
      %cond3A_92 = arith.cmpi ne, %convert_element_type3A_90, %cond3A_91 : i32
      scf.if %cond3A_92 {
        "tpu.region"() ({
          %run_scoped3A = tpu.sem_alloc : memref<!tpu.dma_semaphore, #tpu.memory_space<semaphore_mem>>
          %dma_start3A_93 = arith.constant 0 : i32
          %dma_start3A_94 = tpu.memref_slice %arg13[%mul3A_82, %dma_start3A_93] : memref<10512x64xf32, #tpu.memory_space<vmem_shared>> -> memref<640x64xf32, #tpu.memory_space<vmem_shared>>
          %dma_start3A_95 = arith.constant 0 : i32
          %dma_start3A_96 = arith.constant 0 : i32
          %dma_start3A_97 = tpu.memref_slice %arg5[%dma_start3A_95, %dma_start3A_96] : memref<640x64xf32, #tpu.memory_space<hbm>> -> memref<640x64xf32, #tpu.memory_space<hbm>>
          tpu.enqueue_dma source(%dma_start3A_97 : memref<640x64xf32, #tpu.memory_space<hbm>>) target(%dma_start3A_94 : memref<640x64xf32, #tpu.memory_space<vmem_shared>>) target_semaphore(%run_scoped3A : memref<!tpu.dma_semaphore, #tpu.memory_space<semaphore_mem>>)
          %dma_wait3A_98 = arith.constant 0 : i32
          %dma_wait3A_99 = tpu.memref_slice %arg13[%mul3A_82, %dma_wait3A_98] : memref<10512x64xf32, #tpu.memory_space<vmem_shared>> -> memref<640x64xf32, #tpu.memory_space<vmem_shared>>
          %dma_wait3A_100 = arith.constant 0 : i32
          %dma_wait3A_101 = arith.constant 0 : i32
          %dma_wait3A_102 = tpu.memref_slice %arg5[%dma_wait3A_100, %dma_wait3A_101] : memref<640x64xf32, #tpu.memory_space<hbm>> -> memref<640x64xf32, #tpu.memory_space<hbm>>
          tpu.wait_dma2 semaphore(%run_scoped3A : memref<!tpu.dma_semaphore, #tpu.memory_space<semaphore_mem>>) src(%dma_wait3A_102 : memref<640x64xf32, #tpu.memory_space<hbm>>) dst(%dma_wait3A_99 : memref<640x64xf32, #tpu.memory_space<vmem_shared>>)
          tpu.yield
        }) : () -> ()
      } else {
      }
    } else {
    }
    %eq3A = arith.constant 15 : i32
    %eq3A_18 = arith.cmpi eq, %arg1, %eq3A : i32
    %convert_element_type3A_19 = arith.extui %eq3A_18 : i1 to i32
    %cond3A_20 = arith.constant 0 : i32
    %cond3A_21 = arith.cmpi ne, %convert_element_type3A_19, %cond3A_20 : i32
    scf.if %cond3A_21 {
      %eq3A_81 = arith.constant 0 : i32
      %eq3A_82 = arith.cmpi eq, %arg0, %eq3A_81 : i32
      %convert_element_type3A_83 = arith.extui %eq3A_82 : i1 to i32
      %cond3A_84 = arith.constant 0 : i32
      %cond3A_85 = arith.cmpi ne, %convert_element_type3A_83, %cond3A_84 : i32
      scf.if %cond3A_85 {
        "tpu.region"() ({
          %run_scoped3A = tpu.sem_alloc : memref<!tpu.dma_semaphore, #tpu.memory_space<semaphore_mem>>
          %dma_start3A_91 = arith.constant 9600 : i32
          %dma_start3A_92 = arith.constant 0 : i32
          %dma_start3A_93 = tpu.memref_slice %arg13[%dma_start3A_91, %dma_start3A_92] : memref<10512x64xf32, #tpu.memory_space<vmem_shared>> -> memref<400x64xf32, #tpu.memory_space<vmem_shared>>
          %dma_start3A_94 = arith.constant 9600 : i32
          %dma_start3A_95 = arith.constant 0 : i32
          %dma_start3A_96 = tpu.memref_slice %arg2[%dma_start3A_94, %dma_start3A_95] : memref<10000x64xf32, #tpu.memory_space<hbm>> -> memref<400x64xf32, #tpu.memory_space<hbm>>
          tpu.enqueue_dma source(%dma_start3A_96 : memref<400x64xf32, #tpu.memory_space<hbm>>) target(%dma_start3A_93 : memref<400x64xf32, #tpu.memory_space<vmem_shared>>) target_semaphore(%run_scoped3A : memref<!tpu.dma_semaphore, #tpu.memory_space<semaphore_mem>>)
          %dma_wait3A_97 = arith.constant 9600 : i32
          %dma_wait3A_98 = arith.constant 0 : i32
          %dma_wait3A_99 = tpu.memref_slice %arg13[%dma_wait3A_97, %dma_wait3A_98] : memref<10512x64xf32, #tpu.memory_space<vmem_shared>> -> memref<400x64xf32, #tpu.memory_space<vmem_shared>>
          %dma_wait3A_100 = arith.constant 9600 : i32
          %dma_wait3A_101 = arith.constant 0 : i32
          %dma_wait3A_102 = tpu.memref_slice %arg2[%dma_wait3A_100, %dma_wait3A_101] : memref<10000x64xf32, #tpu.memory_space<hbm>> -> memref<400x64xf32, #tpu.memory_space<hbm>>
          tpu.wait_dma2 semaphore(%run_scoped3A : memref<!tpu.dma_semaphore, #tpu.memory_space<semaphore_mem>>) src(%dma_wait3A_102 : memref<400x64xf32, #tpu.memory_space<hbm>>) dst(%dma_wait3A_99 : memref<400x64xf32, #tpu.memory_space<vmem_shared>>)
          tpu.yield
        }) : () -> ()
      } else {
      }
      %eq3A_86 = arith.constant 1 : i32
      %eq3A_87 = arith.cmpi eq, %arg0, %eq3A_86 : i32
      %convert_element_type3A_88 = arith.extui %eq3A_87 : i1 to i32
      %cond3A_89 = arith.constant 0 : i32
      %cond3A_90 = arith.cmpi ne, %convert_element_type3A_88, %cond3A_89 : i32
      scf.if %cond3A_90 {
        "tpu.region"() ({
          %run_scoped3A = tpu.sem_alloc : memref<!tpu.dma_semaphore, #tpu.memory_space<semaphore_mem>>
          %dma_start3A_91 = arith.constant 9600 : i32
          %dma_start3A_92 = arith.constant 0 : i32
          %dma_start3A_93 = tpu.memref_slice %arg13[%dma_start3A_91, %dma_start3A_92] : memref<10512x64xf32, #tpu.memory_space<vmem_shared>> -> memref<400x64xf32, #tpu.memory_space<vmem_shared>>
          %dma_start3A_94 = arith.constant 0 : i32
          %dma_start3A_95 = arith.constant 0 : i32
          %dma_start3A_96 = tpu.memref_slice %arg5[%dma_start3A_94, %dma_start3A_95] : memref<640x64xf32, #tpu.memory_space<hbm>> -> memref<400x64xf32, #tpu.memory_space<hbm>>
          tpu.enqueue_dma source(%dma_start3A_96 : memref<400x64xf32, #tpu.memory_space<hbm>>) target(%dma_start3A_93 : memref<400x64xf32, #tpu.memory_space<vmem_shared>>) target_semaphore(%run_scoped3A : memref<!tpu.dma_semaphore, #tpu.memory_space<semaphore_mem>>)
          %dma_wait3A_97 = arith.constant 9600 : i32
          %dma_wait3A_98 = arith.constant 0 : i32
          %dma_wait3A_99 = tpu.memref_slice %arg13[%dma_wait3A_97, %dma_wait3A_98] : memref<10512x64xf32, #tpu.memory_space<vmem_shared>> -> memref<400x64xf32, #tpu.memory_space<vmem_shared>>
          %dma_wait3A_100 = arith.constant 0 : i32
          %dma_wait3A_101 = arith.constant 0 : i32
          %dma_wait3A_102 = tpu.memref_slice %arg5[%dma_wait3A_100, %dma_wait3A_101] : memref<640x64xf32, #tpu.memory_space<hbm>> -> memref<400x64xf32, #tpu.memory_space<hbm>>
          tpu.wait_dma2 semaphore(%run_scoped3A : memref<!tpu.dma_semaphore, #tpu.memory_space<semaphore_mem>>) src(%dma_wait3A_102 : memref<400x64xf32, #tpu.memory_space<hbm>>) dst(%dma_wait3A_99 : memref<400x64xf32, #tpu.memory_space<vmem_shared>>)
          tpu.yield
        }) : () -> ()
      } else {
      }
    } else {
    }
    %dma_wait3A = arith.constant 0 : i32
    %dma_wait3A_22 = arith.constant 0 : i32
    %dma_wait3A_23 = tpu.memref_slice %arg3[%add3A, %dma_wait3A, %dma_wait3A_22] : memref<32x80x128xi32, #tpu.memory_space<hbm>> -> memref<1x80x128xi32, #tpu.memory_space<hbm>>
    %dma_wait3A_24 = tpu.memref_squeeze %dma_wait3A_23 : memref<1x80x128xi32, #tpu.memory_space<hbm>> -> memref<80x128xi32, #tpu.memory_space<hbm>>
    %dma_wait3A_25 = arith.constant 0 : i32
    %dma_wait3A_26 = arith.constant 0 : i32
    %dma_wait3A_27 = tpu.memref_slice %arg3[%add3A, %dma_wait3A_25, %dma_wait3A_26] : memref<32x80x128xi32, #tpu.memory_space<hbm>> -> memref<1x80x128xi32, #tpu.memory_space<hbm>>
    %dma_wait3A_28 = tpu.memref_squeeze %dma_wait3A_27 : memref<1x80x128xi32, #tpu.memory_space<hbm>> -> memref<80x128xi32, #tpu.memory_space<hbm>>
    tpu.wait_dma2 semaphore(%arg14 : memref<!tpu.dma_semaphore, #tpu.memory_space<semaphore_mem>>) src(%dma_wait3A_28 : memref<80x128xi32, #tpu.memory_space<hbm>>) dst(%arg7 : memref<80x128xi32, #tpu.memory_space<vmem>>)
    %dma_wait3A_29 = arith.constant 0 : i32
    %dma_wait3A_30 = arith.constant 0 : i32
    %dma_wait3A_31 = tpu.memref_slice %arg4[%add3A, %dma_wait3A_29, %dma_wait3A_30] : memref<32x80x128xi32, #tpu.memory_space<hbm>> -> memref<1x80x128xi32, #tpu.memory_space<hbm>>
    %dma_wait3A_32 = tpu.memref_squeeze %dma_wait3A_31 : memref<1x80x128xi32, #tpu.memory_space<hbm>> -> memref<80x128xi32, #tpu.memory_space<hbm>>
    %dma_wait3A_33 = arith.constant 0 : i32
    %dma_wait3A_34 = arith.constant 0 : i32
    %dma_wait3A_35 = tpu.memref_slice %arg4[%add3A, %dma_wait3A_33, %dma_wait3A_34] : memref<32x80x128xi32, #tpu.memory_space<hbm>> -> memref<1x80x128xi32, #tpu.memory_space<hbm>>
    %dma_wait3A_36 = tpu.memref_squeeze %dma_wait3A_35 : memref<1x80x128xi32, #tpu.memory_space<hbm>> -> memref<80x128xi32, #tpu.memory_space<hbm>>
    tpu.wait_dma2 semaphore(%arg14 : memref<!tpu.dma_semaphore, #tpu.memory_space<semaphore_mem>>) src(%dma_wait3A_36 : memref<80x128xi32, #tpu.memory_space<hbm>>) dst(%arg8 : memref<80x128xi32, #tpu.memory_space<vmem>>)
    %dma_start3A_37 = arith.constant 0 : i32
    %dma_start3A_38 = arith.constant 0 : i32
    %dma_start3A_39 = tpu.memref_slice %arg7[%dma_start3A_37, %dma_start3A_38] : memref<80x128xi32, #tpu.memory_space<vmem>> -> memref<1x128xi32, #tpu.memory_space<vmem>>
    %dma_start3A_40 = tpu.memref_squeeze %dma_start3A_39 : memref<1x128xi32, #tpu.memory_space<vmem>> -> memref<128xi32, #tpu.memory_space<vmem>>
    %dma_start3A_41 = arith.constant 0 : i32
    %dma_start3A_42 = arith.constant 0 : i32
    %dma_start3A_43 = tpu.memref_slice %arg2[%dma_start3A_41, %dma_start3A_42] : memref<10000x64xf32, #tpu.memory_space<hbm>> -> memref<10000x64xf32, #tpu.memory_space<hbm>>
    tpu.enqueue_indirect_dma source(%dma_start3A_43 : memref<10000x64xf32, #tpu.memory_space<hbm>>) target(%arg9 : memref<128x64xf32, #tpu.memory_space<vmem>>) offsets(%dma_start3A_40 : memref<128xi32, #tpu.memory_space<vmem>>) semaphore(%arg15 : memref<!tpu.dma_semaphore, #tpu.memory_space<semaphore_mem>>)
    %dma_start3A_44 = arith.constant 1 : i32
    %dma_start3A_45 = arith.constant 0 : i32
    %dma_start3A_46 = tpu.memref_slice %arg7[%dma_start3A_44, %dma_start3A_45] : memref<80x128xi32, #tpu.memory_space<vmem>> -> memref<1x128xi32, #tpu.memory_space<vmem>>
    %dma_start3A_47 = tpu.memref_squeeze %dma_start3A_46 : memref<1x128xi32, #tpu.memory_space<vmem>> -> memref<128xi32, #tpu.memory_space<vmem>>
    %dma_start3A_48 = arith.constant 0 : i32
    %dma_start3A_49 = arith.constant 0 : i32
    %dma_start3A_50 = tpu.memref_slice %arg2[%dma_start3A_48, %dma_start3A_49] : memref<10000x64xf32, #tpu.memory_space<hbm>> -> memref<10000x64xf32, #tpu.memory_space<hbm>>
    tpu.enqueue_indirect_dma source(%dma_start3A_50 : memref<10000x64xf32, #tpu.memory_space<hbm>>) target(%arg10 : memref<128x64xf32, #tpu.memory_space<vmem>>) offsets(%dma_start3A_47 : memref<128xi32, #tpu.memory_space<vmem>>) semaphore(%arg16 : memref<!tpu.dma_semaphore, #tpu.memory_space<semaphore_mem>>)
    %dma_start3A_51 = arith.constant 2 : i32
    %dma_start3A_52 = arith.constant 0 : i32
    %dma_start3A_53 = tpu.memref_slice %arg7[%dma_start3A_51, %dma_start3A_52] : memref<80x128xi32, #tpu.memory_space<vmem>> -> memref<1x128xi32, #tpu.memory_space<vmem>>
    %dma_start3A_54 = tpu.memref_squeeze %dma_start3A_53 : memref<1x128xi32, #tpu.memory_space<vmem>> -> memref<128xi32, #tpu.memory_space<vmem>>
    %dma_start3A_55 = arith.constant 0 : i32
    %dma_start3A_56 = arith.constant 0 : i32
    %dma_start3A_57 = tpu.memref_slice %arg2[%dma_start3A_55, %dma_start3A_56] : memref<10000x64xf32, #tpu.memory_space<hbm>> -> memref<10000x64xf32, #tpu.memory_space<hbm>>
    tpu.enqueue_indirect_dma source(%dma_start3A_57 : memref<10000x64xf32, #tpu.memory_space<hbm>>) target(%arg11 : memref<128x64xf32, #tpu.memory_space<vmem>>) offsets(%dma_start3A_54 : memref<128xi32, #tpu.memory_space<vmem>>) semaphore(%arg17 : memref<!tpu.dma_semaphore, #tpu.memory_space<semaphore_mem>>)
    %dma_start3A_58 = arith.constant 3 : i32
    %dma_start3A_59 = arith.constant 0 : i32
    %dma_start3A_60 = tpu.memref_slice %arg7[%dma_start3A_58, %dma_start3A_59] : memref<80x128xi32, #tpu.memory_space<vmem>> -> memref<1x128xi32, #tpu.memory_space<vmem>>
    %dma_start3A_61 = tpu.memref_squeeze %dma_start3A_60 : memref<1x128xi32, #tpu.memory_space<vmem>> -> memref<128xi32, #tpu.memory_space<vmem>>
    %dma_start3A_62 = arith.constant 0 : i32
    %dma_start3A_63 = arith.constant 0 : i32
    %dma_start3A_64 = tpu.memref_slice %arg2[%dma_start3A_62, %dma_start3A_63] : memref<10000x64xf32, #tpu.memory_space<hbm>> -> memref<10000x64xf32, #tpu.memory_space<hbm>>
    tpu.enqueue_indirect_dma source(%dma_start3A_64 : memref<10000x64xf32, #tpu.memory_space<hbm>>) target(%arg12 : memref<128x64xf32, #tpu.memory_space<vmem>>) offsets(%dma_start3A_61 : memref<128xi32, #tpu.memory_space<vmem>>) semaphore(%arg18 : memref<!tpu.dma_semaphore, #tpu.memory_space<semaphore_mem>>)
    %barrier3A = arith.constant 0 : index
    tpu.barrier barrier_id(%barrier3A)
    %scan3A = arith.constant 0 : i32
    %scan3A_65 = arith.constant 0 : i32
    %scan3A_66 = arith.constant 20 : i32
    %scan3A_67 = arith.addi %scan3A_65, %scan3A_66 : i32
    %scan3A_68 = arith.constant 1 : i32
    scf.for %scan3A_81 = %scan3A_65 to %scan3A_67 step %scan3A_68  : i32 {
      %mul3A_82 = arith.constant 4 : i32
      %mul3A_83 = arith.muli %mul3A_82, %scan3A_81 : i32
      %add3A_84 = arith.constant 0 : i32
      %add3A_85 = arith.addi %mul3A_83, %add3A_84 : i32
      %dma_wait3A_86 = arith.constant 0 : i32
      %dma_wait3A_87 = tpu.memref_slice %arg7[%add3A_85, %dma_wait3A_86] : memref<80x128xi32, #tpu.memory_space<vmem>> -> memref<1x128xi32, #tpu.memory_space<vmem>>
      %dma_wait3A_88 = tpu.memref_squeeze %dma_wait3A_87 : memref<1x128xi32, #tpu.memory_space<vmem>> -> memref<128xi32, #tpu.memory_space<vmem>>
      %dma_wait3A_89 = arith.constant 0 : i32
      %dma_wait3A_90 = arith.constant 0 : i32
      %dma_wait3A_91 = tpu.memref_slice %arg2[%dma_wait3A_89, %dma_wait3A_90] : memref<10000x64xf32, #tpu.memory_space<hbm>> -> memref<10000x64xf32, #tpu.memory_space<hbm>>
      tpu.wait_indirect_dma semaphore(%arg15 : memref<!tpu.dma_semaphore, #tpu.memory_space<semaphore_mem>>) src(%dma_wait3A_91 : memref<10000x64xf32, #tpu.memory_space<hbm>>) dst(%arg9 : memref<128x64xf32, #tpu.memory_space<vmem>>)
      "tpu.region"() ({
        %run_scoped3A = tpu.sem_alloc : memref<!tpu.dma_semaphore, #tpu.memory_space<semaphore_mem>>
        %dma_start3A_150 = arith.constant 0 : i32
        %dma_start3A_151 = tpu.memref_slice %arg8[%add3A_85, %dma_start3A_150] : memref<80x128xi32, #tpu.memory_space<vmem>> -> memref<1x128xi32, #tpu.memory_space<vmem>>
        %dma_start3A_152 = tpu.memref_squeeze %dma_start3A_151 : memref<1x128xi32, #tpu.memory_space<vmem>> -> memref<128xi32, #tpu.memory_space<vmem>>
        %dma_start3A_153 = arith.constant 0 : i32
        %dma_start3A_154 = arith.constant 0 : i32
        %dma_start3A_155 = tpu.memref_slice %arg13[%dma_start3A_153, %dma_start3A_154] : memref<10512x64xf32, #tpu.memory_space<vmem_shared>> -> memref<10512x64xf32, #tpu.memory_space<vmem_shared>>
        tpu.enqueue_indirect_dma source(%arg9 : memref<128x64xf32, #tpu.memory_space<vmem>>) target(%dma_start3A_155 : memref<10512x64xf32, #tpu.memory_space<vmem_shared>>) offsets(%dma_start3A_152 : memref<128xi32, #tpu.memory_space<vmem>>) semaphore(%run_scoped3A : memref<!tpu.dma_semaphore, #tpu.memory_space<semaphore_mem>>) {add = true}
        %dma_wait3A_156 = arith.constant 0 : i32
        %dma_wait3A_157 = tpu.memref_slice %arg8[%add3A_85, %dma_wait3A_156] : memref<80x128xi32, #tpu.memory_space<vmem>> -> memref<1x128xi32, #tpu.memory_space<vmem>>
        %dma_wait3A_158 = tpu.memref_squeeze %dma_wait3A_157 : memref<1x128xi32, #tpu.memory_space<vmem>> -> memref<128xi32, #tpu.memory_space<vmem>>
        %dma_wait3A_159 = arith.constant 0 : i32
        %dma_wait3A_160 = arith.constant 0 : i32
        %dma_wait3A_161 = tpu.memref_slice %arg13[%dma_wait3A_159, %dma_wait3A_160] : memref<10512x64xf32, #tpu.memory_space<vmem_shared>> -> memref<10512x64xf32, #tpu.memory_space<vmem_shared>>
        tpu.wait_indirect_dma semaphore(%run_scoped3A : memref<!tpu.dma_semaphore, #tpu.memory_space<semaphore_mem>>) src(%arg9 : memref<128x64xf32, #tpu.memory_space<vmem>>) dst(%dma_wait3A_161 : memref<10512x64xf32, #tpu.memory_space<vmem_shared>>)
        tpu.yield
      }) : () -> ()
      %add3A_92 = arith.constant 4 : i32
      %add3A_93 = arith.addi %add3A_85, %add3A_92 : i32
      %lt3A_94 = arith.constant 80 : i32
      %lt3A_95 = arith.cmpi slt, %add3A_93, %lt3A_94 : i32
      %convert_element_type3A_96 = arith.extui %lt3A_95 : i1 to i32
      %cond3A_97 = arith.constant 0 : i32
      %cond3A_98 = arith.cmpi ne, %convert_element_type3A_96, %cond3A_97 : i32
      scf.if %cond3A_98 {
        %add3A_150 = arith.constant 4 : i32
        %add3A_151 = arith.addi %add3A_85, %add3A_150 : i32
        %dma_start3A_152 = arith.constant 0 : i32
        %dma_start3A_153 = tpu.memref_slice %arg7[%add3A_151, %dma_start3A_152] : memref<80x128xi32, #tpu.memory_space<vmem>> -> memref<1x128xi32, #tpu.memory_space<vmem>>
        %dma_start3A_154 = tpu.memref_squeeze %dma_start3A_153 : memref<1x128xi32, #tpu.memory_space<vmem>> -> memref<128xi32, #tpu.memory_space<vmem>>
        %dma_start3A_155 = arith.constant 0 : i32
        %dma_start3A_156 = arith.constant 0 : i32
        %dma_start3A_157 = tpu.memref_slice %arg2[%dma_start3A_155, %dma_start3A_156] : memref<10000x64xf32, #tpu.memory_space<hbm>> -> memref<10000x64xf32, #tpu.memory_space<hbm>>
        tpu.enqueue_indirect_dma source(%dma_start3A_157 : memref<10000x64xf32, #tpu.memory_space<hbm>>) target(%arg9 : memref<128x64xf32, #tpu.memory_space<vmem>>) offsets(%dma_start3A_154 : memref<128xi32, #tpu.memory_space<vmem>>) semaphore(%arg15 : memref<!tpu.dma_semaphore, #tpu.memory_space<semaphore_mem>>)
      } else {
      }
      %mul3A_99 = arith.constant 4 : i32
      %mul3A_100 = arith.muli %mul3A_99, %scan3A_81 : i32
      %add3A_101 = arith.constant 1 : i32
      %add3A_102 = arith.addi %mul3A_100, %add3A_101 : i32
      %dma_wait3A_103 = arith.constant 0 : i32
      %dma_wait3A_104 = tpu.memref_slice %arg7[%add3A_102, %dma_wait3A_103] : memref<80x128xi32, #tpu.memory_space<vmem>> -> memref<1x128xi32, #tpu.memory_space<vmem>>
      %dma_wait3A_105 = tpu.memref_squeeze %dma_wait3A_104 : memref<1x128xi32, #tpu.memory_space<vmem>> -> memref<128xi32, #tpu.memory_space<vmem>>
      %dma_wait3A_106 = arith.constant 0 : i32
      %dma_wait3A_107 = arith.constant 0 : i32
      %dma_wait3A_108 = tpu.memref_slice %arg2[%dma_wait3A_106, %dma_wait3A_107] : memref<10000x64xf32, #tpu.memory_space<hbm>> -> memref<10000x64xf32, #tpu.memory_space<hbm>>
      tpu.wait_indirect_dma semaphore(%arg16 : memref<!tpu.dma_semaphore, #tpu.memory_space<semaphore_mem>>) src(%dma_wait3A_108 : memref<10000x64xf32, #tpu.memory_space<hbm>>) dst(%arg10 : memref<128x64xf32, #tpu.memory_space<vmem>>)
      "tpu.region"() ({
        %run_scoped3A = tpu.sem_alloc : memref<!tpu.dma_semaphore, #tpu.memory_space<semaphore_mem>>
        %dma_start3A_150 = arith.constant 0 : i32
        %dma_start3A_151 = tpu.memref_slice %arg8[%add3A_102, %dma_start3A_150] : memref<80x128xi32, #tpu.memory_space<vmem>> -> memref<1x128xi32, #tpu.memory_space<vmem>>
        %dma_start3A_152 = tpu.memref_squeeze %dma_start3A_151 : memref<1x128xi32, #tpu.memory_space<vmem>> -> memref<128xi32, #tpu.memory_space<vmem>>
        %dma_start3A_153 = arith.constant 0 : i32
        %dma_start3A_154 = arith.constant 0 : i32
        %dma_start3A_155 = tpu.memref_slice %arg13[%dma_start3A_153, %dma_start3A_154] : memref<10512x64xf32, #tpu.memory_space<vmem_shared>> -> memref<10512x64xf32, #tpu.memory_space<vmem_shared>>
        tpu.enqueue_indirect_dma source(%arg10 : memref<128x64xf32, #tpu.memory_space<vmem>>) target(%dma_start3A_155 : memref<10512x64xf32, #tpu.memory_space<vmem_shared>>) offsets(%dma_start3A_152 : memref<128xi32, #tpu.memory_space<vmem>>) semaphore(%run_scoped3A : memref<!tpu.dma_semaphore, #tpu.memory_space<semaphore_mem>>) {add = true}
        %dma_wait3A_156 = arith.constant 0 : i32
        %dma_wait3A_157 = tpu.memref_slice %arg8[%add3A_102, %dma_wait3A_156] : memref<80x128xi32, #tpu.memory_space<vmem>> -> memref<1x128xi32, #tpu.memory_space<vmem>>
        %dma_wait3A_158 = tpu.memref_squeeze %dma_wait3A_157 : memref<1x128xi32, #tpu.memory_space<vmem>> -> memref<128xi32, #tpu.memory_space<vmem>>
        %dma_wait3A_159 = arith.constant 0 : i32
        %dma_wait3A_160 = arith.constant 0 : i32
        %dma_wait3A_161 = tpu.memref_slice %arg13[%dma_wait3A_159, %dma_wait3A_160] : memref<10512x64xf32, #tpu.memory_space<vmem_shared>> -> memref<10512x64xf32, #tpu.memory_space<vmem_shared>>
        tpu.wait_indirect_dma semaphore(%run_scoped3A : memref<!tpu.dma_semaphore, #tpu.memory_space<semaphore_mem>>) src(%arg10 : memref<128x64xf32, #tpu.memory_space<vmem>>) dst(%dma_wait3A_161 : memref<10512x64xf32, #tpu.memory_space<vmem_shared>>)
        tpu.yield
      }) : () -> ()
      %add3A_109 = arith.constant 4 : i32
      %add3A_110 = arith.addi %add3A_102, %add3A_109 : i32
      %lt3A_111 = arith.constant 80 : i32
      %lt3A_112 = arith.cmpi slt, %add3A_110, %lt3A_111 : i32
      %convert_element_type3A_113 = arith.extui %lt3A_112 : i1 to i32
      %cond3A_114 = arith.constant 0 : i32
      %cond3A_115 = arith.cmpi ne, %convert_element_type3A_113, %cond3A_114 : i32
      scf.if %cond3A_115 {
        %add3A_150 = arith.constant 4 : i32
        %add3A_151 = arith.addi %add3A_102, %add3A_150 : i32
        %dma_start3A_152 = arith.constant 0 : i32
        %dma_start3A_153 = tpu.memref_slice %arg7[%add3A_151, %dma_start3A_152] : memref<80x128xi32, #tpu.memory_space<vmem>> -> memref<1x128xi32, #tpu.memory_space<vmem>>
        %dma_start3A_154 = tpu.memref_squeeze %dma_start3A_153 : memref<1x128xi32, #tpu.memory_space<vmem>> -> memref<128xi32, #tpu.memory_space<vmem>>
        %dma_start3A_155 = arith.constant 0 : i32
        %dma_start3A_156 = arith.constant 0 : i32
        %dma_start3A_157 = tpu.memref_slice %arg2[%dma_start3A_155, %dma_start3A_156] : memref<10000x64xf32, #tpu.memory_space<hbm>> -> memref<10000x64xf32, #tpu.memory_space<hbm>>
        tpu.enqueue_indirect_dma source(%dma_start3A_157 : memref<10000x64xf32, #tpu.memory_space<hbm>>) target(%arg10 : memref<128x64xf32, #tpu.memory_space<vmem>>) offsets(%dma_start3A_154 : memref<128xi32, #tpu.memory_space<vmem>>) semaphore(%arg16 : memref<!tpu.dma_semaphore, #tpu.memory_space<semaphore_mem>>)
      } else {
      }
      %mul3A_116 = arith.constant 4 : i32
      %mul3A_117 = arith.muli %mul3A_116, %scan3A_81 : i32
      %add3A_118 = arith.constant 2 : i32
      %add3A_119 = arith.addi %mul3A_117, %add3A_118 : i32
      %dma_wait3A_120 = arith.constant 0 : i32
      %dma_wait3A_121 = tpu.memref_slice %arg7[%add3A_119, %dma_wait3A_120] : memref<80x128xi32, #tpu.memory_space<vmem>> -> memref<1x128xi32, #tpu.memory_space<vmem>>
      %dma_wait3A_122 = tpu.memref_squeeze %dma_wait3A_121 : memref<1x128xi32, #tpu.memory_space<vmem>> -> memref<128xi32, #tpu.memory_space<vmem>>
      %dma_wait3A_123 = arith.constant 0 : i32
      %dma_wait3A_124 = arith.constant 0 : i32
      %dma_wait3A_125 = tpu.memref_slice %arg2[%dma_wait3A_123, %dma_wait3A_124] : memref<10000x64xf32, #tpu.memory_space<hbm>> -> memref<10000x64xf32, #tpu.memory_space<hbm>>
      tpu.wait_indirect_dma semaphore(%arg17 : memref<!tpu.dma_semaphore, #tpu.memory_space<semaphore_mem>>) src(%dma_wait3A_125 : memref<10000x64xf32, #tpu.memory_space<hbm>>) dst(%arg11 : memref<128x64xf32, #tpu.memory_space<vmem>>)
      "tpu.region"() ({
        %run_scoped3A = tpu.sem_alloc : memref<!tpu.dma_semaphore, #tpu.memory_space<semaphore_mem>>
        %dma_start3A_150 = arith.constant 0 : i32
        %dma_start3A_151 = tpu.memref_slice %arg8[%add3A_119, %dma_start3A_150] : memref<80x128xi32, #tpu.memory_space<vmem>> -> memref<1x128xi32, #tpu.memory_space<vmem>>
        %dma_start3A_152 = tpu.memref_squeeze %dma_start3A_151 : memref<1x128xi32, #tpu.memory_space<vmem>> -> memref<128xi32, #tpu.memory_space<vmem>>
        %dma_start3A_153 = arith.constant 0 : i32
        %dma_start3A_154 = arith.constant 0 : i32
        %dma_start3A_155 = tpu.memref_slice %arg13[%dma_start3A_153, %dma_start3A_154] : memref<10512x64xf32, #tpu.memory_space<vmem_shared>> -> memref<10512x64xf32, #tpu.memory_space<vmem_shared>>
        tpu.enqueue_indirect_dma source(%arg11 : memref<128x64xf32, #tpu.memory_space<vmem>>) target(%dma_start3A_155 : memref<10512x64xf32, #tpu.memory_space<vmem_shared>>) offsets(%dma_start3A_152 : memref<128xi32, #tpu.memory_space<vmem>>) semaphore(%run_scoped3A : memref<!tpu.dma_semaphore, #tpu.memory_space<semaphore_mem>>) {add = true}
        %dma_wait3A_156 = arith.constant 0 : i32
        %dma_wait3A_157 = tpu.memref_slice %arg8[%add3A_119, %dma_wait3A_156] : memref<80x128xi32, #tpu.memory_space<vmem>> -> memref<1x128xi32, #tpu.memory_space<vmem>>
        %dma_wait3A_158 = tpu.memref_squeeze %dma_wait3A_157 : memref<1x128xi32, #tpu.memory_space<vmem>> -> memref<128xi32, #tpu.memory_space<vmem>>
        %dma_wait3A_159 = arith.constant 0 : i32
        %dma_wait3A_160 = arith.constant 0 : i32
        %dma_wait3A_161 = tpu.memref_slice %arg13[%dma_wait3A_159, %dma_wait3A_160] : memref<10512x64xf32, #tpu.memory_space<vmem_shared>> -> memref<10512x64xf32, #tpu.memory_space<vmem_shared>>
        tpu.wait_indirect_dma semaphore(%run_scoped3A : memref<!tpu.dma_semaphore, #tpu.memory_space<semaphore_mem>>) src(%arg11 : memref<128x64xf32, #tpu.memory_space<vmem>>) dst(%dma_wait3A_161 : memref<10512x64xf32, #tpu.memory_space<vmem_shared>>)
        tpu.yield
      }) : () -> ()
      %add3A_126 = arith.constant 4 : i32
      %add3A_127 = arith.addi %add3A_119, %add3A_126 : i32
      %lt3A_128 = arith.constant 80 : i32
      %lt3A_129 = arith.cmpi slt, %add3A_127, %lt3A_128 : i32
      %convert_element_type3A_130 = arith.extui %lt3A_129 : i1 to i32
      %cond3A_131 = arith.constant 0 : i32
      %cond3A_132 = arith.cmpi ne, %convert_element_type3A_130, %cond3A_131 : i32
      scf.if %cond3A_132 {
        %add3A_150 = arith.constant 4 : i32
        %add3A_151 = arith.addi %add3A_119, %add3A_150 : i32
        %dma_start3A_152 = arith.constant 0 : i32
        %dma_start3A_153 = tpu.memref_slice %arg7[%add3A_151, %dma_start3A_152] : memref<80x128xi32, #tpu.memory_space<vmem>> -> memref<1x128xi32, #tpu.memory_space<vmem>>
        %dma_start3A_154 = tpu.memref_squeeze %dma_start3A_153 : memref<1x128xi32, #tpu.memory_space<vmem>> -> memref<128xi32, #tpu.memory_space<vmem>>
        %dma_start3A_155 = arith.constant 0 : i32
        %dma_start3A_156 = arith.constant 0 : i32
        %dma_start3A_157 = tpu.memref_slice %arg2[%dma_start3A_155, %dma_start3A_156] : memref<10000x64xf32, #tpu.memory_space<hbm>> -> memref<10000x64xf32, #tpu.memory_space<hbm>>
        tpu.enqueue_indirect_dma source(%dma_start3A_157 : memref<10000x64xf32, #tpu.memory_space<hbm>>) target(%arg11 : memref<128x64xf32, #tpu.memory_space<vmem>>) offsets(%dma_start3A_154 : memref<128xi32, #tpu.memory_space<vmem>>) semaphore(%arg17 : memref<!tpu.dma_semaphore, #tpu.memory_space<semaphore_mem>>)
      } else {
      }
      %mul3A_133 = arith.constant 4 : i32
      %mul3A_134 = arith.muli %mul3A_133, %scan3A_81 : i32
      %add3A_135 = arith.constant 3 : i32
      %add3A_136 = arith.addi %mul3A_134, %add3A_135 : i32
      %dma_wait3A_137 = arith.constant 0 : i32
      %dma_wait3A_138 = tpu.memref_slice %arg7[%add3A_136, %dma_wait3A_137] : memref<80x128xi32, #tpu.memory_space<vmem>> -> memref<1x128xi32, #tpu.memory_space<vmem>>
      %dma_wait3A_139 = tpu.memref_squeeze %dma_wait3A_138 : memref<1x128xi32, #tpu.memory_space<vmem>> -> memref<128xi32, #tpu.memory_space<vmem>>
      %dma_wait3A_140 = arith.constant 0 : i32
      %dma_wait3A_141 = arith.constant 0 : i32
      %dma_wait3A_142 = tpu.memref_slice %arg2[%dma_wait3A_140, %dma_wait3A_141] : memref<10000x64xf32, #tpu.memory_space<hbm>> -> memref<10000x64xf32, #tpu.memory_space<hbm>>
      tpu.wait_indirect_dma semaphore(%arg18 : memref<!tpu.dma_semaphore, #tpu.memory_space<semaphore_mem>>) src(%dma_wait3A_142 : memref<10000x64xf32, #tpu.memory_space<hbm>>) dst(%arg12 : memref<128x64xf32, #tpu.memory_space<vmem>>)
      "tpu.region"() ({
        %run_scoped3A = tpu.sem_alloc : memref<!tpu.dma_semaphore, #tpu.memory_space<semaphore_mem>>
        %dma_start3A_150 = arith.constant 0 : i32
        %dma_start3A_151 = tpu.memref_slice %arg8[%add3A_136, %dma_start3A_150] : memref<80x128xi32, #tpu.memory_space<vmem>> -> memref<1x128xi32, #tpu.memory_space<vmem>>
        %dma_start3A_152 = tpu.memref_squeeze %dma_start3A_151 : memref<1x128xi32, #tpu.memory_space<vmem>> -> memref<128xi32, #tpu.memory_space<vmem>>
        %dma_start3A_153 = arith.constant 0 : i32
        %dma_start3A_154 = arith.constant 0 : i32
        %dma_start3A_155 = tpu.memref_slice %arg13[%dma_start3A_153, %dma_start3A_154] : memref<10512x64xf32, #tpu.memory_space<vmem_shared>> -> memref<10512x64xf32, #tpu.memory_space<vmem_shared>>
        tpu.enqueue_indirect_dma source(%arg12 : memref<128x64xf32, #tpu.memory_space<vmem>>) target(%dma_start3A_155 : memref<10512x64xf32, #tpu.memory_space<vmem_shared>>) offsets(%dma_start3A_152 : memref<128xi32, #tpu.memory_space<vmem>>) semaphore(%run_scoped3A : memref<!tpu.dma_semaphore, #tpu.memory_space<semaphore_mem>>) {add = true}
        %dma_wait3A_156 = arith.constant 0 : i32
        %dma_wait3A_157 = tpu.memref_slice %arg8[%add3A_136, %dma_wait3A_156] : memref<80x128xi32, #tpu.memory_space<vmem>> -> memref<1x128xi32, #tpu.memory_space<vmem>>
        %dma_wait3A_158 = tpu.memref_squeeze %dma_wait3A_157 : memref<1x128xi32, #tpu.memory_space<vmem>> -> memref<128xi32, #tpu.memory_space<vmem>>
        %dma_wait3A_159 = arith.constant 0 : i32
        %dma_wait3A_160 = arith.constant 0 : i32
        %dma_wait3A_161 = tpu.memref_slice %arg13[%dma_wait3A_159, %dma_wait3A_160] : memref<10512x64xf32, #tpu.memory_space<vmem_shared>> -> memref<10512x64xf32, #tpu.memory_space<vmem_shared>>
        tpu.wait_indirect_dma semaphore(%run_scoped3A : memref<!tpu.dma_semaphore, #tpu.memory_space<semaphore_mem>>) src(%arg12 : memref<128x64xf32, #tpu.memory_space<vmem>>) dst(%dma_wait3A_161 : memref<10512x64xf32, #tpu.memory_space<vmem_shared>>)
        tpu.yield
      }) : () -> ()
      %add3A_143 = arith.constant 4 : i32
      %add3A_144 = arith.addi %add3A_136, %add3A_143 : i32
      %lt3A_145 = arith.constant 80 : i32
      %lt3A_146 = arith.cmpi slt, %add3A_144, %lt3A_145 : i32
      %convert_element_type3A_147 = arith.extui %lt3A_146 : i1 to i32
      %cond3A_148 = arith.constant 0 : i32
      %cond3A_149 = arith.cmpi ne, %convert_element_type3A_147, %cond3A_148 : i32
      scf.if %cond3A_149 {
        %add3A_150 = arith.constant 4 : i32
        %add3A_151 = arith.addi %add3A_136, %add3A_150 : i32
        %dma_start3A_152 = arith.constant 0 : i32
        %dma_start3A_153 = tpu.memref_slice %arg7[%add3A_151, %dma_start3A_152] : memref<80x128xi32, #tpu.memory_space<vmem>> -> memref<1x128xi32, #tpu.memory_space<vmem>>
        %dma_start3A_154 = tpu.memref_squeeze %dma_start3A_153 : memref<1x128xi32, #tpu.memory_space<vmem>> -> memref<128xi32, #tpu.memory_space<vmem>>
        %dma_start3A_155 = arith.constant 0 : i32
        %dma_start3A_156 = arith.constant 0 : i32
        %dma_start3A_157 = tpu.memref_slice %arg2[%dma_start3A_155, %dma_start3A_156] : memref<10000x64xf32, #tpu.memory_space<hbm>> -> memref<10000x64xf32, #tpu.memory_space<hbm>>
        tpu.enqueue_indirect_dma source(%dma_start3A_157 : memref<10000x64xf32, #tpu.memory_space<hbm>>) target(%arg12 : memref<128x64xf32, #tpu.memory_space<vmem>>) offsets(%dma_start3A_154 : memref<128xi32, #tpu.memory_space<vmem>>) semaphore(%arg18 : memref<!tpu.dma_semaphore, #tpu.memory_space<semaphore_mem>>)
      } else {
      }
    }
    %scan3A_69 = arith.constant 20 : i32
    %barrier3A_70 = arith.constant 0 : index
    tpu.barrier barrier_id(%barrier3A_70)
    %lt3A_71 = arith.constant 15 : i32
    %lt3A_72 = arith.cmpi slt, %arg1, %lt3A_71 : i32
    %convert_element_type3A_73 = arith.extui %lt3A_72 : i1 to i32
    %cond3A_74 = arith.constant 0 : i32
    %cond3A_75 = arith.cmpi ne, %convert_element_type3A_73, %cond3A_74 : i32
    scf.if %cond3A_75 {
      %mul3A_81 = arith.constant 640 : i32
      %mul3A_82 = arith.muli %arg1, %mul3A_81 : i32
      "tpu.region"() ({
        %run_scoped3A = tpu.sem_alloc : memref<!tpu.dma_semaphore, #tpu.memory_space<semaphore_mem>>
        %dma_start3A_83 = arith.constant 0 : i32
        %dma_start3A_84 = tpu.memref_slice %arg6[%arg0, %mul3A_82, %dma_start3A_83] : memref<2x10000x64xf32, #tpu.memory_space<hbm>> -> memref<1x640x64xf32, #tpu.memory_space<hbm>>
        %dma_start3A_85 = tpu.memref_squeeze %dma_start3A_84 : memref<1x640x64xf32, #tpu.memory_space<hbm>> -> memref<640x64xf32, #tpu.memory_space<hbm>>
        %dma_start3A_86 = arith.constant 0 : i32
        %dma_start3A_87 = tpu.memref_slice %arg13[%mul3A_82, %dma_start3A_86] : memref<10512x64xf32, #tpu.memory_space<vmem_shared>> -> memref<640x64xf32, #tpu.memory_space<vmem_shared>>
        tpu.enqueue_dma source(%dma_start3A_87 : memref<640x64xf32, #tpu.memory_space<vmem_shared>>) target(%dma_start3A_85 : memref<640x64xf32, #tpu.memory_space<hbm>>) target_semaphore(%run_scoped3A : memref<!tpu.dma_semaphore, #tpu.memory_space<semaphore_mem>>)
        %dma_wait3A_88 = arith.constant 0 : i32
        %dma_wait3A_89 = tpu.memref_slice %arg6[%arg0, %mul3A_82, %dma_wait3A_88] : memref<2x10000x64xf32, #tpu.memory_space<hbm>> -> memref<1x640x64xf32, #tpu.memory_space<hbm>>
        %dma_wait3A_90 = tpu.memref_squeeze %dma_wait3A_89 : memref<1x640x64xf32, #tpu.memory_space<hbm>> -> memref<640x64xf32, #tpu.memory_space<hbm>>
        %dma_wait3A_91 = arith.constant 0 : i32
        %dma_wait3A_92 = tpu.memref_slice %arg13[%mul3A_82, %dma_wait3A_91] : memref<10512x64xf32, #tpu.memory_space<vmem_shared>> -> memref<640x64xf32, #tpu.memory_space<vmem_shared>>
        tpu.wait_dma2 semaphore(%run_scoped3A : memref<!tpu.dma_semaphore, #tpu.memory_space<semaphore_mem>>) src(%dma_wait3A_92 : memref<640x64xf32, #tpu.memory_space<vmem_shared>>) dst(%dma_wait3A_90 : memref<640x64xf32, #tpu.memory_space<hbm>>)
        tpu.yield
      }) : () -> ()
    } else {
    }
    %eq3A_76 = arith.constant 15 : i32
    %eq3A_77 = arith.cmpi eq, %arg1, %eq3A_76 : i32
    %convert_element_type3A_78 = arith.extui %eq3A_77 : i1 to i32
    %cond3A_79 = arith.constant 0 : i32
    %cond3A_80 = arith.cmpi ne, %convert_element_type3A_78, %cond3A_79 : i32
    scf.if %cond3A_80 {
      "tpu.region"() ({
        %run_scoped3A = tpu.sem_alloc : memref<!tpu.dma_semaphore, #tpu.memory_space<semaphore_mem>>
        %dma_start3A_81 = arith.constant 9600 : i32
        %dma_start3A_82 = arith.constant 0 : i32
        %dma_start3A_83 = tpu.memref_slice %arg6[%arg0, %dma_start3A_81, %dma_start3A_82] : memref<2x10000x64xf32, #tpu.memory_space<hbm>> -> memref<1x400x64xf32, #tpu.memory_space<hbm>>
        %dma_start3A_84 = tpu.memref_squeeze %dma_start3A_83 : memref<1x400x64xf32, #tpu.memory_space<hbm>> -> memref<400x64xf32, #tpu.memory_space<hbm>>
        %dma_start3A_85 = arith.constant 9600 : i32
        %dma_start3A_86 = arith.constant 0 : i32
        %dma_start3A_87 = tpu.memref_slice %arg13[%dma_start3A_85, %dma_start3A_86] : memref<10512x64xf32, #tpu.memory_space<vmem_shared>> -> memref<400x64xf32, #tpu.memory_space<vmem_shared>>
        tpu.enqueue_dma source(%dma_start3A_87 : memref<400x64xf32, #tpu.memory_space<vmem_shared>>) target(%dma_start3A_84 : memref<400x64xf32, #tpu.memory_space<hbm>>) target_semaphore(%run_scoped3A : memref<!tpu.dma_semaphore, #tpu.memory_space<semaphore_mem>>)
        %dma_wait3A_88 = arith.constant 9600 : i32
        %dma_wait3A_89 = arith.constant 0 : i32
        %dma_wait3A_90 = tpu.memref_slice %arg6[%arg0, %dma_wait3A_88, %dma_wait3A_89] : memref<2x10000x64xf32, #tpu.memory_space<hbm>> -> memref<1x400x64xf32, #tpu.memory_space<hbm>>
        %dma_wait3A_91 = tpu.memref_squeeze %dma_wait3A_90 : memref<1x400x64xf32, #tpu.memory_space<hbm>> -> memref<400x64xf32, #tpu.memory_space<hbm>>
        %dma_wait3A_92 = arith.constant 9600 : i32
        %dma_wait3A_93 = arith.constant 0 : i32
        %dma_wait3A_94 = tpu.memref_slice %arg13[%dma_wait3A_92, %dma_wait3A_93] : memref<10512x64xf32, #tpu.memory_space<vmem_shared>> -> memref<400x64xf32, #tpu.memory_space<vmem_shared>>
        tpu.wait_dma2 semaphore(%run_scoped3A : memref<!tpu.dma_semaphore, #tpu.memory_space<semaphore_mem>>) src(%dma_wait3A_94 : memref<400x64xf32, #tpu.memory_space<vmem_shared>>) dst(%dma_wait3A_91 : memref<400x64xf32, #tpu.memory_space<hbm>>)
        tpu.yield
      }) : () -> ()
    } else {
    }
    return
  }
}

#map = affine_map<(d0, d1) -> (0, 0)>
#map1 = affine_map<(d0, d1) -> (0, 0, 0)>
module attributes {stable_mosaic.version = 14 : i64} {
  func.func @_sc_aggregate(%arg0: i32, %arg1: i32, %arg2: memref<10000x64xf32, #tpu.memory_space<hbm>>, %arg3: memref<32x80x128xi32, #tpu.memory_space<hbm>>, %arg4: memref<32x80x128xi32, #tpu.memory_space<hbm>>, %arg5: memref<640x64xf32, #tpu.memory_space<hbm>>, %arg6: memref<2x10000x64xf32, #tpu.memory_space<hbm>>, %arg7: memref<80x128xi32, #tpu.memory_space<vmem>>, %arg8: memref<80x128xi32, #tpu.memory_space<vmem>>, %arg9: memref<128x64xf32, #tpu.memory_space<vmem>>, %arg10: memref<128x64xf32, #tpu.memory_space<vmem>>, %arg11: memref<128x64xf32, #tpu.memory_space<vmem>>, %arg12: memref<128x64xf32, #tpu.memory_space<vmem>>, %arg13: memref<10512x64xf32, #tpu.memory_space<vmem_shared>>, %arg14: memref<!tpu.dma_semaphore, #tpu.memory_space<semaphore_mem>>, %arg15: memref<!tpu.dma_semaphore, #tpu.memory_space<semaphore_mem>>, %arg16: memref<!tpu.dma_semaphore, #tpu.memory_space<semaphore_mem>>, %arg17: memref<!tpu.dma_semaphore, #tpu.memory_space<semaphore_mem>>, %arg18: memref<!tpu.dma_semaphore, #tpu.memory_space<semaphore_mem>>) attributes {dimension_semantics = [#tpu.dimension_semantics<core_parallel>, #tpu.dimension_semantics<subcore_parallel>], iteration_bounds = array<i64: 2, 16>, scalar_prefetch = 0 : i64, scratch_operands = 12 : i64, tpu.core_type = #tpu.core_type<sc_vector_subcore>, window_params = [{transform_indices = #map}, {transform_indices = #map1}, {transform_indices = #map1}, {transform_indices = #map}, {transform_indices = #map1}]} {
    %mul3A = arith.constant 2 : i32
    %mul3A_0 = arith.muli %arg1, %mul3A : i32
    %add3A = arith.addi %mul3A_0, %arg0 : i32
    %dma_start3A = arith.constant 0 : i32
    %dma_start3A_1 = arith.constant 0 : i32
    %dma_start3A_2 = tpu.memref_slice %arg3[%add3A, %dma_start3A, %dma_start3A_1] : memref<32x80x128xi32, #tpu.memory_space<hbm>> -> memref<1x80x128xi32, #tpu.memory_space<hbm>>
    %dma_start3A_3 = tpu.memref_squeeze %dma_start3A_2 : memref<1x80x128xi32, #tpu.memory_space<hbm>> -> memref<80x128xi32, #tpu.memory_space<hbm>>
    %dma_start3A_4 = arith.constant 0 : i32
    %dma_start3A_5 = arith.constant 0 : i32
    %dma_start3A_6 = tpu.memref_slice %arg3[%add3A, %dma_start3A_4, %dma_start3A_5] : memref<32x80x128xi32, #tpu.memory_space<hbm>> -> memref<1x80x128xi32, #tpu.memory_space<hbm>>
    %dma_start3A_7 = tpu.memref_squeeze %dma_start3A_6 : memref<1x80x128xi32, #tpu.memory_space<hbm>> -> memref<80x128xi32, #tpu.memory_space<hbm>>
    tpu.enqueue_dma source(%dma_start3A_7 : memref<80x128xi32, #tpu.memory_space<hbm>>) target(%arg7 : memref<80x128xi32, #tpu.memory_space<vmem>>) target_semaphore(%arg14 : memref<!tpu.dma_semaphore, #tpu.memory_space<semaphore_mem>>)
    %dma_start3A_8 = arith.constant 0 : i32
    %dma_start3A_9 = arith.constant 0 : i32
    %dma_start3A_10 = tpu.memref_slice %arg4[%add3A, %dma_start3A_8, %dma_start3A_9] : memref<32x80x128xi32, #tpu.memory_space<hbm>> -> memref<1x80x128xi32, #tpu.memory_space<hbm>>
    %dma_start3A_11 = tpu.memref_squeeze %dma_start3A_10 : memref<1x80x128xi32, #tpu.memory_space<hbm>> -> memref<80x128xi32, #tpu.memory_space<hbm>>
    %dma_start3A_12 = arith.constant 0 : i32
    %dma_start3A_13 = arith.constant 0 : i32
    %dma_start3A_14 = tpu.memref_slice %arg4[%add3A, %dma_start3A_12, %dma_start3A_13] : memref<32x80x128xi32, #tpu.memory_space<hbm>> -> memref<1x80x128xi32, #tpu.memory_space<hbm>>
    %dma_start3A_15 = tpu.memref_squeeze %dma_start3A_14 : memref<1x80x128xi32, #tpu.memory_space<hbm>> -> memref<80x128xi32, #tpu.memory_space<hbm>>
    tpu.enqueue_dma source(%dma_start3A_15 : memref<80x128xi32, #tpu.memory_space<hbm>>) target(%arg8 : memref<80x128xi32, #tpu.memory_space<vmem>>) target_semaphore(%arg14 : memref<!tpu.dma_semaphore, #tpu.memory_space<semaphore_mem>>)
    %lt3A = arith.constant 15 : i32
    %lt3A_16 = arith.cmpi slt, %arg1, %lt3A : i32
    %convert_element_type3A = arith.extui %lt3A_16 : i1 to i32
    %cond3A = arith.constant 0 : i32
    %cond3A_17 = arith.cmpi ne, %convert_element_type3A, %cond3A : i32
    scf.if %cond3A_17 {
      %mul3A_81 = arith.constant 640 : i32
      %mul3A_82 = arith.muli %arg1, %mul3A_81 : i32
      %eq3A_83 = arith.constant 0 : i32
      %eq3A_84 = arith.cmpi eq, %arg0, %eq3A_83 : i32
      %convert_element_type3A_85 = arith.extui %eq3A_84 : i1 to i32
      %cond3A_86 = arith.constant 0 : i32
      %cond3A_87 = arith.cmpi ne, %convert_element_type3A_85, %cond3A_86 : i32
      scf.if %cond3A_87 {
        "tpu.region"() ({
          %run_scoped3A = tpu.sem_alloc : memref<!tpu.dma_semaphore, #tpu.memory_space<semaphore_mem>>
          %dma_start3A_93 = arith.constant 0 : i32
          %dma_start3A_94 = tpu.memref_slice %arg13[%mul3A_82, %dma_start3A_93] : memref<10512x64xf32, #tpu.memory_space<vmem_shared>> -> memref<640x64xf32, #tpu.memory_space<vmem_shared>>
          %dma_start3A_95 = arith.constant 0 : i32
          %dma_start3A_96 = tpu.memref_slice %arg2[%mul3A_82, %dma_start3A_95] : memref<10000x64xf32, #tpu.memory_space<hbm>> -> memref<640x64xf32, #tpu.memory_space<hbm>>
          tpu.enqueue_dma source(%dma_start3A_96 : memref<640x64xf32, #tpu.memory_space<hbm>>) target(%dma_start3A_94 : memref<640x64xf32, #tpu.memory_space<vmem_shared>>) target_semaphore(%run_scoped3A : memref<!tpu.dma_semaphore, #tpu.memory_space<semaphore_mem>>)
          %dma_wait3A_97 = arith.constant 0 : i32
          %dma_wait3A_98 = tpu.memref_slice %arg13[%mul3A_82, %dma_wait3A_97] : memref<10512x64xf32, #tpu.memory_space<vmem_shared>> -> memref<640x64xf32, #tpu.memory_space<vmem_shared>>
          %dma_wait3A_99 = arith.constant 0 : i32
          %dma_wait3A_100 = tpu.memref_slice %arg2[%mul3A_82, %dma_wait3A_99] : memref<10000x64xf32, #tpu.memory_space<hbm>> -> memref<640x64xf32, #tpu.memory_space<hbm>>
          tpu.wait_dma2 semaphore(%run_scoped3A : memref<!tpu.dma_semaphore, #tpu.memory_space<semaphore_mem>>) src(%dma_wait3A_100 : memref<640x64xf32, #tpu.memory_space<hbm>>) dst(%dma_wait3A_98 : memref<640x64xf32, #tpu.memory_space<vmem_shared>>)
          tpu.yield
        }) : () -> ()
      } else {
      }
      %eq3A_88 = arith.constant 1 : i32
      %eq3A_89 = arith.cmpi eq, %arg0, %eq3A_88 : i32
      %convert_element_type3A_90 = arith.extui %eq3A_89 : i1 to i32
      %cond3A_91 = arith.constant 0 : i32
      %cond3A_92 = arith.cmpi ne, %convert_element_type3A_90, %cond3A_91 : i32
      scf.if %cond3A_92 {
        "tpu.region"() ({
          %run_scoped3A = tpu.sem_alloc : memref<!tpu.dma_semaphore, #tpu.memory_space<semaphore_mem>>
          %dma_start3A_93 = arith.constant 0 : i32
          %dma_start3A_94 = tpu.memref_slice %arg13[%mul3A_82, %dma_start3A_93] : memref<10512x64xf32, #tpu.memory_space<vmem_shared>> -> memref<640x64xf32, #tpu.memory_space<vmem_shared>>
          %dma_start3A_95 = arith.constant 0 : i32
          %dma_start3A_96 = arith.constant 0 : i32
          %dma_start3A_97 = tpu.memref_slice %arg5[%dma_start3A_95, %dma_start3A_96] : memref<640x64xf32, #tpu.memory_space<hbm>> -> memref<640x64xf32, #tpu.memory_space<hbm>>
          tpu.enqueue_dma source(%dma_start3A_97 : memref<640x64xf32, #tpu.memory_space<hbm>>) target(%dma_start3A_94 : memref<640x64xf32, #tpu.memory_space<vmem_shared>>) target_semaphore(%run_scoped3A : memref<!tpu.dma_semaphore, #tpu.memory_space<semaphore_mem>>)
          %dma_wait3A_98 = arith.constant 0 : i32
          %dma_wait3A_99 = tpu.memref_slice %arg13[%mul3A_82, %dma_wait3A_98] : memref<10512x64xf32, #tpu.memory_space<vmem_shared>> -> memref<640x64xf32, #tpu.memory_space<vmem_shared>>
          %dma_wait3A_100 = arith.constant 0 : i32
          %dma_wait3A_101 = arith.constant 0 : i32
          %dma_wait3A_102 = tpu.memref_slice %arg5[%dma_wait3A_100, %dma_wait3A_101] : memref<640x64xf32, #tpu.memory_space<hbm>> -> memref<640x64xf32, #tpu.memory_space<hbm>>
          tpu.wait_dma2 semaphore(%run_scoped3A : memref<!tpu.dma_semaphore, #tpu.memory_space<semaphore_mem>>) src(%dma_wait3A_102 : memref<640x64xf32, #tpu.memory_space<hbm>>) dst(%dma_wait3A_99 : memref<640x64xf32, #tpu.memory_space<vmem_shared>>)
          tpu.yield
        }) : () -> ()
      } else {
      }
    } else {
    }
    %eq3A = arith.constant 15 : i32
    %eq3A_18 = arith.cmpi eq, %arg1, %eq3A : i32
    %convert_element_type3A_19 = arith.extui %eq3A_18 : i1 to i32
    %cond3A_20 = arith.constant 0 : i32
    %cond3A_21 = arith.cmpi ne, %convert_element_type3A_19, %cond3A_20 : i32
    scf.if %cond3A_21 {
      %eq3A_81 = arith.constant 0 : i32
      %eq3A_82 = arith.cmpi eq, %arg0, %eq3A_81 : i32
      %convert_element_type3A_83 = arith.extui %eq3A_82 : i1 to i32
      %cond3A_84 = arith.constant 0 : i32
      %cond3A_85 = arith.cmpi ne, %convert_element_type3A_83, %cond3A_84 : i32
      scf.if %cond3A_85 {
        "tpu.region"() ({
          %run_scoped3A = tpu.sem_alloc : memref<!tpu.dma_semaphore, #tpu.memory_space<semaphore_mem>>
          %dma_start3A_91 = arith.constant 9600 : i32
          %dma_start3A_92 = arith.constant 0 : i32
          %dma_start3A_93 = tpu.memref_slice %arg13[%dma_start3A_91, %dma_start3A_92] : memref<10512x64xf32, #tpu.memory_space<vmem_shared>> -> memref<400x64xf32, #tpu.memory_space<vmem_shared>>
          %dma_start3A_94 = arith.constant 9600 : i32
          %dma_start3A_95 = arith.constant 0 : i32
          %dma_start3A_96 = tpu.memref_slice %arg2[%dma_start3A_94, %dma_start3A_95] : memref<10000x64xf32, #tpu.memory_space<hbm>> -> memref<400x64xf32, #tpu.memory_space<hbm>>
          tpu.enqueue_dma source(%dma_start3A_96 : memref<400x64xf32, #tpu.memory_space<hbm>>) target(%dma_start3A_93 : memref<400x64xf32, #tpu.memory_space<vmem_shared>>) target_semaphore(%run_scoped3A : memref<!tpu.dma_semaphore, #tpu.memory_space<semaphore_mem>>)
          %dma_wait3A_97 = arith.constant 9600 : i32
          %dma_wait3A_98 = arith.constant 0 : i32
          %dma_wait3A_99 = tpu.memref_slice %arg13[%dma_wait3A_97, %dma_wait3A_98] : memref<10512x64xf32, #tpu.memory_space<vmem_shared>> -> memref<400x64xf32, #tpu.memory_space<vmem_shared>>
          %dma_wait3A_100 = arith.constant 9600 : i32
          %dma_wait3A_101 = arith.constant 0 : i32
          %dma_wait3A_102 = tpu.memref_slice %arg2[%dma_wait3A_100, %dma_wait3A_101] : memref<10000x64xf32, #tpu.memory_space<hbm>> -> memref<400x64xf32, #tpu.memory_space<hbm>>
          tpu.wait_dma2 semaphore(%run_scoped3A : memref<!tpu.dma_semaphore, #tpu.memory_space<semaphore_mem>>) src(%dma_wait3A_102 : memref<400x64xf32, #tpu.memory_space<hbm>>) dst(%dma_wait3A_99 : memref<400x64xf32, #tpu.memory_space<vmem_shared>>)
          tpu.yield
        }) : () -> ()
      } else {
      }
      %eq3A_86 = arith.constant 1 : i32
      %eq3A_87 = arith.cmpi eq, %arg0, %eq3A_86 : i32
      %convert_element_type3A_88 = arith.extui %eq3A_87 : i1 to i32
      %cond3A_89 = arith.constant 0 : i32
      %cond3A_90 = arith.cmpi ne, %convert_element_type3A_88, %cond3A_89 : i32
      scf.if %cond3A_90 {
        "tpu.region"() ({
          %run_scoped3A = tpu.sem_alloc : memref<!tpu.dma_semaphore, #tpu.memory_space<semaphore_mem>>
          %dma_start3A_91 = arith.constant 9600 : i32
          %dma_start3A_92 = arith.constant 0 : i32
          %dma_start3A_93 = tpu.memref_slice %arg13[%dma_start3A_91, %dma_start3A_92] : memref<10512x64xf32, #tpu.memory_space<vmem_shared>> -> memref<400x64xf32, #tpu.memory_space<vmem_shared>>
          %dma_start3A_94 = arith.constant 0 : i32
          %dma_start3A_95 = arith.constant 0 : i32
          %dma_start3A_96 = tpu.memref_slice %arg5[%dma_start3A_94, %dma_start3A_95] : memref<640x64xf32, #tpu.memory_space<hbm>> -> memref<400x64xf32, #tpu.memory_space<hbm>>
          tpu.enqueue_dma source(%dma_start3A_96 : memref<400x64xf32, #tpu.memory_space<hbm>>) target(%dma_start3A_93 : memref<400x64xf32, #tpu.memory_space<vmem_shared>>) target_semaphore(%run_scoped3A : memref<!tpu.dma_semaphore, #tpu.memory_space<semaphore_mem>>)
          %dma_wait3A_97 = arith.constant 9600 : i32
          %dma_wait3A_98 = arith.constant 0 : i32
          %dma_wait3A_99 = tpu.memref_slice %arg13[%dma_wait3A_97, %dma_wait3A_98] : memref<10512x64xf32, #tpu.memory_space<vmem_shared>> -> memref<400x64xf32, #tpu.memory_space<vmem_shared>>
          %dma_wait3A_100 = arith.constant 0 : i32
          %dma_wait3A_101 = arith.constant 0 : i32
          %dma_wait3A_102 = tpu.memref_slice %arg5[%dma_wait3A_100, %dma_wait3A_101] : memref<640x64xf32, #tpu.memory_space<hbm>> -> memref<400x64xf32, #tpu.memory_space<hbm>>
          tpu.wait_dma2 semaphore(%run_scoped3A : memref<!tpu.dma_semaphore, #tpu.memory_space<semaphore_mem>>) src(%dma_wait3A_102 : memref<400x64xf32, #tpu.memory_space<hbm>>) dst(%dma_wait3A_99 : memref<400x64xf32, #tpu.memory_space<vmem_shared>>)
          tpu.yield
        }) : () -> ()
      } else {
      }
    } else {
    }
    %dma_wait3A = arith.constant 0 : i32
    %dma_wait3A_22 = arith.constant 0 : i32
    %dma_wait3A_23 = tpu.memref_slice %arg3[%add3A, %dma_wait3A, %dma_wait3A_22] : memref<32x80x128xi32, #tpu.memory_space<hbm>> -> memref<1x80x128xi32, #tpu.memory_space<hbm>>
    %dma_wait3A_24 = tpu.memref_squeeze %dma_wait3A_23 : memref<1x80x128xi32, #tpu.memory_space<hbm>> -> memref<80x128xi32, #tpu.memory_space<hbm>>
    %dma_wait3A_25 = arith.constant 0 : i32
    %dma_wait3A_26 = arith.constant 0 : i32
    %dma_wait3A_27 = tpu.memref_slice %arg3[%add3A, %dma_wait3A_25, %dma_wait3A_26] : memref<32x80x128xi32, #tpu.memory_space<hbm>> -> memref<1x80x128xi32, #tpu.memory_space<hbm>>
    %dma_wait3A_28 = tpu.memref_squeeze %dma_wait3A_27 : memref<1x80x128xi32, #tpu.memory_space<hbm>> -> memref<80x128xi32, #tpu.memory_space<hbm>>
    tpu.wait_dma2 semaphore(%arg14 : memref<!tpu.dma_semaphore, #tpu.memory_space<semaphore_mem>>) src(%dma_wait3A_28 : memref<80x128xi32, #tpu.memory_space<hbm>>) dst(%arg7 : memref<80x128xi32, #tpu.memory_space<vmem>>)
    %dma_wait3A_29 = arith.constant 0 : i32
    %dma_wait3A_30 = arith.constant 0 : i32
    %dma_wait3A_31 = tpu.memref_slice %arg4[%add3A, %dma_wait3A_29, %dma_wait3A_30] : memref<32x80x128xi32, #tpu.memory_space<hbm>> -> memref<1x80x128xi32, #tpu.memory_space<hbm>>
    %dma_wait3A_32 = tpu.memref_squeeze %dma_wait3A_31 : memref<1x80x128xi32, #tpu.memory_space<hbm>> -> memref<80x128xi32, #tpu.memory_space<hbm>>
    %dma_wait3A_33 = arith.constant 0 : i32
    %dma_wait3A_34 = arith.constant 0 : i32
    %dma_wait3A_35 = tpu.memref_slice %arg4[%add3A, %dma_wait3A_33, %dma_wait3A_34] : memref<32x80x128xi32, #tpu.memory_space<hbm>> -> memref<1x80x128xi32, #tpu.memory_space<hbm>>
    %dma_wait3A_36 = tpu.memref_squeeze %dma_wait3A_35 : memref<1x80x128xi32, #tpu.memory_space<hbm>> -> memref<80x128xi32, #tpu.memory_space<hbm>>
    tpu.wait_dma2 semaphore(%arg14 : memref<!tpu.dma_semaphore, #tpu.memory_space<semaphore_mem>>) src(%dma_wait3A_36 : memref<80x128xi32, #tpu.memory_space<hbm>>) dst(%arg8 : memref<80x128xi32, #tpu.memory_space<vmem>>)
    %dma_start3A_37 = arith.constant 0 : i32
    %dma_start3A_38 = arith.constant 0 : i32
    %dma_start3A_39 = tpu.memref_slice %arg7[%dma_start3A_37, %dma_start3A_38] : memref<80x128xi32, #tpu.memory_space<vmem>> -> memref<1x128xi32, #tpu.memory_space<vmem>>
    %dma_start3A_40 = tpu.memref_squeeze %dma_start3A_39 : memref<1x128xi32, #tpu.memory_space<vmem>> -> memref<128xi32, #tpu.memory_space<vmem>>
    %dma_start3A_41 = arith.constant 0 : i32
    %dma_start3A_42 = arith.constant 0 : i32
    %dma_start3A_43 = tpu.memref_slice %arg2[%dma_start3A_41, %dma_start3A_42] : memref<10000x64xf32, #tpu.memory_space<hbm>> -> memref<10000x64xf32, #tpu.memory_space<hbm>>
    tpu.enqueue_indirect_dma source(%dma_start3A_43 : memref<10000x64xf32, #tpu.memory_space<hbm>>) target(%arg9 : memref<128x64xf32, #tpu.memory_space<vmem>>) offsets(%dma_start3A_40 : memref<128xi32, #tpu.memory_space<vmem>>) semaphore(%arg15 : memref<!tpu.dma_semaphore, #tpu.memory_space<semaphore_mem>>)
    %dma_start3A_44 = arith.constant 1 : i32
    %dma_start3A_45 = arith.constant 0 : i32
    %dma_start3A_46 = tpu.memref_slice %arg7[%dma_start3A_44, %dma_start3A_45] : memref<80x128xi32, #tpu.memory_space<vmem>> -> memref<1x128xi32, #tpu.memory_space<vmem>>
    %dma_start3A_47 = tpu.memref_squeeze %dma_start3A_46 : memref<1x128xi32, #tpu.memory_space<vmem>> -> memref<128xi32, #tpu.memory_space<vmem>>
    %dma_start3A_48 = arith.constant 0 : i32
    %dma_start3A_49 = arith.constant 0 : i32
    %dma_start3A_50 = tpu.memref_slice %arg2[%dma_start3A_48, %dma_start3A_49] : memref<10000x64xf32, #tpu.memory_space<hbm>> -> memref<10000x64xf32, #tpu.memory_space<hbm>>
    tpu.enqueue_indirect_dma source(%dma_start3A_50 : memref<10000x64xf32, #tpu.memory_space<hbm>>) target(%arg10 : memref<128x64xf32, #tpu.memory_space<vmem>>) offsets(%dma_start3A_47 : memref<128xi32, #tpu.memory_space<vmem>>) semaphore(%arg16 : memref<!tpu.dma_semaphore, #tpu.memory_space<semaphore_mem>>)
    %dma_start3A_51 = arith.constant 2 : i32
    %dma_start3A_52 = arith.constant 0 : i32
    %dma_start3A_53 = tpu.memref_slice %arg7[%dma_start3A_51, %dma_start3A_52] : memref<80x128xi32, #tpu.memory_space<vmem>> -> memref<1x128xi32, #tpu.memory_space<vmem>>
    %dma_start3A_54 = tpu.memref_squeeze %dma_start3A_53 : memref<1x128xi32, #tpu.memory_space<vmem>> -> memref<128xi32, #tpu.memory_space<vmem>>
    %dma_start3A_55 = arith.constant 0 : i32
    %dma_start3A_56 = arith.constant 0 : i32
    %dma_start3A_57 = tpu.memref_slice %arg2[%dma_start3A_55, %dma_start3A_56] : memref<10000x64xf32, #tpu.memory_space<hbm>> -> memref<10000x64xf32, #tpu.memory_space<hbm>>
    tpu.enqueue_indirect_dma source(%dma_start3A_57 : memref<10000x64xf32, #tpu.memory_space<hbm>>) target(%arg11 : memref<128x64xf32, #tpu.memory_space<vmem>>) offsets(%dma_start3A_54 : memref<128xi32, #tpu.memory_space<vmem>>) semaphore(%arg17 : memref<!tpu.dma_semaphore, #tpu.memory_space<semaphore_mem>>)
    %dma_start3A_58 = arith.constant 3 : i32
    %dma_start3A_59 = arith.constant 0 : i32
    %dma_start3A_60 = tpu.memref_slice %arg7[%dma_start3A_58, %dma_start3A_59] : memref<80x128xi32, #tpu.memory_space<vmem>> -> memref<1x128xi32, #tpu.memory_space<vmem>>
    %dma_start3A_61 = tpu.memref_squeeze %dma_start3A_60 : memref<1x128xi32, #tpu.memory_space<vmem>> -> memref<128xi32, #tpu.memory_space<vmem>>
    %dma_start3A_62 = arith.constant 0 : i32
    %dma_start3A_63 = arith.constant 0 : i32
    %dma_start3A_64 = tpu.memref_slice %arg2[%dma_start3A_62, %dma_start3A_63] : memref<10000x64xf32, #tpu.memory_space<hbm>> -> memref<10000x64xf32, #tpu.memory_space<hbm>>
    tpu.enqueue_indirect_dma source(%dma_start3A_64 : memref<10000x64xf32, #tpu.memory_space<hbm>>) target(%arg12 : memref<128x64xf32, #tpu.memory_space<vmem>>) offsets(%dma_start3A_61 : memref<128xi32, #tpu.memory_space<vmem>>) semaphore(%arg18 : memref<!tpu.dma_semaphore, #tpu.memory_space<semaphore_mem>>)
    %barrier3A = arith.constant 0 : index
    tpu.barrier barrier_id(%barrier3A)
    %scan3A = arith.constant 0 : i32
    %scan3A_65 = arith.constant 0 : i32
    %scan3A_66 = arith.constant 20 : i32
    %scan3A_67 = arith.addi %scan3A_65, %scan3A_66 : i32
    %scan3A_68 = arith.constant 1 : i32
    scf.for %scan3A_81 = %scan3A_65 to %scan3A_67 step %scan3A_68  : i32 {
      %mul3A_82 = arith.constant 4 : i32
      %mul3A_83 = arith.muli %mul3A_82, %scan3A_81 : i32
      %add3A_84 = arith.constant 0 : i32
      %add3A_85 = arith.addi %mul3A_83, %add3A_84 : i32
      %dma_wait3A_86 = arith.constant 0 : i32
      %dma_wait3A_87 = tpu.memref_slice %arg7[%add3A_85, %dma_wait3A_86] : memref<80x128xi32, #tpu.memory_space<vmem>> -> memref<1x128xi32, #tpu.memory_space<vmem>>
      %dma_wait3A_88 = tpu.memref_squeeze %dma_wait3A_87 : memref<1x128xi32, #tpu.memory_space<vmem>> -> memref<128xi32, #tpu.memory_space<vmem>>
      %dma_wait3A_89 = arith.constant 0 : i32
      %dma_wait3A_90 = arith.constant 0 : i32
      %dma_wait3A_91 = tpu.memref_slice %arg2[%dma_wait3A_89, %dma_wait3A_90] : memref<10000x64xf32, #tpu.memory_space<hbm>> -> memref<10000x64xf32, #tpu.memory_space<hbm>>
      tpu.wait_indirect_dma semaphore(%arg15 : memref<!tpu.dma_semaphore, #tpu.memory_space<semaphore_mem>>) src(%dma_wait3A_91 : memref<10000x64xf32, #tpu.memory_space<hbm>>) dst(%arg9 : memref<128x64xf32, #tpu.memory_space<vmem>>)
      "tpu.region"() ({
        %run_scoped3A = tpu.sem_alloc : memref<!tpu.dma_semaphore, #tpu.memory_space<semaphore_mem>>
        %dma_start3A_150 = arith.constant 0 : i32
        %dma_start3A_151 = tpu.memref_slice %arg8[%add3A_85, %dma_start3A_150] : memref<80x128xi32, #tpu.memory_space<vmem>> -> memref<1x128xi32, #tpu.memory_space<vmem>>
        %dma_start3A_152 = tpu.memref_squeeze %dma_start3A_151 : memref<1x128xi32, #tpu.memory_space<vmem>> -> memref<128xi32, #tpu.memory_space<vmem>>
        %dma_start3A_153 = arith.constant 0 : i32
        %dma_start3A_154 = arith.constant 0 : i32
        %dma_start3A_155 = tpu.memref_slice %arg13[%dma_start3A_153, %dma_start3A_154] : memref<10512x64xf32, #tpu.memory_space<vmem_shared>> -> memref<10512x64xf32, #tpu.memory_space<vmem_shared>>
        tpu.enqueue_indirect_dma source(%arg9 : memref<128x64xf32, #tpu.memory_space<vmem>>) target(%dma_start3A_155 : memref<10512x64xf32, #tpu.memory_space<vmem_shared>>) offsets(%dma_start3A_152 : memref<128xi32, #tpu.memory_space<vmem>>) semaphore(%run_scoped3A : memref<!tpu.dma_semaphore, #tpu.memory_space<semaphore_mem>>) {add = true}
        %dma_wait3A_156 = arith.constant 0 : i32
        %dma_wait3A_157 = tpu.memref_slice %arg8[%add3A_85, %dma_wait3A_156] : memref<80x128xi32, #tpu.memory_space<vmem>> -> memref<1x128xi32, #tpu.memory_space<vmem>>
        %dma_wait3A_158 = tpu.memref_squeeze %dma_wait3A_157 : memref<1x128xi32, #tpu.memory_space<vmem>> -> memref<128xi32, #tpu.memory_space<vmem>>
        %dma_wait3A_159 = arith.constant 0 : i32
        %dma_wait3A_160 = arith.constant 0 : i32
        %dma_wait3A_161 = tpu.memref_slice %arg13[%dma_wait3A_159, %dma_wait3A_160] : memref<10512x64xf32, #tpu.memory_space<vmem_shared>> -> memref<10512x64xf32, #tpu.memory_space<vmem_shared>>
        tpu.wait_indirect_dma semaphore(%run_scoped3A : memref<!tpu.dma_semaphore, #tpu.memory_space<semaphore_mem>>) src(%arg9 : memref<128x64xf32, #tpu.memory_space<vmem>>) dst(%dma_wait3A_161 : memref<10512x64xf32, #tpu.memory_space<vmem_shared>>)
        tpu.yield
      }) : () -> ()
      %add3A_92 = arith.constant 4 : i32
      %add3A_93 = arith.addi %add3A_85, %add3A_92 : i32
      %lt3A_94 = arith.constant 80 : i32
      %lt3A_95 = arith.cmpi slt, %add3A_93, %lt3A_94 : i32
      %convert_element_type3A_96 = arith.extui %lt3A_95 : i1 to i32
      %cond3A_97 = arith.constant 0 : i32
      %cond3A_98 = arith.cmpi ne, %convert_element_type3A_96, %cond3A_97 : i32
      scf.if %cond3A_98 {
        %add3A_150 = arith.constant 4 : i32
        %add3A_151 = arith.addi %add3A_85, %add3A_150 : i32
        %dma_start3A_152 = arith.constant 0 : i32
        %dma_start3A_153 = tpu.memref_slice %arg7[%add3A_151, %dma_start3A_152] : memref<80x128xi32, #tpu.memory_space<vmem>> -> memref<1x128xi32, #tpu.memory_space<vmem>>
        %dma_start3A_154 = tpu.memref_squeeze %dma_start3A_153 : memref<1x128xi32, #tpu.memory_space<vmem>> -> memref<128xi32, #tpu.memory_space<vmem>>
        %dma_start3A_155 = arith.constant 0 : i32
        %dma_start3A_156 = arith.constant 0 : i32
        %dma_start3A_157 = tpu.memref_slice %arg2[%dma_start3A_155, %dma_start3A_156] : memref<10000x64xf32, #tpu.memory_space<hbm>> -> memref<10000x64xf32, #tpu.memory_space<hbm>>
        tpu.enqueue_indirect_dma source(%dma_start3A_157 : memref<10000x64xf32, #tpu.memory_space<hbm>>) target(%arg9 : memref<128x64xf32, #tpu.memory_space<vmem>>) offsets(%dma_start3A_154 : memref<128xi32, #tpu.memory_space<vmem>>) semaphore(%arg15 : memref<!tpu.dma_semaphore, #tpu.memory_space<semaphore_mem>>)
      } else {
      }
      %mul3A_99 = arith.constant 4 : i32
      %mul3A_100 = arith.muli %mul3A_99, %scan3A_81 : i32
      %add3A_101 = arith.constant 1 : i32
      %add3A_102 = arith.addi %mul3A_100, %add3A_101 : i32
      %dma_wait3A_103 = arith.constant 0 : i32
      %dma_wait3A_104 = tpu.memref_slice %arg7[%add3A_102, %dma_wait3A_103] : memref<80x128xi32, #tpu.memory_space<vmem>> -> memref<1x128xi32, #tpu.memory_space<vmem>>
      %dma_wait3A_105 = tpu.memref_squeeze %dma_wait3A_104 : memref<1x128xi32, #tpu.memory_space<vmem>> -> memref<128xi32, #tpu.memory_space<vmem>>
      %dma_wait3A_106 = arith.constant 0 : i32
      %dma_wait3A_107 = arith.constant 0 : i32
      %dma_wait3A_108 = tpu.memref_slice %arg2[%dma_wait3A_106, %dma_wait3A_107] : memref<10000x64xf32, #tpu.memory_space<hbm>> -> memref<10000x64xf32, #tpu.memory_space<hbm>>
      tpu.wait_indirect_dma semaphore(%arg16 : memref<!tpu.dma_semaphore, #tpu.memory_space<semaphore_mem>>) src(%dma_wait3A_108 : memref<10000x64xf32, #tpu.memory_space<hbm>>) dst(%arg10 : memref<128x64xf32, #tpu.memory_space<vmem>>)
      "tpu.region"() ({
        %run_scoped3A = tpu.sem_alloc : memref<!tpu.dma_semaphore, #tpu.memory_space<semaphore_mem>>
        %dma_start3A_150 = arith.constant 0 : i32
        %dma_start3A_151 = tpu.memref_slice %arg8[%add3A_102, %dma_start3A_150] : memref<80x128xi32, #tpu.memory_space<vmem>> -> memref<1x128xi32, #tpu.memory_space<vmem>>
        %dma_start3A_152 = tpu.memref_squeeze %dma_start3A_151 : memref<1x128xi32, #tpu.memory_space<vmem>> -> memref<128xi32, #tpu.memory_space<vmem>>
        %dma_start3A_153 = arith.constant 0 : i32
        %dma_start3A_154 = arith.constant 0 : i32
        %dma_start3A_155 = tpu.memref_slice %arg13[%dma_start3A_153, %dma_start3A_154] : memref<10512x64xf32, #tpu.memory_space<vmem_shared>> -> memref<10512x64xf32, #tpu.memory_space<vmem_shared>>
        tpu.enqueue_indirect_dma source(%arg10 : memref<128x64xf32, #tpu.memory_space<vmem>>) target(%dma_start3A_155 : memref<10512x64xf32, #tpu.memory_space<vmem_shared>>) offsets(%dma_start3A_152 : memref<128xi32, #tpu.memory_space<vmem>>) semaphore(%run_scoped3A : memref<!tpu.dma_semaphore, #tpu.memory_space<semaphore_mem>>) {add = true}
        %dma_wait3A_156 = arith.constant 0 : i32
        %dma_wait3A_157 = tpu.memref_slice %arg8[%add3A_102, %dma_wait3A_156] : memref<80x128xi32, #tpu.memory_space<vmem>> -> memref<1x128xi32, #tpu.memory_space<vmem>>
        %dma_wait3A_158 = tpu.memref_squeeze %dma_wait3A_157 : memref<1x128xi32, #tpu.memory_space<vmem>> -> memref<128xi32, #tpu.memory_space<vmem>>
        %dma_wait3A_159 = arith.constant 0 : i32
        %dma_wait3A_160 = arith.constant 0 : i32
        %dma_wait3A_161 = tpu.memref_slice %arg13[%dma_wait3A_159, %dma_wait3A_160] : memref<10512x64xf32, #tpu.memory_space<vmem_shared>> -> memref<10512x64xf32, #tpu.memory_space<vmem_shared>>
        tpu.wait_indirect_dma semaphore(%run_scoped3A : memref<!tpu.dma_semaphore, #tpu.memory_space<semaphore_mem>>) src(%arg10 : memref<128x64xf32, #tpu.memory_space<vmem>>) dst(%dma_wait3A_161 : memref<10512x64xf32, #tpu.memory_space<vmem_shared>>)
        tpu.yield
      }) : () -> ()
      %add3A_109 = arith.constant 4 : i32
      %add3A_110 = arith.addi %add3A_102, %add3A_109 : i32
      %lt3A_111 = arith.constant 80 : i32
      %lt3A_112 = arith.cmpi slt, %add3A_110, %lt3A_111 : i32
      %convert_element_type3A_113 = arith.extui %lt3A_112 : i1 to i32
      %cond3A_114 = arith.constant 0 : i32
      %cond3A_115 = arith.cmpi ne, %convert_element_type3A_113, %cond3A_114 : i32
      scf.if %cond3A_115 {
        %add3A_150 = arith.constant 4 : i32
        %add3A_151 = arith.addi %add3A_102, %add3A_150 : i32
        %dma_start3A_152 = arith.constant 0 : i32
        %dma_start3A_153 = tpu.memref_slice %arg7[%add3A_151, %dma_start3A_152] : memref<80x128xi32, #tpu.memory_space<vmem>> -> memref<1x128xi32, #tpu.memory_space<vmem>>
        %dma_start3A_154 = tpu.memref_squeeze %dma_start3A_153 : memref<1x128xi32, #tpu.memory_space<vmem>> -> memref<128xi32, #tpu.memory_space<vmem>>
        %dma_start3A_155 = arith.constant 0 : i32
        %dma_start3A_156 = arith.constant 0 : i32
        %dma_start3A_157 = tpu.memref_slice %arg2[%dma_start3A_155, %dma_start3A_156] : memref<10000x64xf32, #tpu.memory_space<hbm>> -> memref<10000x64xf32, #tpu.memory_space<hbm>>
        tpu.enqueue_indirect_dma source(%dma_start3A_157 : memref<10000x64xf32, #tpu.memory_space<hbm>>) target(%arg10 : memref<128x64xf32, #tpu.memory_space<vmem>>) offsets(%dma_start3A_154 : memref<128xi32, #tpu.memory_space<vmem>>) semaphore(%arg16 : memref<!tpu.dma_semaphore, #tpu.memory_space<semaphore_mem>>)
      } else {
      }
      %mul3A_116 = arith.constant 4 : i32
      %mul3A_117 = arith.muli %mul3A_116, %scan3A_81 : i32
      %add3A_118 = arith.constant 2 : i32
      %add3A_119 = arith.addi %mul3A_117, %add3A_118 : i32
      %dma_wait3A_120 = arith.constant 0 : i32
      %dma_wait3A_121 = tpu.memref_slice %arg7[%add3A_119, %dma_wait3A_120] : memref<80x128xi32, #tpu.memory_space<vmem>> -> memref<1x128xi32, #tpu.memory_space<vmem>>
      %dma_wait3A_122 = tpu.memref_squeeze %dma_wait3A_121 : memref<1x128xi32, #tpu.memory_space<vmem>> -> memref<128xi32, #tpu.memory_space<vmem>>
      %dma_wait3A_123 = arith.constant 0 : i32
      %dma_wait3A_124 = arith.constant 0 : i32
      %dma_wait3A_125 = tpu.memref_slice %arg2[%dma_wait3A_123, %dma_wait3A_124] : memref<10000x64xf32, #tpu.memory_space<hbm>> -> memref<10000x64xf32, #tpu.memory_space<hbm>>
      tpu.wait_indirect_dma semaphore(%arg17 : memref<!tpu.dma_semaphore, #tpu.memory_space<semaphore_mem>>) src(%dma_wait3A_125 : memref<10000x64xf32, #tpu.memory_space<hbm>>) dst(%arg11 : memref<128x64xf32, #tpu.memory_space<vmem>>)
      "tpu.region"() ({
        %run_scoped3A = tpu.sem_alloc : memref<!tpu.dma_semaphore, #tpu.memory_space<semaphore_mem>>
        %dma_start3A_150 = arith.constant 0 : i32
        %dma_start3A_151 = tpu.memref_slice %arg8[%add3A_119, %dma_start3A_150] : memref<80x128xi32, #tpu.memory_space<vmem>> -> memref<1x128xi32, #tpu.memory_space<vmem>>
        %dma_start3A_152 = tpu.memref_squeeze %dma_start3A_151 : memref<1x128xi32, #tpu.memory_space<vmem>> -> memref<128xi32, #tpu.memory_space<vmem>>
        %dma_start3A_153 = arith.constant 0 : i32
        %dma_start3A_154 = arith.constant 0 : i32
        %dma_start3A_155 = tpu.memref_slice %arg13[%dma_start3A_153, %dma_start3A_154] : memref<10512x64xf32, #tpu.memory_space<vmem_shared>> -> memref<10512x64xf32, #tpu.memory_space<vmem_shared>>
        tpu.enqueue_indirect_dma source(%arg11 : memref<128x64xf32, #tpu.memory_space<vmem>>) target(%dma_start3A_155 : memref<10512x64xf32, #tpu.memory_space<vmem_shared>>) offsets(%dma_start3A_152 : memref<128xi32, #tpu.memory_space<vmem>>) semaphore(%run_scoped3A : memref<!tpu.dma_semaphore, #tpu.memory_space<semaphore_mem>>) {add = true}
        %dma_wait3A_156 = arith.constant 0 : i32
        %dma_wait3A_157 = tpu.memref_slice %arg8[%add3A_119, %dma_wait3A_156] : memref<80x128xi32, #tpu.memory_space<vmem>> -> memref<1x128xi32, #tpu.memory_space<vmem>>
        %dma_wait3A_158 = tpu.memref_squeeze %dma_wait3A_157 : memref<1x128xi32, #tpu.memory_space<vmem>> -> memref<128xi32, #tpu.memory_space<vmem>>
        %dma_wait3A_159 = arith.constant 0 : i32
        %dma_wait3A_160 = arith.constant 0 : i32
        %dma_wait3A_161 = tpu.memref_slice %arg13[%dma_wait3A_159, %dma_wait3A_160] : memref<10512x64xf32, #tpu.memory_space<vmem_shared>> -> memref<10512x64xf32, #tpu.memory_space<vmem_shared>>
        tpu.wait_indirect_dma semaphore(%run_scoped3A : memref<!tpu.dma_semaphore, #tpu.memory_space<semaphore_mem>>) src(%arg11 : memref<128x64xf32, #tpu.memory_space<vmem>>) dst(%dma_wait3A_161 : memref<10512x64xf32, #tpu.memory_space<vmem_shared>>)
        tpu.yield
      }) : () -> ()
      %add3A_126 = arith.constant 4 : i32
      %add3A_127 = arith.addi %add3A_119, %add3A_126 : i32
      %lt3A_128 = arith.constant 80 : i32
      %lt3A_129 = arith.cmpi slt, %add3A_127, %lt3A_128 : i32
      %convert_element_type3A_130 = arith.extui %lt3A_129 : i1 to i32
      %cond3A_131 = arith.constant 0 : i32
      %cond3A_132 = arith.cmpi ne, %convert_element_type3A_130, %cond3A_131 : i32
      scf.if %cond3A_132 {
        %add3A_150 = arith.constant 4 : i32
        %add3A_151 = arith.addi %add3A_119, %add3A_150 : i32
        %dma_start3A_152 = arith.constant 0 : i32
        %dma_start3A_153 = tpu.memref_slice %arg7[%add3A_151, %dma_start3A_152] : memref<80x128xi32, #tpu.memory_space<vmem>> -> memref<1x128xi32, #tpu.memory_space<vmem>>
        %dma_start3A_154 = tpu.memref_squeeze %dma_start3A_153 : memref<1x128xi32, #tpu.memory_space<vmem>> -> memref<128xi32, #tpu.memory_space<vmem>>
        %dma_start3A_155 = arith.constant 0 : i32
        %dma_start3A_156 = arith.constant 0 : i32
        %dma_start3A_157 = tpu.memref_slice %arg2[%dma_start3A_155, %dma_start3A_156] : memref<10000x64xf32, #tpu.memory_space<hbm>> -> memref<10000x64xf32, #tpu.memory_space<hbm>>
        tpu.enqueue_indirect_dma source(%dma_start3A_157 : memref<10000x64xf32, #tpu.memory_space<hbm>>) target(%arg11 : memref<128x64xf32, #tpu.memory_space<vmem>>) offsets(%dma_start3A_154 : memref<128xi32, #tpu.memory_space<vmem>>) semaphore(%arg17 : memref<!tpu.dma_semaphore, #tpu.memory_space<semaphore_mem>>)
      } else {
      }
      %mul3A_133 = arith.constant 4 : i32
      %mul3A_134 = arith.muli %mul3A_133, %scan3A_81 : i32
      %add3A_135 = arith.constant 3 : i32
      %add3A_136 = arith.addi %mul3A_134, %add3A_135 : i32
      %dma_wait3A_137 = arith.constant 0 : i32
      %dma_wait3A_138 = tpu.memref_slice %arg7[%add3A_136, %dma_wait3A_137] : memref<80x128xi32, #tpu.memory_space<vmem>> -> memref<1x128xi32, #tpu.memory_space<vmem>>
      %dma_wait3A_139 = tpu.memref_squeeze %dma_wait3A_138 : memref<1x128xi32, #tpu.memory_space<vmem>> -> memref<128xi32, #tpu.memory_space<vmem>>
      %dma_wait3A_140 = arith.constant 0 : i32
      %dma_wait3A_141 = arith.constant 0 : i32
      %dma_wait3A_142 = tpu.memref_slice %arg2[%dma_wait3A_140, %dma_wait3A_141] : memref<10000x64xf32, #tpu.memory_space<hbm>> -> memref<10000x64xf32, #tpu.memory_space<hbm>>
      tpu.wait_indirect_dma semaphore(%arg18 : memref<!tpu.dma_semaphore, #tpu.memory_space<semaphore_mem>>) src(%dma_wait3A_142 : memref<10000x64xf32, #tpu.memory_space<hbm>>) dst(%arg12 : memref<128x64xf32, #tpu.memory_space<vmem>>)
      "tpu.region"() ({
        %run_scoped3A = tpu.sem_alloc : memref<!tpu.dma_semaphore, #tpu.memory_space<semaphore_mem>>
        %dma_start3A_150 = arith.constant 0 : i32
        %dma_start3A_151 = tpu.memref_slice %arg8[%add3A_136, %dma_start3A_150] : memref<80x128xi32, #tpu.memory_space<vmem>> -> memref<1x128xi32, #tpu.memory_space<vmem>>
        %dma_start3A_152 = tpu.memref_squeeze %dma_start3A_151 : memref<1x128xi32, #tpu.memory_space<vmem>> -> memref<128xi32, #tpu.memory_space<vmem>>
        %dma_start3A_153 = arith.constant 0 : i32
        %dma_start3A_154 = arith.constant 0 : i32
        %dma_start3A_155 = tpu.memref_slice %arg13[%dma_start3A_153, %dma_start3A_154] : memref<10512x64xf32, #tpu.memory_space<vmem_shared>> -> memref<10512x64xf32, #tpu.memory_space<vmem_shared>>
        tpu.enqueue_indirect_dma source(%arg12 : memref<128x64xf32, #tpu.memory_space<vmem>>) target(%dma_start3A_155 : memref<10512x64xf32, #tpu.memory_space<vmem_shared>>) offsets(%dma_start3A_152 : memref<128xi32, #tpu.memory_space<vmem>>) semaphore(%run_scoped3A : memref<!tpu.dma_semaphore, #tpu.memory_space<semaphore_mem>>) {add = true}
        %dma_wait3A_156 = arith.constant 0 : i32
        %dma_wait3A_157 = tpu.memref_slice %arg8[%add3A_136, %dma_wait3A_156] : memref<80x128xi32, #tpu.memory_space<vmem>> -> memref<1x128xi32, #tpu.memory_space<vmem>>
        %dma_wait3A_158 = tpu.memref_squeeze %dma_wait3A_157 : memref<1x128xi32, #tpu.memory_space<vmem>> -> memref<128xi32, #tpu.memory_space<vmem>>
        %dma_wait3A_159 = arith.constant 0 : i32
        %dma_wait3A_160 = arith.constant 0 : i32
        %dma_wait3A_161 = tpu.memref_slice %arg13[%dma_wait3A_159, %dma_wait3A_160] : memref<10512x64xf32, #tpu.memory_space<vmem_shared>> -> memref<10512x64xf32, #tpu.memory_space<vmem_shared>>
        tpu.wait_indirect_dma semaphore(%run_scoped3A : memref<!tpu.dma_semaphore, #tpu.memory_space<semaphore_mem>>) src(%arg12 : memref<128x64xf32, #tpu.memory_space<vmem>>) dst(%dma_wait3A_161 : memref<10512x64xf32, #tpu.memory_space<vmem_shared>>)
        tpu.yield
      }) : () -> ()
      %add3A_143 = arith.constant 4 : i32
      %add3A_144 = arith.addi %add3A_136, %add3A_143 : i32
      %lt3A_145 = arith.constant 80 : i32
      %lt3A_146 = arith.cmpi slt, %add3A_144, %lt3A_145 : i32
      %convert_element_type3A_147 = arith.extui %lt3A_146 : i1 to i32
      %cond3A_148 = arith.constant 0 : i32
      %cond3A_149 = arith.cmpi ne, %convert_element_type3A_147, %cond3A_148 : i32
      scf.if %cond3A_149 {
        %add3A_150 = arith.constant 4 : i32
        %add3A_151 = arith.addi %add3A_136, %add3A_150 : i32
        %dma_start3A_152 = arith.constant 0 : i32
        %dma_start3A_153 = tpu.memref_slice %arg7[%add3A_151, %dma_start3A_152] : memref<80x128xi32, #tpu.memory_space<vmem>> -> memref<1x128xi32, #tpu.memory_space<vmem>>
        %dma_start3A_154 = tpu.memref_squeeze %dma_start3A_153 : memref<1x128xi32, #tpu.memory_space<vmem>> -> memref<128xi32, #tpu.memory_space<vmem>>
        %dma_start3A_155 = arith.constant 0 : i32
        %dma_start3A_156 = arith.constant 0 : i32
        %dma_start3A_157 = tpu.memref_slice %arg2[%dma_start3A_155, %dma_start3A_156] : memref<10000x64xf32, #tpu.memory_space<hbm>> -> memref<10000x64xf32, #tpu.memory_space<hbm>>
        tpu.enqueue_indirect_dma source(%dma_start3A_157 : memref<10000x64xf32, #tpu.memory_space<hbm>>) target(%arg12 : memref<128x64xf32, #tpu.memory_space<vmem>>) offsets(%dma_start3A_154 : memref<128xi32, #tpu.memory_space<vmem>>) semaphore(%arg18 : memref<!tpu.dma_semaphore, #tpu.memory_space<semaphore_mem>>)
      } else {
      }
    }
    %scan3A_69 = arith.constant 20 : i32
    %barrier3A_70 = arith.constant 0 : index
    tpu.barrier barrier_id(%barrier3A_70)
    %lt3A_71 = arith.constant 15 : i32
    %lt3A_72 = arith.cmpi slt, %arg1, %lt3A_71 : i32
    %convert_element_type3A_73 = arith.extui %lt3A_72 : i1 to i32
    %cond3A_74 = arith.constant 0 : i32
    %cond3A_75 = arith.cmpi ne, %convert_element_type3A_73, %cond3A_74 : i32
    scf.if %cond3A_75 {
      %mul3A_81 = arith.constant 640 : i32
      %mul3A_82 = arith.muli %arg1, %mul3A_81 : i32
      "tpu.region"() ({
        %run_scoped3A = tpu.sem_alloc : memref<!tpu.dma_semaphore, #tpu.memory_space<semaphore_mem>>
        %dma_start3A_83 = arith.constant 0 : i32
        %dma_start3A_84 = tpu.memref_slice %arg6[%arg0, %mul3A_82, %dma_start3A_83] : memref<2x10000x64xf32, #tpu.memory_space<hbm>> -> memref<1x640x64xf32, #tpu.memory_space<hbm>>
        %dma_start3A_85 = tpu.memref_squeeze %dma_start3A_84 : memref<1x640x64xf32, #tpu.memory_space<hbm>> -> memref<640x64xf32, #tpu.memory_space<hbm>>
        %dma_start3A_86 = arith.constant 0 : i32
        %dma_start3A_87 = tpu.memref_slice %arg13[%mul3A_82, %dma_start3A_86] : memref<10512x64xf32, #tpu.memory_space<vmem_shared>> -> memref<640x64xf32, #tpu.memory_space<vmem_shared>>
        tpu.enqueue_dma source(%dma_start3A_87 : memref<640x64xf32, #tpu.memory_space<vmem_shared>>) target(%dma_start3A_85 : memref<640x64xf32, #tpu.memory_space<hbm>>) target_semaphore(%run_scoped3A : memref<!tpu.dma_semaphore, #tpu.memory_space<semaphore_mem>>)
        %dma_wait3A_88 = arith.constant 0 : i32
        %dma_wait3A_89 = tpu.memref_slice %arg6[%arg0, %mul3A_82, %dma_wait3A_88] : memref<2x10000x64xf32, #tpu.memory_space<hbm>> -> memref<1x640x64xf32, #tpu.memory_space<hbm>>
        %dma_wait3A_90 = tpu.memref_squeeze %dma_wait3A_89 : memref<1x640x64xf32, #tpu.memory_space<hbm>> -> memref<640x64xf32, #tpu.memory_space<hbm>>
        %dma_wait3A_91 = arith.constant 0 : i32
        %dma_wait3A_92 = tpu.memref_slice %arg13[%mul3A_82, %dma_wait3A_91] : memref<10512x64xf32, #tpu.memory_space<vmem_shared>> -> memref<640x64xf32, #tpu.memory_space<vmem_shared>>
        tpu.wait_dma2 semaphore(%run_scoped3A : memref<!tpu.dma_semaphore, #tpu.memory_space<semaphore_mem>>) src(%dma_wait3A_92 : memref<640x64xf32, #tpu.memory_space<vmem_shared>>) dst(%dma_wait3A_90 : memref<640x64xf32, #tpu.memory_space<hbm>>)
        tpu.yield
      }) : () -> ()
    } else {
    }
    %eq3A_76 = arith.constant 15 : i32
    %eq3A_77 = arith.cmpi eq, %arg1, %eq3A_76 : i32
    %convert_element_type3A_78 = arith.extui %eq3A_77 : i1 to i32
    %cond3A_79 = arith.constant 0 : i32
    %cond3A_80 = arith.cmpi ne, %convert_element_type3A_78, %cond3A_79 : i32
    scf.if %cond3A_80 {
      "tpu.region"() ({
        %run_scoped3A = tpu.sem_alloc : memref<!tpu.dma_semaphore, #tpu.memory_space<semaphore_mem>>
        %dma_start3A_81 = arith.constant 9600 : i32
        %dma_start3A_82 = arith.constant 0 : i32
        %dma_start3A_83 = tpu.memref_slice %arg6[%arg0, %dma_start3A_81, %dma_start3A_82] : memref<2x10000x64xf32, #tpu.memory_space<hbm>> -> memref<1x400x64xf32, #tpu.memory_space<hbm>>
        %dma_start3A_84 = tpu.memref_squeeze %dma_start3A_83 : memref<1x400x64xf32, #tpu.memory_space<hbm>> -> memref<400x64xf32, #tpu.memory_space<hbm>>
        %dma_start3A_85 = arith.constant 9600 : i32
        %dma_start3A_86 = arith.constant 0 : i32
        %dma_start3A_87 = tpu.memref_slice %arg13[%dma_start3A_85, %dma_start3A_86] : memref<10512x64xf32, #tpu.memory_space<vmem_shared>> -> memref<400x64xf32, #tpu.memory_space<vmem_shared>>
        tpu.enqueue_dma source(%dma_start3A_87 : memref<400x64xf32, #tpu.memory_space<vmem_shared>>) target(%dma_start3A_84 : memref<400x64xf32, #tpu.memory_space<hbm>>) target_semaphore(%run_scoped3A : memref<!tpu.dma_semaphore, #tpu.memory_space<semaphore_mem>>)
        %dma_wait3A_88 = arith.constant 9600 : i32
        %dma_wait3A_89 = arith.constant 0 : i32
        %dma_wait3A_90 = tpu.memref_slice %arg6[%arg0, %dma_wait3A_88, %dma_wait3A_89] : memref<2x10000x64xf32, #tpu.memory_space<hbm>> -> memref<1x400x64xf32, #tpu.memory_space<hbm>>
        %dma_wait3A_91 = tpu.memref_squeeze %dma_wait3A_90 : memref<1x400x64xf32, #tpu.memory_space<hbm>> -> memref<400x64xf32, #tpu.memory_space<hbm>>
        %dma_wait3A_92 = arith.constant 9600 : i32
        %dma_wait3A_93 = arith.constant 0 : i32
        %dma_wait3A_94 = tpu.memref_slice %arg13[%dma_wait3A_92, %dma_wait3A_93] : memref<10512x64xf32, #tpu.memory_space<vmem_shared>> -> memref<400x64xf32, #tpu.memory_space<vmem_shared>>
        tpu.wait_dma2 semaphore(%run_scoped3A : memref<!tpu.dma_semaphore, #tpu.memory_space<semaphore_mem>>) src(%dma_wait3A_94 : memref<400x64xf32, #tpu.memory_space<vmem_shared>>) dst(%dma_wait3A_91 : memref<400x64xf32, #tpu.memory_space<hbm>>)
        tpu.yield
      }) : () -> ()
    } else {
    }
    return
  }
}

module attributes {stable_mosaic.version = 14 : i64} {
  func.func @_tc_mm_body(%arg0: i32, %arg1: memref<2000x128xf32, #tpu.memory_space<vmem>>, %arg2: memref<128x64xf32, #tpu.memory_space<vmem>>, %arg3: memref<2000x64xf32, #tpu.memory_space<vmem>>) attributes {dimension_semantics = [#tpu.dimension_semantics<arbitrary>], iteration_bounds = array<i64: 5>, scalar_prefetch = 0 : i64, scratch_operands = 0 : i64, tpu.core_type = #tpu.core_type<tc>, window_params = [{transform_indices = @transform_0, window_bounds = array<i64: 2000, 128>}, {pipeline_mode = #tpu.pipeline_mode<synchronous>, transform_indices = @transform_1, window_bounds = array<i64: 128, 64>}, {transform_indices = @transform_2, window_bounds = array<i64: 2000, 64>}]} {
    %get3A = arith.constant 0 : index
    %get3A_0 = arith.constant 0 : index
    %get3A_1 = vector.load %arg1[%get3A, %get3A_0] : memref<2000x128xf32, #tpu.memory_space<vmem>>, vector<2000x128xf32>
    %get3A_2 = arith.constant 0 : index
    %get3A_3 = arith.constant 0 : index
    %get3A_4 = vector.load %arg2[%get3A_2, %get3A_3] : memref<128x64xf32, #tpu.memory_space<vmem>>, vector<128x64xf32>
    %dot_general3A = arith.constant dense<0.000000e+00> : vector<2000x64xf32>
    %dot_general3A_5 = tpu.matmul %get3A_1, %get3A_4, %dot_general3A {dimension_numbers = #tpu.dot_dimension_numbers<[1], [0], [0], [1], [0, 0, 1, 1], [], []>, transpose_lhs_hint = false} : vector<2000x128xf32>, vector<128x64xf32>, vector<2000x64xf32> -> vector<2000x64xf32>
    %swap3A = arith.constant 0 : index
    %swap3A_6 = arith.constant 0 : index
    %swap3A_7 = vector.load %arg3[%swap3A, %swap3A_6] : memref<2000x64xf32, #tpu.memory_space<vmem>>, vector<2000x64xf32>
    tpu.vector_store %arg3[%swap3A, %swap3A_6], %dot_general3A_5 {strides = array<i32>} : memref<2000x64xf32, #tpu.memory_space<vmem>>, vector<2000x64xf32>,
    return
  }
  func.func @transform_0(%arg0: i32) -> (i32, i32) {
    %c0_i32 = arith.constant 0 : i32
    %c0_i32_0 = arith.constant 0 : i32
    return %arg0, %c0_i32 : i32, i32
  }
  func.func @transform_1(%arg0: i32) -> (i32, i32) {
    %c0_i32 = arith.constant 0 : i32
    %c0_i32_0 = arith.constant 0 : i32
    %c0_i32_1 = arith.constant 0 : i32
    return %c0_i32, %c0_i32_0 : i32, i32
  }
  func.func @transform_2(%arg0: i32) -> (i32, i32) {
    %c0_i32 = arith.constant 0 : i32
    %c0_i32_0 = arith.constant 0 : i32
    return %arg0, %c0_i32 : i32, i32
  }
}

module attributes {stable_mosaic.version = 14 : i64} {
  func.func @_tc_scale_body(%arg0: i32, %arg1: memref<2000x64xf32, #tpu.memory_space<vmem>>, %arg2: memref<1x2000x16xf32, #tpu.memory_space<vmem>>, %arg3: memref<1x2000x16xf32, #tpu.memory_space<vmem>>, %arg4: memref<2000x64xf32, #tpu.memory_space<vmem>>) attributes {dimension_semantics = [#tpu.dimension_semantics<arbitrary>], iteration_bounds = array<i64: 5>, scalar_prefetch = 0 : i64, scratch_operands = 0 : i64, tpu.core_type = #tpu.core_type<tc>, window_params = [{transform_indices = @transform_0, window_bounds = array<i64: 2000, 64>}, {transform_indices = @transform_1, window_bounds = array<i64: 1, 2000, 16>}, {transform_indices = @transform_2, window_bounds = array<i64: 1, 2000, 16>}, {transform_indices = @transform_3, window_bounds = array<i64: 2000, 64>}]} {
    %get3A = arith.constant 0 : index
    %get3A_0 = arith.constant 0 : index
    %get3A_1 = arith.constant 0 : index
    %get3A_2 = vector.load %arg2[%get3A, %get3A_0, %get3A_1] : memref<1x2000x16xf32, #tpu.memory_space<vmem>>, vector<1x2000x1xf32>
    %get3A_3 = vector.shape_cast %get3A_2 : vector<1x2000x1xf32> to vector<2000x1xf32>
    %get3A_4 = arith.constant 0 : index
    %get3A_5 = arith.constant 0 : index
    %get3A_6 = arith.constant 0 : index
    %get3A_7 = vector.load %arg3[%get3A_4, %get3A_5, %get3A_6] : memref<1x2000x16xf32, #tpu.memory_space<vmem>>, vector<1x2000x1xf32>
    %get3A_8 = vector.shape_cast %get3A_7 : vector<1x2000x1xf32> to vector<2000x1xf32>
    %add3A = arith.addf %get3A_3, %get3A_8 : vector<2000x1xf32>
    %add3A_9 = arith.constant 1.000000e+00 : f32
    %add3A_10 = vector.broadcast %add3A_9 : f32 to vector<2000x1xf32>
    %add3A_11 = arith.addf %add3A, %add3A_10 : vector<2000x1xf32>
    %sqrt3A = math.sqrt %add3A_11 : vector<2000x1xf32>
    %div3A = arith.constant 1.000000e+00 : f32
    %div3A_12 = vector.broadcast %div3A : f32 to vector<2000x1xf32>
    %div3A_13 = arith.divf %div3A_12, %sqrt3A : vector<2000x1xf32>
    %get3A_14 = arith.constant 0 : index
    %get3A_15 = arith.constant 0 : index
    %get3A_16 = vector.load %arg1[%get3A_14, %get3A_15] : memref<2000x64xf32, #tpu.memory_space<vmem>>, vector<2000x64xf32>
    %mul3A = vector.broadcast %div3A_13 : vector<2000x1xf32> to vector<2000x64xf32>
    %mul3A_17 = arith.mulf %get3A_16, %mul3A : vector<2000x64xf32>
    %swap3A = arith.constant 0 : index
    %swap3A_18 = arith.constant 0 : index
    %swap3A_19 = vector.load %arg4[%swap3A, %swap3A_18] : memref<2000x64xf32, #tpu.memory_space<vmem>>, vector<2000x64xf32>
    tpu.vector_store %arg4[%swap3A, %swap3A_18], %mul3A_17 {strides = array<i32>} : memref<2000x64xf32, #tpu.memory_space<vmem>>, vector<2000x64xf32>,
    return
  }
  func.func @transform_0(%arg0: i32) -> (i32, i32) {
    %c0_i32 = arith.constant 0 : i32
    %c0_i32_0 = arith.constant 0 : i32
    return %arg0, %c0_i32 : i32, i32
  }
  func.func @transform_1(%arg0: i32) -> (i32, i32, i32) {
    %c0_i32 = arith.constant 0 : i32
    %c0_i32_0 = arith.constant 0 : i32
    %c0_i32_1 = arith.constant 0 : i32
    return %c0_i32, %arg0, %c0_i32_0 : i32, i32, i32
  }
  func.func @transform_2(%arg0: i32) -> (i32, i32, i32) {
    %c1_i32 = arith.constant 1 : i32
    %c0_i32 = arith.constant 0 : i32
    %c0_i32_0 = arith.constant 0 : i32
    return %c1_i32, %arg0, %c0_i32 : i32, i32, i32
  }
  func.func @transform_3(%arg0: i32) -> (i32, i32) {
    %c0_i32 = arith.constant 0 : i32
    %c0_i32_0 = arith.constant 0 : i32
    return %arg0, %c0_i32 : i32, i32
  }
}

module attributes {stable_mosaic.version = 14 : i64} {
  func.func @_tc_layer2_body(%arg0: i32, %arg1: memref<1x2000x64xf32, #tpu.memory_space<vmem>>, %arg2: memref<1x2000x64xf32, #tpu.memory_space<vmem>>, %arg3: memref<1x2000x16xf32, #tpu.memory_space<vmem>>, %arg4: memref<1x2000x16xf32, #tpu.memory_space<vmem>>, %arg5: memref<1x64xf32, #tpu.memory_space<vmem>>, %arg6: memref<64x64xf32, #tpu.memory_space<vmem>>, %arg7: memref<2000x64xf32, #tpu.memory_space<vmem>>) attributes {dimension_semantics = [#tpu.dimension_semantics<arbitrary>], iteration_bounds = array<i64: 5>, scalar_prefetch = 0 : i64, scratch_operands = 0 : i64, tpu.core_type = #tpu.core_type<tc>, window_params = [{transform_indices = @transform_0, window_bounds = array<i64: 1, 2000, 64>}, {transform_indices = @transform_1, window_bounds = array<i64: 1, 2000, 64>}, {transform_indices = @transform_2, window_bounds = array<i64: 1, 2000, 16>}, {transform_indices = @transform_3, window_bounds = array<i64: 1, 2000, 16>}, {pipeline_mode = #tpu.pipeline_mode<synchronous>, transform_indices = @transform_4, window_bounds = array<i64: 1, 64>}, {pipeline_mode = #tpu.pipeline_mode<synchronous>, transform_indices = @transform_5, window_bounds = array<i64: 64, 64>}, {transform_indices = @transform_6, window_bounds = array<i64: 2000, 64>}]} {
    %get3A = arith.constant 0 : index
    %get3A_0 = arith.constant 0 : index
    %get3A_1 = arith.constant 0 : index
    %get3A_2 = vector.load %arg3[%get3A, %get3A_0, %get3A_1] : memref<1x2000x16xf32, #tpu.memory_space<vmem>>, vector<1x2000x1xf32>
    %get3A_3 = vector.shape_cast %get3A_2 : vector<1x2000x1xf32> to vector<2000x1xf32>
    %get3A_4 = arith.constant 0 : index
    %get3A_5 = arith.constant 0 : index
    %get3A_6 = arith.constant 0 : index
    %get3A_7 = vector.load %arg4[%get3A_4, %get3A_5, %get3A_6] : memref<1x2000x16xf32, #tpu.memory_space<vmem>>, vector<1x2000x1xf32>
    %get3A_8 = vector.shape_cast %get3A_7 : vector<1x2000x1xf32> to vector<2000x1xf32>
    %add3A = arith.addf %get3A_3, %get3A_8 : vector<2000x1xf32>
    %add3A_9 = arith.constant 1.000000e+00 : f32
    %add3A_10 = vector.broadcast %add3A_9 : f32 to vector<2000x1xf32>
    %add3A_11 = arith.addf %add3A, %add3A_10 : vector<2000x1xf32>
    %sqrt3A = math.sqrt %add3A_11 : vector<2000x1xf32>
    %div3A = arith.constant 1.000000e+00 : f32
    %div3A_12 = vector.broadcast %div3A : f32 to vector<2000x1xf32>
    %div3A_13 = arith.divf %div3A_12, %sqrt3A : vector<2000x1xf32>
    %get3A_14 = arith.constant 0 : index
    %get3A_15 = arith.constant 0 : index
    %get3A_16 = arith.constant 0 : index
    %get3A_17 = vector.load %arg1[%get3A_14, %get3A_15, %get3A_16] : memref<1x2000x64xf32, #tpu.memory_space<vmem>>, vector<1x2000x64xf32>
    %get3A_18 = vector.shape_cast %get3A_17 : vector<1x2000x64xf32> to vector<2000x64xf32>
    %get3A_19 = arith.constant 0 : index
    %get3A_20 = arith.constant 0 : index
    %get3A_21 = arith.constant 0 : index
    %get3A_22 = vector.load %arg2[%get3A_19, %get3A_20, %get3A_21] : memref<1x2000x64xf32, #tpu.memory_space<vmem>>, vector<1x2000x64xf32>
    %get3A_23 = vector.shape_cast %get3A_22 : vector<1x2000x64xf32> to vector<2000x64xf32>
    %add3A_24 = arith.addf %get3A_18, %get3A_23 : vector<2000x64xf32>
    %mul3A = vector.broadcast %div3A_13 : vector<2000x1xf32> to vector<2000x64xf32>
    %mul3A_25 = arith.mulf %add3A_24, %mul3A : vector<2000x64xf32>
    %get3A_26 = arith.constant 0 : index
    %get3A_27 = arith.constant 0 : index
    %get3A_28 = vector.load %arg5[%get3A_26, %get3A_27] : memref<1x64xf32, #tpu.memory_space<vmem>>, vector<1x64xf32>
    %add3A_29 = vector.broadcast %get3A_28 : vector<1x64xf32> to vector<2000x64xf32>
    %add3A_30 = arith.addf %mul3A_25, %add3A_29 : vector<2000x64xf32>
    %max3A = arith.constant 0.000000e+00 : f32
    %max3A_31 = vector.broadcast %max3A : f32 to vector<2000x64xf32>
    %max3A_32 = arith.maximumf %add3A_30, %max3A_31 : vector<2000x64xf32>
    %get3A_33 = arith.constant 0 : index
    %get3A_34 = arith.constant 0 : index
    %get3A_35 = vector.load %arg6[%get3A_33, %get3A_34] : memref<64x64xf32, #tpu.memory_space<vmem>>, vector<64x64xf32>
    %dot_general3A = arith.constant dense<0.000000e+00> : vector<2000x64xf32>
    %dot_general3A_36 = tpu.matmul %max3A_32, %get3A_35, %dot_general3A {dimension_numbers = #tpu.dot_dimension_numbers<[1], [0], [0], [1], [0, 0, 1, 1], [], []>, transpose_lhs_hint = false} : vector<2000x64xf32>, vector<64x64xf32>, vector<2000x64xf32> -> vector<2000x64xf32>
    %mul3A_37 = vector.broadcast %div3A_13 : vector<2000x1xf32> to vector<2000x64xf32>
    %mul3A_38 = arith.mulf %dot_general3A_36, %mul3A_37 : vector<2000x64xf32>
    %swap3A = arith.constant 0 : index
    %swap3A_39 = arith.constant 0 : index
    %swap3A_40 = vector.load %arg7[%swap3A, %swap3A_39] : memref<2000x64xf32, #tpu.memory_space<vmem>>, vector<2000x64xf32>
    tpu.vector_store %arg7[%swap3A, %swap3A_39], %mul3A_38 {strides = array<i32>} : memref<2000x64xf32, #tpu.memory_space<vmem>>, vector<2000x64xf32>,
    return
  }
  func.func @transform_0(%arg0: i32) -> (i32, i32, i32) {
    %c0_i32 = arith.constant 0 : i32
    %c0_i32_0 = arith.constant 0 : i32
    %c0_i32_1 = arith.constant 0 : i32
    return %c0_i32, %arg0, %c0_i32_0 : i32, i32, i32
  }
  func.func @transform_1(%arg0: i32) -> (i32, i32, i32) {
    %c1_i32 = arith.constant 1 : i32
    %c0_i32 = arith.constant 0 : i32
    %c0_i32_0 = arith.constant 0 : i32
    return %c1_i32, %arg0, %c0_i32 : i32, i32, i32
  }
  func.func @transform_2(%arg0: i32) -> (i32, i32, i32) {
    %c0_i32 = arith.constant 0 : i32
    %c0_i32_0 = arith.constant 0 : i32
    %c0_i32_1 = arith.constant 0 : i32
    return %c0_i32, %arg0, %c0_i32_0 : i32, i32, i32
  }
  func.func @transform_3(%arg0: i32) -> (i32, i32, i32) {
    %c1_i32 = arith.constant 1 : i32
    %c0_i32 = arith.constant 0 : i32
    %c0_i32_0 = arith.constant 0 : i32
    return %c1_i32, %arg0, %c0_i32 : i32, i32, i32
  }
  func.func @transform_4(%arg0: i32) -> (i32, i32) {
    %c0_i32 = arith.constant 0 : i32
    %c0_i32_0 = arith.constant 0 : i32
    %c0_i32_1 = arith.constant 0 : i32
    return %c0_i32, %c0_i32_0 : i32, i32
  }
  func.func @transform_5(%arg0: i32) -> (i32, i32) {
    %c0_i32 = arith.constant 0 : i32
    %c0_i32_0 = arith.constant 0 : i32
    %c0_i32_1 = arith.constant 0 : i32
    return %c0_i32, %c0_i32_0 : i32, i32
  }
  func.func @transform_6(%arg0: i32) -> (i32, i32) {
    %c0_i32 = arith.constant 0 : i32
    %c0_i32_0 = arith.constant 0 : i32
    return %arg0, %c0_i32 : i32, i32
  }
}

module attributes {stable_mosaic.version = 14 : i64} {
  func.func @_tc_final_body(%arg0: i32, %arg1: memref<1x2000x64xf32, #tpu.memory_space<vmem>>, %arg2: memref<1x2000x64xf32, #tpu.memory_space<vmem>>, %arg3: memref<1x2000x16xf32, #tpu.memory_space<vmem>>, %arg4: memref<1x2000x16xf32, #tpu.memory_space<vmem>>, %arg5: memref<1x64xf32, #tpu.memory_space<vmem>>, %arg6: memref<1x64xf32, #tpu.memory_space<vmem>>) attributes {dimension_semantics = [#tpu.dimension_semantics<arbitrary>], iteration_bounds = array<i64: 5>, scalar_prefetch = 0 : i64, scratch_operands = 0 : i64, tpu.core_type = #tpu.core_type<tc>, window_params = [{transform_indices = @transform_0, window_bounds = array<i64: 1, 2000, 64>}, {transform_indices = @transform_1, window_bounds = array<i64: 1, 2000, 64>}, {transform_indices = @transform_2, window_bounds = array<i64: 1, 2000, 16>}, {transform_indices = @transform_3, window_bounds = array<i64: 1, 2000, 16>}, {pipeline_mode = #tpu.pipeline_mode<synchronous>, transform_indices = @transform_4, window_bounds = array<i64: 1, 64>}, {pipeline_mode = #tpu.pipeline_mode<synchronous>, transform_indices = @transform_5, window_bounds = array<i64: 1, 64>}]} {
    %eq3A = arith.constant 0 : i32
    %eq3A_0 = arith.cmpi eq, %arg0, %eq3A : i32
    %convert_element_type3A = arith.extui %eq3A_0 : i1 to i32
    %cond3A = arith.constant 0 : i32
    %cond3A_1 = arith.cmpi ne, %convert_element_type3A, %cond3A : i32
    scf.if %cond3A_1 {
      %broadcast_in_dim3A_42 = arith.constant 0.000000e+00 : f32
      %broadcast_in_dim3A_43 = vector.broadcast %broadcast_in_dim3A_42 : f32 to vector<1x64xf32>
      %swap3A_44 = arith.constant 0 : index
      %swap3A_45 = arith.constant 0 : index
      %swap3A_46 = vector.load %arg6[%swap3A_44, %swap3A_45] : memref<1x64xf32, #tpu.memory_space<vmem>>, vector<1x64xf32>
      tpu.vector_store %arg6[%swap3A_44, %swap3A_45], %broadcast_in_dim3A_43 {strides = array<i32>} : memref<1x64xf32, #tpu.memory_space<vmem>>, vector<1x64xf32>,
    } else {
    }
    %get3A = arith.constant 0 : index
    %get3A_2 = arith.constant 0 : index
    %get3A_3 = arith.constant 0 : index
    %get3A_4 = vector.load %arg3[%get3A, %get3A_2, %get3A_3] : memref<1x2000x16xf32, #tpu.memory_space<vmem>>, vector<1x2000x1xf32>
    %get3A_5 = vector.shape_cast %get3A_4 : vector<1x2000x1xf32> to vector<2000x1xf32>
    %get3A_6 = arith.constant 0 : index
    %get3A_7 = arith.constant 0 : index
    %get3A_8 = arith.constant 0 : index
    %get3A_9 = vector.load %arg4[%get3A_6, %get3A_7, %get3A_8] : memref<1x2000x16xf32, #tpu.memory_space<vmem>>, vector<1x2000x1xf32>
    %get3A_10 = vector.shape_cast %get3A_9 : vector<1x2000x1xf32> to vector<2000x1xf32>
    %add3A = arith.addf %get3A_5, %get3A_10 : vector<2000x1xf32>
    %add3A_11 = arith.constant 1.000000e+00 : f32
    %add3A_12 = vector.broadcast %add3A_11 : f32 to vector<2000x1xf32>
    %add3A_13 = arith.addf %add3A, %add3A_12 : vector<2000x1xf32>
    %sqrt3A = math.sqrt %add3A_13 : vector<2000x1xf32>
    %div3A = arith.constant 1.000000e+00 : f32
    %div3A_14 = vector.broadcast %div3A : f32 to vector<2000x1xf32>
    %div3A_15 = arith.divf %div3A_14, %sqrt3A : vector<2000x1xf32>
    %get3A_16 = arith.constant 0 : index
    %get3A_17 = arith.constant 0 : index
    %get3A_18 = arith.constant 0 : index
    %get3A_19 = vector.load %arg1[%get3A_16, %get3A_17, %get3A_18] : memref<1x2000x64xf32, #tpu.memory_space<vmem>>, vector<1x2000x64xf32>
    %get3A_20 = vector.shape_cast %get3A_19 : vector<1x2000x64xf32> to vector<2000x64xf32>
    %get3A_21 = arith.constant 0 : index
    %get3A_22 = arith.constant 0 : index
    %get3A_23 = arith.constant 0 : index
    %get3A_24 = vector.load %arg2[%get3A_21, %get3A_22, %get3A_23] : memref<1x2000x64xf32, #tpu.memory_space<vmem>>, vector<1x2000x64xf32>
    %get3A_25 = vector.shape_cast %get3A_24 : vector<1x2000x64xf32> to vector<2000x64xf32>
    %add3A_26 = arith.addf %get3A_20, %get3A_25 : vector<2000x64xf32>
    %mul3A = vector.broadcast %div3A_15 : vector<2000x1xf32> to vector<2000x64xf32>
    %mul3A_27 = arith.mulf %add3A_26, %mul3A : vector<2000x64xf32>
    %get3A_28 = arith.constant 0 : index
    %get3A_29 = arith.constant 0 : index
    %get3A_30 = vector.load %arg5[%get3A_28, %get3A_29] : memref<1x64xf32, #tpu.memory_space<vmem>>, vector<1x64xf32>
    %add3A_31 = vector.broadcast %get3A_30 : vector<1x64xf32> to vector<2000x64xf32>
    %add3A_32 = arith.addf %mul3A_27, %add3A_31 : vector<2000x64xf32>
    %max3A = arith.constant 0.000000e+00 : f32
    %max3A_33 = vector.broadcast %max3A : f32 to vector<2000x64xf32>
    %max3A_34 = arith.maximumf %add3A_32, %max3A_33 : vector<2000x64xf32>
    %get3A_35 = arith.constant 0 : index
    %get3A_36 = arith.constant 0 : index
    %get3A_37 = vector.load %arg6[%get3A_35, %get3A_36] : memref<1x64xf32, #tpu.memory_space<vmem>>, vector<1x64xf32>
    %reduce_sum3A = arith.constant dense<0.000000e+00> : vector<64xf32>
    %reduce_sum3A_38 = vector.multi_reduction <add>, %max3A_34, %reduce_sum3A [0] : vector<2000x64xf32> to vector<64xf32>
    %broadcast_in_dim3A = vector.shape_cast %reduce_sum3A_38 : vector<64xf32> to vector<1x64xf32>
    %add3A_39 = arith.addf %get3A_37, %broadcast_in_dim3A : vector<1x64xf32>
    %swap3A = arith.constant 0 : index
    %swap3A_40 = arith.constant 0 : index
    %swap3A_41 = vector.load %arg6[%swap3A, %swap3A_40] : memref<1x64xf32, #tpu.memory_space<vmem>>, vector<1x64xf32>
    tpu.vector_store %arg6[%swap3A, %swap3A_40], %add3A_39 {strides = array<i32>} : memref<1x64xf32, #tpu.memory_space<vmem>>, vector<1x64xf32>,
    return
  }
  func.func @transform_0(%arg0: i32) -> (i32, i32, i32) {
    %c0_i32 = arith.constant 0 : i32
    %c0_i32_0 = arith.constant 0 : i32
    %c0_i32_1 = arith.constant 0 : i32
    return %c0_i32, %arg0, %c0_i32_0 : i32, i32, i32
  }
  func.func @transform_1(%arg0: i32) -> (i32, i32, i32) {
    %c1_i32 = arith.constant 1 : i32
    %c0_i32 = arith.constant 0 : i32
    %c0_i32_0 = arith.constant 0 : i32
    return %c1_i32, %arg0, %c0_i32 : i32, i32, i32
  }
  func.func @transform_2(%arg0: i32) -> (i32, i32, i32) {
    %c0_i32 = arith.constant 0 : i32
    %c0_i32_0 = arith.constant 0 : i32
    %c0_i32_1 = arith.constant 0 : i32
    return %c0_i32, %arg0, %c0_i32_0 : i32, i32, i32
  }
  func.func @transform_3(%arg0: i32) -> (i32, i32, i32) {
    %c1_i32 = arith.constant 1 : i32
    %c0_i32 = arith.constant 0 : i32
    %c0_i32_0 = arith.constant 0 : i32
    return %c1_i32, %arg0, %c0_i32 : i32, i32, i32
  }
  func.func @transform_4(%arg0: i32) -> (i32, i32) {
    %c0_i32 = arith.constant 0 : i32
    %c0_i32_0 = arith.constant 0 : i32
    %c0_i32_1 = arith.constant 0 : i32
    return %c0_i32, %c0_i32_0 : i32, i32
  }
  func.func @transform_5(%arg0: i32) -> (i32, i32) {
    %c0_i32 = arith.constant 0 : i32
    %c0_i32_0 = arith.constant 0 : i32
    %c0_i32_1 = arith.constant 0 : i32
    return %c0_i32, %c0_i32_0 : i32, i32
  }
}

</mosaic_0001>

<sc_bundles>
// kernel: kernel.12.cloned.1.call-start
scs
__scs_entry_jumppad:
0x0: {  	(pc) =	sbr.rel $0x88, $3  }
0x1: {  	(tag) =	ssettag $0x0;
	lr =	simm.s32 $0x1  }
0x2: {  	[smem:$0x3F99] =	sst lr;
	_ =	strace $0xD0000000  }
0x3: {  	_ = 	snop  }
0x4: {  	_ = 	snop  }
0x5: {  	_ = 	snop  }
0x6: {  	_ = 	snop  }
0x7: {  	_ = 	snop  }
__scs_overlays_trampoline_lowered:
0x8: {  	[smem:$0x3FA8] =	sst s0  }
0x9: {  	[smem:$0x3FA9] =	sst s1  }
0xa: {  	[smem:$0x3FAA] =	sst s2  }
0xb: {  	[smem:$0x3FAB] =	sst s3  }
0xc: {  	[smem:$0x3FAC] =	sst s4  }
0xd: {  	[smem:$0x3FAD] =	sst s5  }
0xe: {  	[smem:$0x3FAE] =	sst s6  }
0xf: {  	[smem:$0x3FAF] =	sst s7  }
0x10: {  	[smem:$0x3FB0] =	sst s8  }
0x11: {  	[smem:$0x3FB1] =	sst s9;
	s0 =	simm.s32 @!p0 $0x0  }
0x12: {  	s1 =	sld [smem:$0x3F97];
	s0 =	simm.s32 @p0 $0x1  }
0x13: {  	[smem:$0x3FB2] =	sst s0;
	s0 =	simm.s32 @!p1 $0x0  }
0x14: {  	s2 =	sld [smem:$0x3F96];
	s0 =	simm.s32 @p1 $0x1  }
0x15: {  	[smem:$0x3FB3] =	sst s0;
	s0 =	simm.s32 @!p2 $0x0  }
0x16: {  	s3 =	sld [smem:$0x3FDB];
	s0 =	simm.s32 @p2 $0x1  }
0x17: {  	s4 =	simm.s32 $0x1BF5;
	[smem:$0x3FB5] =	sst s0  }
0x18: {  	s0 =	sld [smem:$0x3F98];
	_ =	swait.ge [sflag:s4], $0x0  }
0x19: {  	s7 =	sld [smem:$0x3F99]  }
0x1a: {  	s8 =	sadd.s32 $0xFFFFE003, lr  }
0x1b: {  	s9 =	sadd.s32 $0xFFFFFEF7, lr;
	s5 =	simm.s32 $0xFFFFFFFF;
	p2 =	slt.u32 s8, $0xFFFFF086  }
0x1c: {  	p1 =	slt.u32 s9, $0xF7A;
	s5 =	simm.s32 @!p2 $0x0  }
0x1d: {  	s5 =	simm.s32 @p1 $0x1;
	p0 =	seq.s32 s7, s2  }
0x1e: {  	s7 =	smul.u32 @!p0 $0xF7A, s2;
	p2 =	seq.s32 @!p0 s5, $0x0  }
0x1f: {  	s9 =	smul.u32 $0xF7A, s1;
	s8 =	simm.s32 @!p0 $0x1BF5;
	p2 =	por !p2, p0  }
0x20: {  	[sflag:s8] =	ssyncset.s32 @!p0 $0xFFFFF086;
	s6 =	sadd.s32 @!p0 s3, s7;
	s7 =	simm.s32 @!p0 $0x108  }
0x21: {  	s3 =	sadd.s32 s3, s9;
	s6 =	sadd.s32 @!p0 $0x88, s6;
	s7 =	simm.s32 @p2 $0x1082  }
0x22: {  	[simem:s7], [sflag:s8] =	dma.local @!p0 [hbm:s6], $0xF7A  }
0x23: {  	s9 =	sor.u32 $0xD0000000, s2;
	s6 =	simm.s32 $0x108;
	_ =	swait.ge @!p0 [sflag:s8], $0x0  }
0x24: {  	s3 =	sadd.s32 $0x88, s3;
	s6 =	simm.s32 @!p1 $0x1082;
	[sflag:s4] =	ssyncset.s32 $0xFFFFF086  }
0x25: {  	[simem:s6], [sflag:s4] =	dma.local [hbm:s3], $0xF7A  }
0x26: {  	[smem:$0x3F99] =	sst s1;
	(tag) =	ssettag s2;
	_ =	strace s9  }
0x27: {  	s1 =	sld [smem:$0x3FA9]  }
0x28: {  	s2 =	sld [smem:$0x3FAA]  }
0x29: {  	s4 =	sld [smem:$0x3FAC]  }
0x2a: {  	p0 =	seq.s32 s5, $0x0;
	s5 =	sld [smem:$0x3FAD]  }
0x2b: {  	s6 =	sld [smem:$0x3FAE]  }
0x2c: {  	s7 =	sld [smem:$0x3FAF]  }
0x2d: {  	s3 =	simm.s32 $0x108;
	s8 =	sld [smem:$0x3FB0]  }
0x2e: {  	s3 =	simm.s32 @!p0 $0x1082;
	s9 =	sld [smem:$0x3FB1]  }
0x2f: {  	lr =	sadd.s32 s0, s3;
	s0 =	sld [smem:$0x3FA8]  }
0x30: {  	s3 =	sld [smem:$0x3FAB]  }
0x31: {  	[smem:$0x3FB4] =	sst s10  }
0x32: {  	s10 =	sld [smem:$0x3FB2];
	_ =	sdelay $0x3  }
0x33: {  	p0 =	seq.s32 s10, $0x1;
	s10 =	sld [smem:$0x3FB4];
	_ =	sdelay $0x3  }
0x34: {  	[smem:$0x3FB4] =	sst s10  }
0x35: {  	s10 =	sld [smem:$0x3FB3];
	_ =	sdelay $0x3  }
0x36: {  	p1 =	seq.s32 s10, $0x1;
	s10 =	sld [smem:$0x3FB4];
	_ =	sdelay $0x3  }
0x37: {  	[smem:$0x3FB4] =	sst s10  }
0x38: {  	s10 =	sld [smem:$0x3FB5]  }
0x39: {  	_ = 	snop;
	(pc) =	sbr.ind lr, $3  }
0x3a: {  	_ = 	snop  }
0x3b: {  	_ = 	snop  }
0x3c: {  	p2 =	seq.s32 s10, $0x1;
	s10 =	sld [smem:$0x3FB4]  }
0x3d: {  	_ =	shalt  }
0x3e: {  	_ =	shalt  }
0x3f: {  	_ =	shalt  }
0x40: {  	_ =	shalt  }
0x41: {  	_ =	shalt  }
0x42: {  	_ =	shalt  }
0x43: {  	_ =	shalt  }
0x44: {  	_ =	shalt  }
0x45: {  	_ =	shalt  }
0x46: {  	_ =	shalt  }
0x47: {  	_ =	shalt  }
0x48: {  	_ =	shalt  }
0x49: {  	_ =	shalt  }
0x4a: {  	_ =	shalt  }
0x4b: {  	_ =	shalt  }
0x4c: {  	_ =	shalt  }
0x4d: {  	_ =	shalt  }
0x4e: {  	_ =	shalt  }
0x4f: {  	_ =	shalt  }
0x50: {  	_ =	shalt  }
0x51: {  	_ =	shalt  }
0x52: {  	_ =	shalt  }
0x53: {  	_ =	shalt  }
0x54: {  	_ =	shalt  }
0x55: {  	_ =	shalt  }
0x56: {  	_ =	shalt  }
0x57: {  	_ =	shalt  }
0x58: {  	_ =	shalt  }
0x59: {  	_ =	shalt  }
0x5a: {  	_ =	shalt  }
0x5b: {  	_ =	shalt  }
0x5c: {  	_ =	shalt  }
0x5d: {  	_ =	shalt  }
0x5e: {  	_ =	shalt  }
0x5f: {  	_ =	shalt  }
0x60: {  	_ =	shalt  }
0x61: {  	_ =	shalt  }
0x62: {  	_ =	shalt  }
0x63: {  	_ =	shalt  }
0x64: {  	_ =	shalt  }
0x65: {  	_ =	shalt  }
0x66: {  	_ =	shalt  }
0x67: {  	_ =	shalt  }
0x68: {  	_ =	shalt  }
0x69: {  	_ =	shalt  }
0x6a: {  	_ =	shalt  }
0x6b: {  	_ =	shalt  }
0x6c: {  	_ =	shalt  }
0x6d: {  	_ =	shalt  }
0x6e: {  	_ =	shalt  }
0x6f: {  	_ =	shalt  }
0x70: {  	_ =	shalt  }
0x71: {  	_ =	shalt  }
0x72: {  	_ =	shalt  }
0x73: {  	_ =	shalt  }
0x74: {  	_ =	shalt  }
0x75: {  	_ =	shalt  }
0x76: {  	_ =	shalt  }
0x77: {  	_ =	shalt  }
0x78: {  	_ =	shalt  }
0x79: {  	_ =	shalt  }
0x7a: {  	_ =	shalt  }
0x7b: {  	_ =	shalt  }
0x7c: {  	_ =	shalt  }
0x7d: {  	_ =	shalt  }
0x7e: {  	_ =	shalt  }
0x7f: {  	_ =	shalt  }
0x80: {  	_ =	shalt  }
0x81: {  	_ =	shalt  }
0x82: {  	_ =	shalt  }
0x83: {  	_ =	shalt  }
0x84: {  	_ =	shalt  }
0x85: {  	_ =	shalt  }
0x86: {  	_ =	shalt  }
0x87: {  	_ =	shalt  }
.Lfunc_end0:
.L_simem_size_0:
called_computation.1_lowered:
.L_overlay_start_0:
0x88: {  	s2 =	sld [smem:$0x3FD9]  }
0x89: {  	s3 =	sld [smem:$0x3FFE];
	_ =	sdelay $0x1  }
0x8a: {  	s1 =	srdreg.scid  }
0x8b: {  	s0 =	sand.u32 $0x1, s1  }
0x8c: {  	s16 =	sshll.u32 s0, $0xA;
	s2 =	sadd.s32 s3, s2  }
0x8d: {  	s2 =	sadd.s32 s2, s16  }
0x8e: {  	[smem:$0x3FC0] =	sst s2  }
0x8f: {  	_ = 	snop  }
0x90: {  	(tm) =	ssettm $0x1  }
0x91: {  	s17 =	sld [smem:$0x3FFB];
	_ =	sdelay $0x3  }
0x92: {  	_ =	strace s17  }
0x93: {  	s2 =	sld [smem:$0x3FFC];
	_ =	sdelay $0x3  }
0x94: {  	_ =	strace s2  }
0x95: {  	s2 =	sld [smem:$0x3FFD];
	_ =	sdelay $0x3  }
0x96: {  	_ =	strace s2  }
0x97: {  	_ =	strace $0x8FFFFFFF  }
0x98: {  	s18 =	sld [smem:$0x3FDB];
	_ =	sdelay $0x1  }
0x99: {  	s19 =	simm.s32 $_scs_section_size  }
0x9a: {  	s4 =	simm.s32 $_size__tile_overlayer_lowered;
	s5 =	simm.s32 $_tile_overlayer_lowered  }
0x9b: {  	s22 =	simm.s32 $0x1BFF;
	s21 =	sshll.u32 s5, $0x1;
	s2 =	sadd.s32 s19, s18  }
0x9c: {  	s6 =	simm.s32 $0x0;
	s20 =	sshll.u32 s4, $0x1;
	s4 =	sadd.s32 s21, s2  }
0x9d: {  	[timem:s6], [sflag:s22] =	dma.local [hbm:s4], s20  }
0x9e: {  	_ =	swait.ge [sflag:s22], s20  }
0x9f: {  	s3 =	ssub.s32 $0x0, s20;
	[sflag:s22] =	ssyncset.done $0x0  }
0xa0: {  	[sflag:s22] =	ssyncadd.s32 s3;
	_ =	sdelay $0x1  }
0xa1: {  	s23 =	simm.s32 $0x1B8B  }
0xa2: {  	_ =	swait.ge [sflag:s23], $0x1  }
0xa3: {  	[sflag:s23] =	ssyncset.done $0x0  }
0xa4: {  	s25 =	simm.s32 $0x1B8E;
	s24 =	sld [smem:$0x3FFE];
	[sflag:s23] =	ssyncadd.s32 $0xFFFFFFFF  }
0xa5: {  	s26 =	simm.s32 $execute0_lowered;
	[smem:$0x3FD2] =	sst s25  }
0xa6: {  	s4 =	sshll.u32 s26, $0x1;
	_ =	strace $0x80000049;
	[dreg:$0x1] =	wrdreg $0xFFFFFFFF  }
0xa7: {  	s28 =	simm.s32 $_size_execute0_lowered;
	s2 =	sadd.s32 s2, s4;
	[dreg:$0x0] =	wrdreg $0x0  }
0xa8: {  	s4 =	sshll.u32 s28, $0x1;
	[dreg:$0x2] =	wrdreg s2  }
0xa9: {  	[dreg:$0x3] =	wrdreg s4  }
0xaa: {  	[dreg:$0x4] =	wrdreg $0xC0  }
0xab: {  	_ =	task [dreg:s6], $0x5FFFF  }
0xac: {  	[dreg:$0x1] =	wrdreg $0xFFFFFFFF  }
0xad: {  	[dreg:$0x0] =	wrdreg $0x60  }
0xae: {  	[dreg:$0x2] =	wrdreg s24  }
0xaf: {  	[dreg:$0x3] =	wrdreg $0xD0000  }
0xb0: {  	[dreg:$0x4] =	wrdreg $0x9  }
0xb1: {  	_ =	task.clear_ibuf [dreg:s6], $0x5FFFF;
	_ =	strace $0x90000049  }
0xb2: {  	s29 =	simm.s32 $0x9;
	_ =	strace $0x8000004B  }
0xb3: {  	_ =	swait.ge [sflag:s29], $0x1  }
0xb4: {  	[sflag:s29] =	ssyncadd.s32 $0xFFFFFFFF  }
0xb5: {  	_ =	strace $0x9000004B  }
0xb6: {  	_ =	sfence  }
0xb7: {  	s30 =	sld [smem:$0x0];
	_ =	sdelay $0x2  }
0xb8: {  	s31 =	sshll.u32 s1, $0xD;
	s1 =	sshrl.u32 s1, $0x2  }
0xb9: {  	s3 =	sand.u32 $0x4000, s31;
	s1 =	sadd.s32 s1, s30  }
0xba: {  	s0 =	sor.u32 s3, s0;
	s1 =	sshll.u32 s1, $0x11  }
0xbb: {  	s0 =	sor.u32 s1, s0  }
0xbc: {  	s0 =	sadd.s32 $0x8F2B, s0  }
0xbd: {  	[sflag:s0] =	ssyncadd.remote.s32 $0x1  }
0xbe: {  	_ =	sfence.sel $0xFFFF  }
0xbf: {  	[dreg:$0x0] =	wrdreg $0xFFFFFFFF;
	(pc) =	sbr.abs _section_cstart, $3  }
0xc0: {  	[dreg:$0x1] =	wrdreg $0xFFFFFFFF  }
0xc1: {  	_ =	task.clear_ibuf [dreg:s6], $0x2FFFF;
	_ =	strace $0x9FFFFFFF  }
0xc2: {  	(tm) =	ssettm $0x7FFFFFFF  }
0xc3: {  	_ =	shalt  }
tec
execute0_lowered:
.L_overlay_start_1:
0x0: {  	(tag) =	ssettag $0x1  }
0x1: {  	s0 =	rddreg [dreg:$0x0]  }
0x2: {  	s1 =	srdreg.scid;
	s15 =	stileid.u32  }
0x3: {  	s2 =	rddreg [dreg:$0x1];
	s3 =	simm.s32 $0x0;
	s22 =	simm.s32 $0x1  }
0x4: {  	s28 =	simm.s32 $0x9000;
	s30 =	simm.s32 $0xB000;
	s31 =	simm.s32 $0x2  }
0x5: {  	s29 =	simm.s32 $0x0;
	s1 =	sand.u32 $0x1, s1;
	s4 =	sshll.u32 s15, $0x1  }
0x6: {  	[smem:$0x7FF] =	sst s3;
	s13 =	sadd.s32 $0x79000, s0;
	s11 =	smul.u32 $0xA000, s15  }
0x7: {  	s24 =	smul.u32 $0x28000, s15;
	s10 =	sadd.s32 $0x96000, s2;
	s4 =	sor.u32 s1, s4  }
0x8: {  	s6 =	ssub.s32 $0x2, s1;
	p4 =	seq.s32 s1, $0x1;
	s1 =	smul.u32 $0x9C400, s1  }
0x9: {  	p0 =	seq.s32 s15, $0xF;
	_ =	strace $0x8000004A;
	s5 =	smul.u32 $0x500, s4  }
0xa: {  	s4 =	sadd.s32 $0x64200, s0;
	s8 =	sshrl.u32 s6, $0x1;
	s9 =	sshrl.u32 s11, $0x3  }
0xb: {  	p1 =	por !p4, !p0;
	p2 =	por !p4, p0;
	p3 =	por p4, !p0  }
0xc: {  	p4 =	por p4, p0;
	s6 =	ssub.s32 s6, s8;
	s8 =	sadd.s32 s11, s2  }
0xd: {  	s9 =	sadd.s32 s4, s9;
	s12 =	sadd.s32 s11, s1;
	s11 =	sadd.s32 $0x76E00, s0  }
0xe: {  	s1 =	sshrl.u32 s1, $0x3;
	s16 =	sshrl.u32 @!p1 s10, $0x3;
	s17 =	sshrl.u32 @!p3 s10, $0x3  }
0xf: {  	s7 =	sadd.s32 s5, s0;
	s5 =	sadd.s32 $0x77C00, s0;
	[dreg:$0x5] =	wrdreg s9  }
0x10: {  	s25 =	sshrl.u32 s12, $0x3;
	s26 =	sadd.s32 s13, s1;
	s14 =	smax.u32 s6, $0x1  }
0x11: {  	s0 =	sshll.u32 @!p2 s15, $0x6;
	s21 =	sshrl.u32 @!p4 s8, $0x3;
	s1 =	simm.s32 $0x6  }
0x12: {  	s23 =	sadd.s32 $0xC000, s7;
	s7 =	sadd.s32 $0x2000, s7;
	s12 =	sadd.s32 s13, s25  }
0x13: {  	s13 =	sadd.s32 $0x12C00, s26;
	s18 =	sor.u32 @!p2 $0x1C06, s0;
	s0 =	sshll.u32 @!p4 s15, $0x6  }
0x14: {  	s25 =	simm.s32 $0x7000;
	s15 =	simm.s32 $0x3;
	[dreg:$0x3] =	wrdreg s23  }
0x15: {  	s26 =	simm.s32 $0x5;
	[dreg:$0x4] =	wrdreg s7;
	s7 =	sshrl.u32 s24, $0x2  }
0x16: {  	s20 =	sor.u32 @!p4 $0x1C06, s0;
	s23 =	simm.s32 $0x80;
	s7 =	sadd.s32 s7, s2  }
0x17: {  	s24 =	simm.s32 $0x5000;
	s0 =	simm.s32 $0x4;
	s19 =	sshrl.u32 @!p2 s7, $0x3  }
.LBB2_1:
0x18: {  	s6 =	rddreg [dreg:$0x3]  }
0x19: {  	[tilespmem:s3], [sflag:$0x1] =	stream.linear.gather [hbm4b:s6+s3], $0x2800, $0x38;
	[tilespmem:$0x17440] =	vst v63  }
0x1a: {  	s9 =	rddreg [dreg:$0x4];
	s7 =	simm.s32 $0x2800;
	s6 =	simm.s32 @!p1 $0x1FC6  }
0x1b: {  	[tilespmem:s7], [sflag:$0x1] =	stream.linear.gather [hbm4b:s9+s3], $0x2800, $0x38;
	[tilespmem:$0x17440] =	vst v63  }
0x1c: {  	[spmem:s16], [sflag:s6] =	dma.local @!p1 [hbm:s5], $0xC80  }
0x1d: {  	s6 =	simm.s32 @!p1 $0x6  }
0x1e: {  	_ =	swait.ge @!p1 [sflag:s6], $0xC80  }
0x1f: {  	[sflag:s6] =	ssyncset.done @!p1 $0x0  }
0x20: {  	[sflag:s6] =	ssyncadd.s32 @!p1 $0xFFFFF380;
	s6 =	simm.s32 @!p3 $0x1FC6  }
0x21: {  	[spmem:s17], [sflag:s6] =	dma.local @!p3 [hbm:s11], $0xC80  }
0x22: {  	s6 =	simm.s32 @!p3 $0x6  }
0x23: {  	_ =	swait.ge @!p3 [sflag:s6], $0xC80  }
0x24: {  	[sflag:s6] =	ssyncset.done @!p3 $0x0  }
0x25: {  	[sflag:s6] =	ssyncadd.s32 @!p3 $0xFFFFF380;
	s6 =	simm.s32 @!p2 $0x6  }
0x26: {  	[spmem:s19], [sflag:s18] =	dma.local @!p2 [hbm:s5], $0x1400  }
0x27: {  	_ =	swait.ge @!p2 [sflag:s6], $0x1400  }
0x28: {  	[sflag:s6] =	ssyncset.done @!p2 $0x0  }
0x29: {  	[sflag:s6] =	ssyncadd.s32 @!p2 $0xFFFFEC00;
	s6 =	rddreg [dreg:$0x5]  }
0x2a: {  	[spmem:s21], [sflag:s20] =	dma.local @!p4 [hbm:s6], $0x1400  }
0x2b: {  	s6 =	simm.s32 @!p4 $0x6  }
0x2c: {  	_ =	swait.ge @!p4 [sflag:s6], $0x1400  }
0x2d: {  	[sflag:s6] =	ssyncset.done @!p4 $0x0  }
0x2e: {  	[sflag:s6] =	ssyncadd.s32 @!p4 $0xFFFFEC00  }
0x2f: {  	_ =	swait.ge [sflag:s22], $0x2800  }
0x30: {  	[sflag:s22] =	ssyncset.done $0x0  }
0x31: {  	[sflag:s22] =	ssyncadd.s32 $0xFFFFD800  }
0x32: {  	_ =	swait.ge [sflag:s22], $0x2800  }
0x33: {  	[sflag:s22] =	ssyncset.done $0x0  }
0x34: {  	[sflag:s22] =	ssyncadd.s32 $0xFFFFD800  }
0x35: {  	[tilespmem:s24], [sflag:$0x2] =	stream.indirect.gather [hbm4b:s4+s23], $0x40, s3, s23, $0xb8;
	[tilespmem:$0x17440] =	vst v63  }
0x36: {  	_ = 	snop  }
0x37: {  	[tilespmem:s25], [sflag:$0x3] =	stream.indirect.gather [hbm4b:s4+s23], $0x40, s23, s23, $0xb8;
	[tilespmem:$0x17440] =	vst v63  }
0x38: {  	s9 =	simm.s32 $0x100  }
0x39: {  	[tilespmem:s28], [sflag:$0x4] =	stream.indirect.gather [hbm4b:s4+s23], $0x40, s9, s23, $0xb8;
	[tilespmem:$0x17440] =	vst v63  }
0x3a: {  	s7 =	simm.s32 $0x180  }
0x3b: {  	[tilespmem:s30], [sflag:$0x5] =	stream.indirect.gather [hbm4b:s4+s23], $0x40, s7, s23, $0xb8;
	[tilespmem:$0x17440] =	vst v63  }
0x3c: {  	[bflag:$0x0] =	sbarrier.arrive $0xFFFF  }
0x3d: {  	_ =	swait.ge [sflag:s31], $0x2000  }
0x3e: {  	[sflag:s31] =	ssyncset.done $0x0  }
0x3f: {  	s9 =	simm.s32 $0x2800;
	[sflag:s31] =	ssyncadd.s32 $0xFFFFE000  }
0x40: {  	[spmem:s2] =	stream.indirect.scatter.add.f32 [tilespmem:s24], [sflag:$0x6], $0x40, s9, s23, $0xb8;
	[tilespmem:$0x17440] =	vst v63  }
0x41: {  	_ =	swait.ge [sflag:s1], $0x2000  }
0x42: {  	[sflag:s1] =	ssyncset.done $0x0  }
0x43: {  	s7 =	simm.s32 $0x200;
	[sflag:s1] =	ssyncadd.s32 $0xFFFFE000  }
0x44: {  	[tilespmem:s24], [sflag:$0x2] =	stream.indirect.gather [hbm4b:s4+s23], $0x40, s7, s23, $0xb8;
	[tilespmem:$0x17440] =	vst v63  }
0x45: {  	_ =	swait.ge [sflag:s15], $0x2000  }
0x46: {  	[sflag:s15] =	ssyncset.done $0x0  }
0x47: {  	s9 =	simm.s32 $0x2880;
	[sflag:s15] =	ssyncadd.s32 $0xFFFFE000  }
0x48: {  	[spmem:s2] =	stream.indirect.scatter.add.f32 [tilespmem:s25], [sflag:$0x6], $0x40, s9, s23, $0xb8;
	[tilespmem:$0x17440] =	vst v63  }
0x49: {  	_ =	swait.ge [sflag:s1], $0x2000  }
0x4a: {  	[sflag:s1] =	ssyncset.done $0x0  }
0x4b: {  	s7 =	simm.s32 $0x280;
	[sflag:s1] =	ssyncadd.s32 $0xFFFFE000  }
0x4c: {  	[tilespmem:s25], [sflag:$0x3] =	stream.indirect.gather [hbm4b:s4+s23], $0x40, s7, s23, $0xb8;
	[tilespmem:$0x17440] =	vst v63  }
0x4d: {  	_ =	swait.ge [sflag:s0], $0x2000  }
0x4e: {  	[sflag:s0] =	ssyncset.done $0x0  }
0x4f: {  	s9 =	simm.s32 $0x2900;
	[sflag:s0] =	ssyncadd.s32 $0xFFFFE000  }
0x50: {  	[spmem:s2] =	stream.indirect.scatter.add.f32 [tilespmem:s28], [sflag:$0x6], $0x40, s9, s23, $0xb8;
	[tilespmem:$0x17440] =	vst v63  }
0x51: {  	_ =	swait.ge [sflag:s1], $0x2000  }
0x52: {  	[sflag:s1] =	ssyncset.done $0x0  }
0x53: {  	s7 =	simm.s32 $0x300;
	[sflag:s1] =	ssyncadd.s32 $0xFFFFE000  }
0x54: {  	[tilespmem:s28], [sflag:$0x4] =	stream.indirect.gather [hbm4b:s4+s23], $0x40, s7, s23, $0xb8;
	[tilespmem:$0x17440] =	vst v63  }
0x55: {  	_ =	swait.ge [sflag:s26], $0x2000  }
0x56: {  	[sflag:s26] =	ssyncset.done $0x0  }
0x57: {  	s9 =	simm.s32 $0x2980;
	[sflag:s26] =	ssyncadd.s32 $0xFFFFE000  }
0x58: {  	[spmem:s2] =	stream.indirect.scatter.add.f32 [tilespmem:s30], [sflag:$0x6], $0x40, s9, s23, $0xb8;
	[tilespmem:$0x17440] =	vst v63  }
0x59: {  	_ =	swait.ge [sflag:s1], $0x2000  }
0x5a: {  	[sflag:s1] =	ssyncset.done $0x0  }
0x5b: {  	s6 =	simm.s32 $0x800;
	s7 =	simm.s32 $0x380;
	[sflag:s1] =	ssyncadd.s32 $0xFFFFE000  }
.LBB2_2:
0x5c: {  	[tilespmem:s30], [sflag:$0x5] =	stream.indirect.gather [hbm4b:s4+s23], $0x40, s7, s23, $0xb8;
	[tilespmem:$0x17440] =	vst v63  }
0x5d: {  	s7 =	smov.u32 s6  }
0x5e: {  	p5 =	sne.s32 s6, $0x9000;
	s6 =	sadd.s32 $0x800, s6;
	_ =	swait.ge [sflag:s31], $0x2000  }
0x5f: {  	s7 =	sshra.s32 s7, $0x2;
	[sflag:s31] =	ssyncset.done $0x0  }
0x60: {  	s9 =	sadd.s32 $0x2800, s7;
	[sflag:s31] =	ssyncadd.s32 $0xFFFFE000  }
0x61: {  	[spmem:s2] =	stream.indirect.scatter.add.f32 [tilespmem:s24], [sflag:$0x6], $0x40, s9, s23, $0xb8;
	[tilespmem:$0x17440] =	vst v63  }
0x62: {  	_ =	swait.ge [sflag:s1], $0x2000  }
0x63: {  	[sflag:s1] =	ssyncset.done $0x0  }
0x64: {  	s9 =	sadd.s32 $0x200, s7;
	[sflag:s1] =	ssyncadd.s32 $0xFFFFE000  }
0x65: {  	[tilespmem:s24], [sflag:$0x2] =	stream.indirect.gather [hbm4b:s4+s23], $0x40, s9, s23, $0xb8;
	[tilespmem:$0x17440] =	vst v63  }
0x66: {  	_ =	swait.ge [sflag:s15], $0x2000  }
0x67: {  	[sflag:s15] =	ssyncset.done $0x0  }
0x68: {  	s9 =	sadd.s32 $0x2880, s7;
	[sflag:s15] =	ssyncadd.s32 $0xFFFFE000  }
0x69: {  	[spmem:s2] =	stream.indirect.scatter.add.f32 [tilespmem:s25], [sflag:$0x6], $0x40, s9, s23, $0xb8;
	[tilespmem:$0x17440] =	vst v63  }
0x6a: {  	_ =	swait.ge [sflag:s1], $0x2000  }
0x6b: {  	[sflag:s1] =	ssyncset.done $0x0  }
0x6c: {  	s9 =	sadd.s32 $0x280, s7;
	[sflag:s1] =	ssyncadd.s32 $0xFFFFE000  }
0x6d: {  	[tilespmem:s25], [sflag:$0x3] =	stream.indirect.gather [hbm4b:s4+s23], $0x40, s9, s23, $0xb8;
	[tilespmem:$0x17440] =	vst v63  }
0x6e: {  	_ =	swait.ge [sflag:s0], $0x2000  }
0x6f: {  	[sflag:s0] =	ssyncset.done $0x0  }
0x70: {  	s9 =	sadd.s32 $0x2900, s7;
	[sflag:s0] =	ssyncadd.s32 $0xFFFFE000  }
0x71: {  	[spmem:s2] =	stream.indirect.scatter.add.f32 [tilespmem:s28], [sflag:$0x6], $0x40, s9, s23, $0xb8;
	[tilespmem:$0x17440] =	vst v63  }
0x72: {  	_ =	swait.ge [sflag:s1], $0x2000  }
0x73: {  	[sflag:s1] =	ssyncset.done $0x0  }
0x74: {  	s9 =	sadd.s32 $0x300, s7;
	[sflag:s1] =	ssyncadd.s32 $0xFFFFE000  }
0x75: {  	[tilespmem:s28], [sflag:$0x4] =	stream.indirect.gather [hbm4b:s4+s23], $0x40, s9, s23, $0xb8;
	[tilespmem:$0x17440] =	vst v63  }
0x76: {  	_ =	swait.ge [sflag:s26], $0x2000  }
0x77: {  	[sflag:s26] =	ssyncset.done $0x0  }
.Ltmp0:
0x78: {  	s9 =	sadd.s32 $0x2980, s7;
	[sflag:s26] =	ssyncadd.s32 $0xFFFFE000;
	(pc) =	sbr.rel @p5 .LBB2_2-.Ltmp0, $4  }
0x79: {  	[spmem:s2] =	stream.indirect.scatter.add.f32 [tilespmem:s30], [sflag:$0x6], $0x40, s9, s23, $0xb8;
	[tilespmem:$0x17440] =	vst v63  }
0x7a: {  	_ =	swait.ge [sflag:s1], $0x2000  }
0x7b: {  	[sflag:s1] =	ssyncset.done $0x0  }
0x7c: {  	s7 =	sadd.s32 $0x380, s7;
	[sflag:s1] =	ssyncadd.s32 $0xFFFFE000  }
0x7d: {  	[tilespmem:s30], [sflag:$0x5] =	stream.indirect.gather [hbm4b:s4+s23], $0x40, s7, s23, $0xb8;
	[tilespmem:$0x17440] =	vst v63  }
0x7e: {  	_ =	swait.ge [sflag:s31], $0x2000  }
0x7f: {  	[sflag:s31] =	ssyncset.done $0x0  }
0x80: {  	s6 =	simm.s32 $0x4E00;
	[sflag:s31] =	ssyncadd.s32 $0xFFFFE000  }
0x81: {  	[spmem:s2] =	stream.indirect.scatter.add.f32 [tilespmem:s24], [sflag:$0x6], $0x40, s6, s23, $0xb8;
	[tilespmem:$0x17440] =	vst v63  }
0x82: {  	_ =	swait.ge [sflag:s1], $0x2000  }
0x83: {  	[sflag:s1] =	ssyncset.done $0x0  }
0x84: {  	[sflag:s1] =	ssyncadd.s32 $0xFFFFE000  }
0x85: {  	_ =	swait.ge [sflag:s15], $0x2000  }
0x86: {  	[sflag:s15] =	ssyncset.done $0x0  }
0x87: {  	s9 =	simm.s32 $0x4E80;
	[sflag:s15] =	ssyncadd.s32 $0xFFFFE000  }
0x88: {  	[spmem:s2] =	stream.indirect.scatter.add.f32 [tilespmem:s25], [sflag:$0x6], $0x40, s9, s23, $0xb8;
	[tilespmem:$0x17440] =	vst v63  }
0x89: {  	_ =	swait.ge [sflag:s1], $0x2000  }
0x8a: {  	[sflag:s1] =	ssyncset.done $0x0  }
0x8b: {  	[sflag:s1] =	ssyncadd.s32 $0xFFFFE000  }
0x8c: {  	_ =	swait.ge [sflag:s0], $0x2000  }
0x8d: {  	[sflag:s0] =	ssyncset.done $0x0  }
0x8e: {  	s7 =	simm.s32 $0x4F00;
	[sflag:s0] =	ssyncadd.s32 $0xFFFFE000  }
0x8f: {  	[spmem:s2] =	stream.indirect.scatter.add.f32 [tilespmem:s28], [sflag:$0x6], $0x40, s7, s23, $0xb8;
	[tilespmem:$0x17440] =	vst v63  }
0x90: {  	_ =	swait.ge [sflag:s1], $0x2000  }
0x91: {  	[sflag:s1] =	ssyncset.done $0x0  }
0x92: {  	[sflag:s1] =	ssyncadd.s32 $0xFFFFE000  }
0x93: {  	_ =	swait.ge [sflag:s26], $0x2000  }
0x94: {  	[sflag:s26] =	ssyncset.done $0x0  }
0x95: {  	s9 =	simm.s32 $0x4F80;
	[sflag:s26] =	ssyncadd.s32 $0xFFFFE000  }
0x96: {  	[spmem:s2] =	stream.indirect.scatter.add.f32 [tilespmem:s30], [sflag:$0x6], $0x40, s9, s23, $0xb8;
	[tilespmem:$0x17440] =	vst v63  }
0x97: {  	_ =	swait.ge [sflag:s1], $0x2000  }
0x98: {  	[sflag:s1] =	ssyncset.done $0x0  }
0x99: {  	[sflag:s1] =	ssyncadd.s32 $0xFFFFE000  }
0x9a: {  	s6 =	sshrl.u32 @p0 s10, $0x3;
	s7 =	simm.s32 @p0 $0x1FC6;
	[bflag:$0x0] =	sbarrier.arrive $0xFFFF  }
0x9b: {  	[hbm:s13], [sflag:s7] =	dma.local @p0 [spmem:s6], $0xC80  }
0x9c: {  	s6 =	simm.s32 @p0 $0x6  }
0x9d: {  	s29 =	sadd.s32 $0x1, s29;
	s7 =	stileid.u32;
	_ =	swait.ge @p0 [sflag:s6], $0xC80  }
0x9e: {  	p5 =	sne.s32 s29, s14;
	s7 =	sshll.u32 @!p0 s7, $0x6;
	[sflag:s6] =	ssyncset.done @p0 $0x0  }
0x9f: {  	[sflag:s6] =	ssyncadd.s32 @p0 $0xFFFFF380;
	s6 =	sor.u32 @!p0 $0x1C06, s7;
	s7 =	sshrl.u32 @!p0 s8, $0x3  }
0xa0: {  	[hbm:s12], [sflag:s6] =	dma.local @!p0 [spmem:s7], $0x1400  }
.Ltmp1:
0xa1: {  	_ = 	snop;
	(pc) =	sbr.rel @p5 .LBB2_1-.Ltmp1, $4  }
0xa2: {  	s6 =	simm.s32 @!p0 $0x6  }
0xa3: {  	_ =	swait.ge @!p0 [sflag:s6], $0x1400  }
0xa4: {  	[sflag:s6] =	ssyncset.done @!p0 $0x0  }
0xa5: {  	[sflag:s6] =	ssyncadd.s32 @!p0 $0xFFFFEC00  }
0xa6: {  	_ =	sfence.sel $0x180000  }
0xa7: {  	[bflag:$0x0] =	sbarrier.arrive $0xFFFF  }
0xa8: {  	_ =	strace $0x9000004A  }
0xa9: {  	s0 =	stileid.u32;
	[bflag:$0x2] =	sbarrier.arrive $0xFFFF  }
0xaa: {  	p0 =	sne.s32 s0, $0x0;
	s0 =	rddreg [dreg:$0x2]  }
0xab: {  	s0 =	sadd.s32 @!p0 $0x100000, s0  }
0xac: {  	[sflag:s0] =	ssyncadd.tile.s32 @!p0 $0x1;
	_ =	shalt  }
.Lfunc_end2:
_tile_overlayer_lowered:
.L_overlay_start_2:
0xad: {  	(tag) =	ssettag $0x2  }
0xae: {  	s0 =	rddreg [dreg:$0x0];
	s2 =	stileid.u32  }
0xaf: {  	s1 =	rddreg [dreg:$0x1];
	p0 =	sne.s32 s2, $0x0  }
0xb0: {  	s3 =	rddreg [dreg:$0x2];
	[bflag:$0x3] =	sbarrier.arrive $0xFFFF;
	s2 =	simm.s32 @!p0 $0x1C06  }
0xb1: {  	[timem:s3], [sflag:s2] =	dma.local @!p0 [hbm:s0], s1  }
0xb2: {  	s0 =	simm.s32 @!p0 $0x6  }
0xb3: {  	_ =	swait.ge @!p0 [sflag:s0], s1  }
0xb4: {  	s1 =	ssub.s32 @!p0 $0x0, s1;
	[sflag:s0] =	ssyncset.done @!p0 $0x0  }
0xb5: {  	[sflag:s0] =	ssyncadd.s32 @!p0 s1  }
0xb6: {  	[bflag:$0x3] =	sbarrier.arrive $0xFFFF  }
0xb7: {  	_ =	shalt  }

// kernel: kernel.15.cloned.1.call-start
scs
__scs_entry_jumppad:
0x0: {  	(pc) =	sbr.rel $0x88, $3  }
0x1: {  	(tag) =	ssettag $0x0;
	lr =	simm.s32 $0x1  }
0x2: {  	[smem:$0x3F99] =	sst lr;
	_ =	strace $0xD0000000  }
0x3: {  	_ = 	snop  }
0x4: {  	_ = 	snop  }
0x5: {  	_ = 	snop  }
0x6: {  	_ = 	snop  }
0x7: {  	_ = 	snop  }
__scs_overlays_trampoline_lowered:
0x8: {  	[smem:$0x3FA8] =	sst s0  }
0x9: {  	[smem:$0x3FA9] =	sst s1  }
0xa: {  	[smem:$0x3FAA] =	sst s2  }
0xb: {  	[smem:$0x3FAB] =	sst s3  }
0xc: {  	[smem:$0x3FAC] =	sst s4  }
0xd: {  	[smem:$0x3FAD] =	sst s5  }
0xe: {  	[smem:$0x3FAE] =	sst s6  }
0xf: {  	[smem:$0x3FAF] =	sst s7  }
0x10: {  	[smem:$0x3FB0] =	sst s8  }
0x11: {  	[smem:$0x3FB1] =	sst s9;
	s0 =	simm.s32 @!p0 $0x0  }
0x12: {  	s1 =	sld [smem:$0x3F97];
	s0 =	simm.s32 @p0 $0x1  }
0x13: {  	[smem:$0x3FB2] =	sst s0;
	s0 =	simm.s32 @!p1 $0x0  }
0x14: {  	s2 =	sld [smem:$0x3F96];
	s0 =	simm.s32 @p1 $0x1  }
0x15: {  	[smem:$0x3FB3] =	sst s0;
	s0 =	simm.s32 @!p2 $0x0  }
0x16: {  	s3 =	sld [smem:$0x3FDB];
	s0 =	simm.s32 @p2 $0x1  }
0x17: {  	s4 =	simm.s32 $0x1BF5;
	[smem:$0x3FB5] =	sst s0  }
0x18: {  	s0 =	sld [smem:$0x3F98];
	_ =	swait.ge [sflag:s4], $0x0  }
0x19: {  	s7 =	sld [smem:$0x3F99]  }
0x1a: {  	s8 =	sadd.s32 $0xFFFFE003, lr  }
0x1b: {  	s9 =	sadd.s32 $0xFFFFFEF7, lr;
	s5 =	simm.s32 $0xFFFFFFFF;
	p2 =	slt.u32 s8, $0xFFFFF086  }
0x1c: {  	p1 =	slt.u32 s9, $0xF7A;
	s5 =	simm.s32 @!p2 $0x0  }
0x1d: {  	s5 =	simm.s32 @p1 $0x1;
	p0 =	seq.s32 s7, s2  }
0x1e: {  	s7 =	smul.u32 @!p0 $0xF7A, s2;
	p2 =	seq.s32 @!p0 s5, $0x0  }
0x1f: {  	s9 =	smul.u32 $0xF7A, s1;
	s8 =	simm.s32 @!p0 $0x1BF5;
	p2 =	por !p2, p0  }
0x20: {  	[sflag:s8] =	ssyncset.s32 @!p0 $0xFFFFF086;
	s6 =	sadd.s32 @!p0 s3, s7;
	s7 =	simm.s32 @!p0 $0x108  }
0x21: {  	s3 =	sadd.s32 s3, s9;
	s6 =	sadd.s32 @!p0 $0x88, s6;
	s7 =	simm.s32 @p2 $0x1082  }
0x22: {  	[simem:s7], [sflag:s8] =	dma.local @!p0 [hbm:s6], $0xF7A  }
0x23: {  	s9 =	sor.u32 $0xD0000000, s2;
	s6 =	simm.s32 $0x108;
	_ =	swait.ge @!p0 [sflag:s8], $0x0  }
0x24: {  	s3 =	sadd.s32 $0x88, s3;
	s6 =	simm.s32 @!p1 $0x1082;
	[sflag:s4] =	ssyncset.s32 $0xFFFFF086  }
0x25: {  	[simem:s6], [sflag:s4] =	dma.local [hbm:s3], $0xF7A  }
0x26: {  	[smem:$0x3F99] =	sst s1;
	(tag) =	ssettag s2;
	_ =	strace s9  }
0x27: {  	s1 =	sld [smem:$0x3FA9]  }
0x28: {  	s2 =	sld [smem:$0x3FAA]  }
0x29: {  	s4 =	sld [smem:$0x3FAC]  }
0x2a: {  	p0 =	seq.s32 s5, $0x0;
	s5 =	sld [smem:$0x3FAD]  }
0x2b: {  	s6 =	sld [smem:$0x3FAE]  }
0x2c: {  	s7 =	sld [smem:$0x3FAF]  }
0x2d: {  	s3 =	simm.s32 $0x108;
	s8 =	sld [smem:$0x3FB0]  }
0x2e: {  	s3 =	simm.s32 @!p0 $0x1082;
	s9 =	sld [smem:$0x3FB1]  }
0x2f: {  	lr =	sadd.s32 s0, s3;
	s0 =	sld [smem:$0x3FA8]  }
0x30: {  	s3 =	sld [smem:$0x3FAB]  }
0x31: {  	[smem:$0x3FB4] =	sst s10  }
0x32: {  	s10 =	sld [smem:$0x3FB2];
	_ =	sdelay $0x3  }
0x33: {  	p0 =	seq.s32 s10, $0x1;
	s10 =	sld [smem:$0x3FB4];
	_ =	sdelay $0x3  }
0x34: {  	[smem:$0x3FB4] =	sst s10  }
0x35: {  	s10 =	sld [smem:$0x3FB3];
	_ =	sdelay $0x3  }
0x36: {  	p1 =	seq.s32 s10, $0x1;
	s10 =	sld [smem:$0x3FB4];
	_ =	sdelay $0x3  }
0x37: {  	[smem:$0x3FB4] =	sst s10  }
0x38: {  	s10 =	sld [smem:$0x3FB5]  }
0x39: {  	_ = 	snop;
	(pc) =	sbr.ind lr, $3  }
0x3a: {  	_ = 	snop  }
0x3b: {  	_ = 	snop  }
0x3c: {  	p2 =	seq.s32 s10, $0x1;
	s10 =	sld [smem:$0x3FB4]  }
0x3d: {  	_ =	shalt  }
0x3e: {  	_ =	shalt  }
0x3f: {  	_ =	shalt  }
0x40: {  	_ =	shalt  }
0x41: {  	_ =	shalt  }
0x42: {  	_ =	shalt  }
0x43: {  	_ =	shalt  }
0x44: {  	_ =	shalt  }
0x45: {  	_ =	shalt  }
0x46: {  	_ =	shalt  }
0x47: {  	_ =	shalt  }
0x48: {  	_ =	shalt  }
0x49: {  	_ =	shalt  }
0x4a: {  	_ =	shalt  }
0x4b: {  	_ =	shalt  }
0x4c: {  	_ =	shalt  }
0x4d: {  	_ =	shalt  }
0x4e: {  	_ =	shalt  }
0x4f: {  	_ =	shalt  }
0x50: {  	_ =	shalt  }
0x51: {  	_ =	shalt  }
0x52: {  	_ =	shalt  }
0x53: {  	_ =	shalt  }
0x54: {  	_ =	shalt  }
0x55: {  	_ =	shalt  }
0x56: {  	_ =	shalt  }
0x57: {  	_ =	shalt  }
0x58: {  	_ =	shalt  }
0x59: {  	_ =	shalt  }
0x5a: {  	_ =	shalt  }
0x5b: {  	_ =	shalt  }
0x5c: {  	_ =	shalt  }
0x5d: {  	_ =	shalt  }
0x5e: {  	_ =	shalt  }
0x5f: {  	_ =	shalt  }
0x60: {  	_ =	shalt  }
0x61: {  	_ =	shalt  }
0x62: {  	_ =	shalt  }
0x63: {  	_ =	shalt  }
0x64: {  	_ =	shalt  }
0x65: {  	_ =	shalt  }
0x66: {  	_ =	shalt  }
0x67: {  	_ =	shalt  }
0x68: {  	_ =	shalt  }
0x69: {  	_ =	shalt  }
0x6a: {  	_ =	shalt  }
0x6b: {  	_ =	shalt  }
0x6c: {  	_ =	shalt  }
0x6d: {  	_ =	shalt  }
0x6e: {  	_ =	shalt  }
0x6f: {  	_ =	shalt  }
0x70: {  	_ =	shalt  }
0x71: {  	_ =	shalt  }
0x72: {  	_ =	shalt  }
0x73: {  	_ =	shalt  }
0x74: {  	_ =	shalt  }
0x75: {  	_ =	shalt  }
0x76: {  	_ =	shalt  }
0x77: {  	_ =	shalt  }
0x78: {  	_ =	shalt  }
0x79: {  	_ =	shalt  }
0x7a: {  	_ =	shalt  }
0x7b: {  	_ =	shalt  }
0x7c: {  	_ =	shalt  }
0x7d: {  	_ =	shalt  }
0x7e: {  	_ =	shalt  }
0x7f: {  	_ =	shalt  }
0x80: {  	_ =	shalt  }
0x81: {  	_ =	shalt  }
0x82: {  	_ =	shalt  }
0x83: {  	_ =	shalt  }
0x84: {  	_ =	shalt  }
0x85: {  	_ =	shalt  }
0x86: {  	_ =	shalt  }
0x87: {  	_ =	shalt  }
.Lfunc_end0:
.L_simem_size_0:
called_computation.2_lowered:
.L_overlay_start_0:
0x88: {  	s2 =	sld [smem:$0x3FD9]  }
0x89: {  	s3 =	sld [smem:$0x3FFE];
	_ =	sdelay $0x1  }
0x8a: {  	s1 =	srdreg.scid  }
0x8b: {  	s0 =	sand.u32 $0x1, s1  }
0x8c: {  	s16 =	sshll.u32 s0, $0xA;
	s2 =	sadd.s32 s3, s2  }
0x8d: {  	s2 =	sadd.s32 s2, s16  }
0x8e: {  	[smem:$0x3FC0] =	sst s2  }
0x8f: {  	_ = 	snop  }
0x90: {  	(tm) =	ssettm $0x1  }
0x91: {  	s17 =	sld [smem:$0x3FFB];
	_ =	sdelay $0x3  }
0x92: {  	_ =	strace s17  }
0x93: {  	s2 =	sld [smem:$0x3FFC];
	_ =	sdelay $0x3  }
0x94: {  	_ =	strace s2  }
0x95: {  	s2 =	sld [smem:$0x3FFD];
	_ =	sdelay $0x3  }
0x96: {  	_ =	strace s2  }
0x97: {  	_ =	strace $0x8FFFFFFF  }
0x98: {  	s18 =	sld [smem:$0x3FDB];
	_ =	sdelay $0x1  }
0x99: {  	s19 =	simm.s32 $_scs_section_size  }
0x9a: {  	s4 =	simm.s32 $_size__tile_overlayer_lowered;
	s5 =	simm.s32 $_tile_overlayer_lowered  }
0x9b: {  	s22 =	simm.s32 $0x1BFF;
	s21 =	sshll.u32 s5, $0x1;
	s2 =	sadd.s32 s19, s18  }
0x9c: {  	s6 =	simm.s32 $0x0;
	s20 =	sshll.u32 s4, $0x1;
	s4 =	sadd.s32 s21, s2  }
0x9d: {  	[timem:s6], [sflag:s22] =	dma.local [hbm:s4], s20  }
0x9e: {  	_ =	swait.ge [sflag:s22], s20  }
0x9f: {  	s3 =	ssub.s32 $0x0, s20;
	[sflag:s22] =	ssyncset.done $0x0  }
0xa0: {  	[sflag:s22] =	ssyncadd.s32 s3;
	_ =	sdelay $0x1  }
0xa1: {  	s23 =	simm.s32 $0x1B8B  }
0xa2: {  	_ =	swait.ge [sflag:s23], $0x1  }
0xa3: {  	[sflag:s23] =	ssyncset.done $0x0  }
0xa4: {  	s25 =	simm.s32 $0x1B8E;
	s24 =	sld [smem:$0x3FFE];
	[sflag:s23] =	ssyncadd.s32 $0xFFFFFFFF  }
0xa5: {  	s26 =	simm.s32 $execute0_lowered;
	[smem:$0x3FD2] =	sst s25  }
0xa6: {  	s4 =	sshll.u32 s26, $0x1;
	_ =	strace $0x8000004C;
	[dreg:$0x1] =	wrdreg $0xFFFFFFFF  }
0xa7: {  	s28 =	simm.s32 $_size_execute0_lowered;
	s2 =	sadd.s32 s2, s4;
	[dreg:$0x0] =	wrdreg $0x0  }
0xa8: {  	s4 =	sshll.u32 s28, $0x1;
	[dreg:$0x2] =	wrdreg s2  }
0xa9: {  	[dreg:$0x3] =	wrdreg s4  }
0xaa: {  	[dreg:$0x4] =	wrdreg $0xC0  }
0xab: {  	_ =	task [dreg:s6], $0x5FFFF  }
0xac: {  	[dreg:$0x1] =	wrdreg $0xFFFFFFFF  }
0xad: {  	[dreg:$0x0] =	wrdreg $0x60  }
0xae: {  	[dreg:$0x2] =	wrdreg s24  }
0xaf: {  	[dreg:$0x3] =	wrdreg $0xD0000  }
0xb0: {  	[dreg:$0x4] =	wrdreg $0x9  }
0xb1: {  	_ =	task.clear_ibuf [dreg:s6], $0x5FFFF;
	_ =	strace $0x9000004C  }
0xb2: {  	s29 =	simm.s32 $0x9;
	_ =	strace $0x8000004E  }
0xb3: {  	_ =	swait.ge [sflag:s29], $0x1  }
0xb4: {  	[sflag:s29] =	ssyncadd.s32 $0xFFFFFFFF  }
0xb5: {  	_ =	strace $0x9000004E  }
0xb6: {  	_ =	sfence  }
0xb7: {  	s30 =	sld [smem:$0x0];
	_ =	sdelay $0x2  }
0xb8: {  	s31 =	sshll.u32 s1, $0xD;
	s1 =	sshrl.u32 s1, $0x2  }
0xb9: {  	s3 =	sand.u32 $0x4000, s31;
	s1 =	sadd.s32 s1, s30  }
0xba: {  	s0 =	sor.u32 s3, s0;
	s1 =	sshll.u32 s1, $0x11  }
0xbb: {  	s0 =	sor.u32 s1, s0  }
0xbc: {  	s0 =	sadd.s32 $0x8F2B, s0  }
0xbd: {  	[sflag:s0] =	ssyncadd.remote.s32 $0x1  }
0xbe: {  	_ =	sfence.sel $0xFFFF  }
0xbf: {  	[dreg:$0x0] =	wrdreg $0xFFFFFFFF;
	(pc) =	sbr.abs _section_cstart, $3  }
0xc0: {  	[dreg:$0x1] =	wrdreg $0xFFFFFFFF  }
0xc1: {  	_ =	task.clear_ibuf [dreg:s6], $0x2FFFF;
	_ =	strace $0x9FFFFFFF  }
0xc2: {  	(tm) =	ssettm $0x7FFFFFFF  }
0xc3: {  	_ =	shalt  }
tec
execute0_lowered:
.L_overlay_start_1:
0x0: {  	(tag) =	ssettag $0x1  }
0x1: {  	s0 =	rddreg [dreg:$0x0]  }
0x2: {  	s1 =	srdreg.scid;
	s15 =	stileid.u32  }
0x3: {  	s2 =	rddreg [dreg:$0x1];
	s3 =	simm.s32 $0x0;
	s22 =	simm.s32 $0x1  }
0x4: {  	s28 =	simm.s32 $0x9000;
	s30 =	simm.s32 $0xB000;
	s31 =	simm.s32 $0x2  }
0x5: {  	s29 =	simm.s32 $0x0;
	s1 =	sand.u32 $0x1, s1;
	s4 =	sshll.u32 s15, $0x1  }
0x6: {  	[smem:$0x7FF] =	sst s3;
	s13 =	sadd.s32 $0x79000, s0;
	s11 =	smul.u32 $0xA000, s15  }
0x7: {  	s24 =	smul.u32 $0x28000, s15;
	s10 =	sadd.s32 $0x96000, s2;
	s4 =	sor.u32 s1, s4  }
0x8: {  	s6 =	ssub.s32 $0x2, s1;
	p4 =	seq.s32 s1, $0x1;
	s1 =	smul.u32 $0x9C400, s1  }
0x9: {  	p0 =	seq.s32 s15, $0xF;
	_ =	strace $0x8000004D;
	s5 =	smul.u32 $0x500, s4  }
0xa: {  	s4 =	sadd.s32 $0x64200, s0;
	s8 =	sshrl.u32 s6, $0x1;
	s9 =	sshrl.u32 s11, $0x3  }
0xb: {  	p1 =	por !p4, !p0;
	p2 =	por !p4, p0;
	p3 =	por p4, !p0  }
0xc: {  	p4 =	por p4, p0;
	s6 =	ssub.s32 s6, s8;
	s8 =	sadd.s32 s11, s2  }
0xd: {  	s9 =	sadd.s32 s4, s9;
	s12 =	sadd.s32 s11, s1;
	s11 =	sadd.s32 $0x76E00, s0  }
0xe: {  	s1 =	sshrl.u32 s1, $0x3;
	s16 =	sshrl.u32 @!p1 s10, $0x3;
	s17 =	sshrl.u32 @!p3 s10, $0x3  }
0xf: {  	s7 =	sadd.s32 s5, s0;
	s5 =	sadd.s32 $0x77C00, s0;
	[dreg:$0x5] =	wrdreg s9  }
0x10: {  	s25 =	sshrl.u32 s12, $0x3;
	s26 =	sadd.s32 s13, s1;
	s14 =	smax.u32 s6, $0x1  }
0x11: {  	s0 =	sshll.u32 @!p2 s15, $0x6;
	s21 =	sshrl.u32 @!p4 s8, $0x3;
	s1 =	simm.s32 $0x6  }
0x12: {  	s23 =	sadd.s32 $0xC000, s7;
	s7 =	sadd.s32 $0x2000, s7;
	s12 =	sadd.s32 s13, s25  }
0x13: {  	s13 =	sadd.s32 $0x12C00, s26;
	s18 =	sor.u32 @!p2 $0x1C06, s0;
	s0 =	sshll.u32 @!p4 s15, $0x6  }
0x14: {  	s25 =	simm.s32 $0x7000;
	s15 =	simm.s32 $0x3;
	[dreg:$0x3] =	wrdreg s23  }
0x15: {  	s26 =	simm.s32 $0x5;
	[dreg:$0x4] =	wrdreg s7;
	s7 =	sshrl.u32 s24, $0x2  }
0x16: {  	s20 =	sor.u32 @!p4 $0x1C06, s0;
	s23 =	simm.s32 $0x80;
	s7 =	sadd.s32 s7, s2  }
0x17: {  	s24 =	simm.s32 $0x5000;
	s0 =	simm.s32 $0x4;
	s19 =	sshrl.u32 @!p2 s7, $0x3  }
.LBB2_1:
0x18: {  	s6 =	rddreg [dreg:$0x3]  }
0x19: {  	[tilespmem:s3], [sflag:$0x1] =	stream.linear.gather [hbm4b:s6+s3], $0x2800, $0x38;
	[tilespmem:$0x17440] =	vst v63  }
0x1a: {  	s9 =	rddreg [dreg:$0x4];
	s7 =	simm.s32 $0x2800;
	s6 =	simm.s32 @!p1 $0x1FC6  }
0x1b: {  	[tilespmem:s7], [sflag:$0x1] =	stream.linear.gather [hbm4b:s9+s3], $0x2800, $0x38;
	[tilespmem:$0x17440] =	vst v63  }
0x1c: {  	[spmem:s16], [sflag:s6] =	dma.local @!p1 [hbm:s5], $0xC80  }
0x1d: {  	s6 =	simm.s32 @!p1 $0x6  }
0x1e: {  	_ =	swait.ge @!p1 [sflag:s6], $0xC80  }
0x1f: {  	[sflag:s6] =	ssyncset.done @!p1 $0x0  }
0x20: {  	[sflag:s6] =	ssyncadd.s32 @!p1 $0xFFFFF380;
	s6 =	simm.s32 @!p3 $0x1FC6  }
0x21: {  	[spmem:s17], [sflag:s6] =	dma.local @!p3 [hbm:s11], $0xC80  }
0x22: {  	s6 =	simm.s32 @!p3 $0x6  }
0x23: {  	_ =	swait.ge @!p3 [sflag:s6], $0xC80  }
0x24: {  	[sflag:s6] =	ssyncset.done @!p3 $0x0  }
0x25: {  	[sflag:s6] =	ssyncadd.s32 @!p3 $0xFFFFF380;
	s6 =	simm.s32 @!p2 $0x6  }
0x26: {  	[spmem:s19], [sflag:s18] =	dma.local @!p2 [hbm:s5], $0x1400  }
0x27: {  	_ =	swait.ge @!p2 [sflag:s6], $0x1400  }
0x28: {  	[sflag:s6] =	ssyncset.done @!p2 $0x0  }
0x29: {  	[sflag:s6] =	ssyncadd.s32 @!p2 $0xFFFFEC00;
	s6 =	rddreg [dreg:$0x5]  }
0x2a: {  	[spmem:s21], [sflag:s20] =	dma.local @!p4 [hbm:s6], $0x1400  }
0x2b: {  	s6 =	simm.s32 @!p4 $0x6  }
0x2c: {  	_ =	swait.ge @!p4 [sflag:s6], $0x1400  }
0x2d: {  	[sflag:s6] =	ssyncset.done @!p4 $0x0  }
0x2e: {  	[sflag:s6] =	ssyncadd.s32 @!p4 $0xFFFFEC00  }
0x2f: {  	_ =	swait.ge [sflag:s22], $0x2800  }
0x30: {  	[sflag:s22] =	ssyncset.done $0x0  }
0x31: {  	[sflag:s22] =	ssyncadd.s32 $0xFFFFD800  }
0x32: {  	_ =	swait.ge [sflag:s22], $0x2800  }
0x33: {  	[sflag:s22] =	ssyncset.done $0x0  }
0x34: {  	[sflag:s22] =	ssyncadd.s32 $0xFFFFD800  }
0x35: {  	[tilespmem:s24], [sflag:$0x2] =	stream.indirect.gather [hbm4b:s4+s23], $0x40, s3, s23, $0xb8;
	[tilespmem:$0x17440] =	vst v63  }
0x36: {  	_ = 	snop  }
0x37: {  	[tilespmem:s25], [sflag:$0x3] =	stream.indirect.gather [hbm4b:s4+s23], $0x40, s23, s23, $0xb8;
	[tilespmem:$0x17440] =	vst v63  }
0x38: {  	s9 =	simm.s32 $0x100  }
0x39: {  	[tilespmem:s28], [sflag:$0x4] =	stream.indirect.gather [hbm4b:s4+s23], $0x40, s9, s23, $0xb8;
	[tilespmem:$0x17440] =	vst v63  }
0x3a: {  	s7 =	simm.s32 $0x180  }
0x3b: {  	[tilespmem:s30], [sflag:$0x5] =	stream.indirect.gather [hbm4b:s4+s23], $0x40, s7, s23, $0xb8;
	[tilespmem:$0x17440] =	vst v63  }
0x3c: {  	[bflag:$0x0] =	sbarrier.arrive $0xFFFF  }
0x3d: {  	_ =	swait.ge [sflag:s31], $0x2000  }
0x3e: {  	[sflag:s31] =	ssyncset.done $0x0  }
0x3f: {  	s9 =	simm.s32 $0x2800;
	[sflag:s31] =	ssyncadd.s32 $0xFFFFE000  }
0x40: {  	[spmem:s2] =	stream.indirect.scatter.add.f32 [tilespmem:s24], [sflag:$0x6], $0x40, s9, s23, $0xb8;
	[tilespmem:$0x17440] =	vst v63  }
0x41: {  	_ =	swait.ge [sflag:s1], $0x2000  }
0x42: {  	[sflag:s1] =	ssyncset.done $0x0  }
0x43: {  	s7 =	simm.s32 $0x200;
	[sflag:s1] =	ssyncadd.s32 $0xFFFFE000  }
0x44: {  	[tilespmem:s24], [sflag:$0x2] =	stream.indirect.gather [hbm4b:s4+s23], $0x40, s7, s23, $0xb8;
	[tilespmem:$0x17440] =	vst v63  }
0x45: {  	_ =	swait.ge [sflag:s15], $0x2000  }
0x46: {  	[sflag:s15] =	ssyncset.done $0x0  }
0x47: {  	s9 =	simm.s32 $0x2880;
	[sflag:s15] =	ssyncadd.s32 $0xFFFFE000  }
0x48: {  	[spmem:s2] =	stream.indirect.scatter.add.f32 [tilespmem:s25], [sflag:$0x6], $0x40, s9, s23, $0xb8;
	[tilespmem:$0x17440] =	vst v63  }
0x49: {  	_ =	swait.ge [sflag:s1], $0x2000  }
0x4a: {  	[sflag:s1] =	ssyncset.done $0x0  }
0x4b: {  	s7 =	simm.s32 $0x280;
	[sflag:s1] =	ssyncadd.s32 $0xFFFFE000  }
0x4c: {  	[tilespmem:s25], [sflag:$0x3] =	stream.indirect.gather [hbm4b:s4+s23], $0x40, s7, s23, $0xb8;
	[tilespmem:$0x17440] =	vst v63  }
0x4d: {  	_ =	swait.ge [sflag:s0], $0x2000  }
0x4e: {  	[sflag:s0] =	ssyncset.done $0x0  }
0x4f: {  	s9 =	simm.s32 $0x2900;
	[sflag:s0] =	ssyncadd.s32 $0xFFFFE000  }
0x50: {  	[spmem:s2] =	stream.indirect.scatter.add.f32 [tilespmem:s28], [sflag:$0x6], $0x40, s9, s23, $0xb8;
	[tilespmem:$0x17440] =	vst v63  }
0x51: {  	_ =	swait.ge [sflag:s1], $0x2000  }
0x52: {  	[sflag:s1] =	ssyncset.done $0x0  }
0x53: {  	s7 =	simm.s32 $0x300;
	[sflag:s1] =	ssyncadd.s32 $0xFFFFE000  }
0x54: {  	[tilespmem:s28], [sflag:$0x4] =	stream.indirect.gather [hbm4b:s4+s23], $0x40, s7, s23, $0xb8;
	[tilespmem:$0x17440] =	vst v63  }
0x55: {  	_ =	swait.ge [sflag:s26], $0x2000  }
0x56: {  	[sflag:s26] =	ssyncset.done $0x0  }
0x57: {  	s9 =	simm.s32 $0x2980;
	[sflag:s26] =	ssyncadd.s32 $0xFFFFE000  }
0x58: {  	[spmem:s2] =	stream.indirect.scatter.add.f32 [tilespmem:s30], [sflag:$0x6], $0x40, s9, s23, $0xb8;
	[tilespmem:$0x17440] =	vst v63  }
0x59: {  	_ =	swait.ge [sflag:s1], $0x2000  }
0x5a: {  	[sflag:s1] =	ssyncset.done $0x0  }
0x5b: {  	s6 =	simm.s32 $0x800;
	s7 =	simm.s32 $0x380;
	[sflag:s1] =	ssyncadd.s32 $0xFFFFE000  }
.LBB2_2:
0x5c: {  	[tilespmem:s30], [sflag:$0x5] =	stream.indirect.gather [hbm4b:s4+s23], $0x40, s7, s23, $0xb8;
	[tilespmem:$0x17440] =	vst v63  }
0x5d: {  	s7 =	smov.u32 s6  }
0x5e: {  	p5 =	sne.s32 s6, $0x9000;
	s6 =	sadd.s32 $0x800, s6;
	_ =	swait.ge [sflag:s31], $0x2000  }
0x5f: {  	s7 =	sshra.s32 s7, $0x2;
	[sflag:s31] =	ssyncset.done $0x0  }
0x60: {  	s9 =	sadd.s32 $0x2800, s7;
	[sflag:s31] =	ssyncadd.s32 $0xFFFFE000  }
0x61: {  	[spmem:s2] =	stream.indirect.scatter.add.f32 [tilespmem:s24], [sflag:$0x6], $0x40, s9, s23, $0xb8;
	[tilespmem:$0x17440] =	vst v63  }
0x62: {  	_ =	swait.ge [sflag:s1], $0x2000  }
0x63: {  	[sflag:s1] =	ssyncset.done $0x0  }
0x64: {  	s9 =	sadd.s32 $0x200, s7;
	[sflag:s1] =	ssyncadd.s32 $0xFFFFE000  }
0x65: {  	[tilespmem:s24], [sflag:$0x2] =	stream.indirect.gather [hbm4b:s4+s23], $0x40, s9, s23, $0xb8;
	[tilespmem:$0x17440] =	vst v63  }
0x66: {  	_ =	swait.ge [sflag:s15], $0x2000  }
0x67: {  	[sflag:s15] =	ssyncset.done $0x0  }
0x68: {  	s9 =	sadd.s32 $0x2880, s7;
	[sflag:s15] =	ssyncadd.s32 $0xFFFFE000  }
0x69: {  	[spmem:s2] =	stream.indirect.scatter.add.f32 [tilespmem:s25], [sflag:$0x6], $0x40, s9, s23, $0xb8;
	[tilespmem:$0x17440] =	vst v63  }
0x6a: {  	_ =	swait.ge [sflag:s1], $0x2000  }
0x6b: {  	[sflag:s1] =	ssyncset.done $0x0  }
0x6c: {  	s9 =	sadd.s32 $0x280, s7;
	[sflag:s1] =	ssyncadd.s32 $0xFFFFE000  }
0x6d: {  	[tilespmem:s25], [sflag:$0x3] =	stream.indirect.gather [hbm4b:s4+s23], $0x40, s9, s23, $0xb8;
	[tilespmem:$0x17440] =	vst v63  }
0x6e: {  	_ =	swait.ge [sflag:s0], $0x2000  }
0x6f: {  	[sflag:s0] =	ssyncset.done $0x0  }
0x70: {  	s9 =	sadd.s32 $0x2900, s7;
	[sflag:s0] =	ssyncadd.s32 $0xFFFFE000  }
0x71: {  	[spmem:s2] =	stream.indirect.scatter.add.f32 [tilespmem:s28], [sflag:$0x6], $0x40, s9, s23, $0xb8;
	[tilespmem:$0x17440] =	vst v63  }
0x72: {  	_ =	swait.ge [sflag:s1], $0x2000  }
0x73: {  	[sflag:s1] =	ssyncset.done $0x0  }
0x74: {  	s9 =	sadd.s32 $0x300, s7;
	[sflag:s1] =	ssyncadd.s32 $0xFFFFE000  }
0x75: {  	[tilespmem:s28], [sflag:$0x4] =	stream.indirect.gather [hbm4b:s4+s23], $0x40, s9, s23, $0xb8;
	[tilespmem:$0x17440] =	vst v63  }
0x76: {  	_ =	swait.ge [sflag:s26], $0x2000  }
0x77: {  	[sflag:s26] =	ssyncset.done $0x0  }
.Ltmp0:
0x78: {  	s9 =	sadd.s32 $0x2980, s7;
	[sflag:s26] =	ssyncadd.s32 $0xFFFFE000;
	(pc) =	sbr.rel @p5 .LBB2_2-.Ltmp0, $4  }
0x79: {  	[spmem:s2] =	stream.indirect.scatter.add.f32 [tilespmem:s30], [sflag:$0x6], $0x40, s9, s23, $0xb8;
	[tilespmem:$0x17440] =	vst v63  }
0x7a: {  	_ =	swait.ge [sflag:s1], $0x2000  }
0x7b: {  	[sflag:s1] =	ssyncset.done $0x0  }
0x7c: {  	s7 =	sadd.s32 $0x380, s7;
	[sflag:s1] =	ssyncadd.s32 $0xFFFFE000  }
0x7d: {  	[tilespmem:s30], [sflag:$0x5] =	stream.indirect.gather [hbm4b:s4+s23], $0x40, s7, s23, $0xb8;
	[tilespmem:$0x17440] =	vst v63  }
0x7e: {  	_ =	swait.ge [sflag:s31], $0x2000  }
0x7f: {  	[sflag:s31] =	ssyncset.done $0x0  }
0x80: {  	s6 =	simm.s32 $0x4E00;
	[sflag:s31] =	ssyncadd.s32 $0xFFFFE000  }
0x81: {  	[spmem:s2] =	stream.indirect.scatter.add.f32 [tilespmem:s24], [sflag:$0x6], $0x40, s6, s23, $0xb8;
	[tilespmem:$0x17440] =	vst v63  }
0x82: {  	_ =	swait.ge [sflag:s1], $0x2000  }
0x83: {  	[sflag:s1] =	ssyncset.done $0x0  }
0x84: {  	[sflag:s1] =	ssyncadd.s32 $0xFFFFE000  }
0x85: {  	_ =	swait.ge [sflag:s15], $0x2000  }
0x86: {  	[sflag:s15] =	ssyncset.done $0x0  }
0x87: {  	s9 =	simm.s32 $0x4E80;
	[sflag:s15] =	ssyncadd.s32 $0xFFFFE000  }
0x88: {  	[spmem:s2] =	stream.indirect.scatter.add.f32 [tilespmem:s25], [sflag:$0x6], $0x40, s9, s23, $0xb8;
	[tilespmem:$0x17440] =	vst v63  }
0x89: {  	_ =	swait.ge [sflag:s1], $0x2000  }
0x8a: {  	[sflag:s1] =	ssyncset.done $0x0  }
0x8b: {  	[sflag:s1] =	ssyncadd.s32 $0xFFFFE000  }
0x8c: {  	_ =	swait.ge [sflag:s0], $0x2000  }
0x8d: {  	[sflag:s0] =	ssyncset.done $0x0  }
0x8e: {  	s7 =	simm.s32 $0x4F00;
	[sflag:s0] =	ssyncadd.s32 $0xFFFFE000  }
0x8f: {  	[spmem:s2] =	stream.indirect.scatter.add.f32 [tilespmem:s28], [sflag:$0x6], $0x40, s7, s23, $0xb8;
	[tilespmem:$0x17440] =	vst v63  }
0x90: {  	_ =	swait.ge [sflag:s1], $0x2000  }
0x91: {  	[sflag:s1] =	ssyncset.done $0x0  }
0x92: {  	[sflag:s1] =	ssyncadd.s32 $0xFFFFE000  }
0x93: {  	_ =	swait.ge [sflag:s26], $0x2000  }
0x94: {  	[sflag:s26] =	ssyncset.done $0x0  }
0x95: {  	s9 =	simm.s32 $0x4F80;
	[sflag:s26] =	ssyncadd.s32 $0xFFFFE000  }
0x96: {  	[spmem:s2] =	stream.indirect.scatter.add.f32 [tilespmem:s30], [sflag:$0x6], $0x40, s9, s23, $0xb8;
	[tilespmem:$0x17440] =	vst v63  }
0x97: {  	_ =	swait.ge [sflag:s1], $0x2000  }
0x98: {  	[sflag:s1] =	ssyncset.done $0x0  }
0x99: {  	[sflag:s1] =	ssyncadd.s32 $0xFFFFE000  }
0x9a: {  	s6 =	sshrl.u32 @p0 s10, $0x3;
	s7 =	simm.s32 @p0 $0x1FC6;
	[bflag:$0x0] =	sbarrier.arrive $0xFFFF  }
0x9b: {  	[hbm:s13], [sflag:s7] =	dma.local @p0 [spmem:s6], $0xC80  }
0x9c: {  	s6 =	simm.s32 @p0 $0x6  }
0x9d: {  	s29 =	sadd.s32 $0x1, s29;
	s7 =	stileid.u32;
	_ =	swait.ge @p0 [sflag:s6], $0xC80  }
0x9e: {  	p5 =	sne.s32 s29, s14;
	s7 =	sshll.u32 @!p0 s7, $0x6;
	[sflag:s6] =	ssyncset.done @p0 $0x0  }
0x9f: {  	[sflag:s6] =	ssyncadd.s32 @p0 $0xFFFFF380;
	s6 =	sor.u32 @!p0 $0x1C06, s7;
	s7 =	sshrl.u32 @!p0 s8, $0x3  }
0xa0: {  	[hbm:s12], [sflag:s6] =	dma.local @!p0 [spmem:s7], $0x1400  }
.Ltmp1:
0xa1: {  	_ = 	snop;
	(pc) =	sbr.rel @p5 .LBB2_1-.Ltmp1, $4  }
0xa2: {  	s6 =	simm.s32 @!p0 $0x6  }
0xa3: {  	_ =	swait.ge @!p0 [sflag:s6], $0x1400  }
0xa4: {  	[sflag:s6] =	ssyncset.done @!p0 $0x0  }
0xa5: {  	[sflag:s6] =	ssyncadd.s32 @!p0 $0xFFFFEC00  }
0xa6: {  	_ =	sfence.sel $0x180000  }
0xa7: {  	[bflag:$0x0] =	sbarrier.arrive $0xFFFF  }
0xa8: {  	_ =	strace $0x9000004D  }
0xa9: {  	s0 =	stileid.u32;
	[bflag:$0x2] =	sbarrier.arrive $0xFFFF  }
0xaa: {  	p0 =	sne.s32 s0, $0x0;
	s0 =	rddreg [dreg:$0x2]  }
0xab: {  	s0 =	sadd.s32 @!p0 $0x100000, s0  }
0xac: {  	[sflag:s0] =	ssyncadd.tile.s32 @!p0 $0x1;
	_ =	shalt  }
.Lfunc_end2:
_tile_overlayer_lowered:
.L_overlay_start_2:
0xad: {  	(tag) =	ssettag $0x2  }
0xae: {  	s0 =	rddreg [dreg:$0x0];
	s2 =	stileid.u32  }
0xaf: {  	s1 =	rddreg [dreg:$0x1];
	p0 =	sne.s32 s2, $0x0  }
0xb0: {  	s3 =	rddreg [dreg:$0x2];
	[bflag:$0x3] =	sbarrier.arrive $0xFFFF;
	s2 =	simm.s32 @!p0 $0x1C06  }
0xb1: {  	[timem:s3], [sflag:s2] =	dma.local @!p0 [hbm:s0], s1  }
0xb2: {  	s0 =	simm.s32 @!p0 $0x6  }
0xb3: {  	_ =	swait.ge @!p0 [sflag:s0], s1  }
0xb4: {  	s1 =	ssub.s32 @!p0 $0x0, s1;
	[sflag:s0] =	ssyncset.done @!p0 $0x0  }
0xb5: {  	[sflag:s0] =	ssyncadd.s32 @!p0 s1  }
0xb6: {  	[bflag:$0x3] =	sbarrier.arrive $0xFFFF  }
0xb7: {  	_ =	shalt  }

// kernel: kernel.9.cloned.1.call-start
scs
__scs_entry_jumppad:
0x0: {  	(pc) =	sbr.rel $0x88, $3  }
0x1: {  	(tag) =	ssettag $0x0;
	lr =	simm.s32 $0x1  }
0x2: {  	[smem:$0x3F99] =	sst lr;
	_ =	strace $0xD0000000  }
0x3: {  	_ = 	snop  }
0x4: {  	_ = 	snop  }
0x5: {  	_ = 	snop  }
0x6: {  	_ = 	snop  }
0x7: {  	_ = 	snop  }
__scs_overlays_trampoline_lowered:
0x8: {  	[smem:$0x3FA8] =	sst s0  }
0x9: {  	[smem:$0x3FA9] =	sst s1  }
0xa: {  	[smem:$0x3FAA] =	sst s2  }
0xb: {  	[smem:$0x3FAB] =	sst s3  }
0xc: {  	[smem:$0x3FAC] =	sst s4  }
0xd: {  	[smem:$0x3FAD] =	sst s5  }
0xe: {  	[smem:$0x3FAE] =	sst s6  }
0xf: {  	[smem:$0x3FAF] =	sst s7  }
0x10: {  	[smem:$0x3FB0] =	sst s8  }
0x11: {  	[smem:$0x3FB1] =	sst s9;
	s0 =	simm.s32 @!p0 $0x0  }
0x12: {  	s1 =	sld [smem:$0x3F97];
	s0 =	simm.s32 @p0 $0x1  }
0x13: {  	[smem:$0x3FB2] =	sst s0;
	s0 =	simm.s32 @!p1 $0x0  }
0x14: {  	s2 =	sld [smem:$0x3F96];
	s0 =	simm.s32 @p1 $0x1  }
0x15: {  	[smem:$0x3FB3] =	sst s0;
	s0 =	simm.s32 @!p2 $0x0  }
0x16: {  	s3 =	sld [smem:$0x3FDB];
	s0 =	simm.s32 @p2 $0x1  }
0x17: {  	s4 =	simm.s32 $0x1BF5;
	[smem:$0x3FB5] =	sst s0  }
0x18: {  	s0 =	sld [smem:$0x3F98];
	_ =	swait.ge [sflag:s4], $0x0  }
0x19: {  	s7 =	sld [smem:$0x3F99]  }
0x1a: {  	s8 =	sadd.s32 $0xFFFFE003, lr  }
0x1b: {  	s9 =	sadd.s32 $0xFFFFFEF7, lr;
	s5 =	simm.s32 $0xFFFFFFFF;
	p2 =	slt.u32 s8, $0xFFFFF086  }
0x1c: {  	p1 =	slt.u32 s9, $0xF7A;
	s5 =	simm.s32 @!p2 $0x0  }
0x1d: {  	s5 =	simm.s32 @p1 $0x1;
	p0 =	seq.s32 s7, s2  }
0x1e: {  	s7 =	smul.u32 @!p0 $0xF7A, s2;
	p2 =	seq.s32 @!p0 s5, $0x0  }
0x1f: {  	s9 =	smul.u32 $0xF7A, s1;
	s8 =	simm.s32 @!p0 $0x1BF5;
	p2 =	por !p2, p0  }
0x20: {  	[sflag:s8] =	ssyncset.s32 @!p0 $0xFFFFF086;
	s6 =	sadd.s32 @!p0 s3, s7;
	s7 =	simm.s32 @!p0 $0x108  }
0x21: {  	s3 =	sadd.s32 s3, s9;
	s6 =	sadd.s32 @!p0 $0x88, s6;
	s7 =	simm.s32 @p2 $0x1082  }
0x22: {  	[simem:s7], [sflag:s8] =	dma.local @!p0 [hbm:s6], $0xF7A  }
0x23: {  	s9 =	sor.u32 $0xD0000000, s2;
	s6 =	simm.s32 $0x108;
	_ =	swait.ge @!p0 [sflag:s8], $0x0  }
0x24: {  	s3 =	sadd.s32 $0x88, s3;
	s6 =	simm.s32 @!p1 $0x1082;
	[sflag:s4] =	ssyncset.s32 $0xFFFFF086  }
0x25: {  	[simem:s6], [sflag:s4] =	dma.local [hbm:s3], $0xF7A  }
0x26: {  	[smem:$0x3F99] =	sst s1;
	(tag) =	ssettag s2;
	_ =	strace s9  }
0x27: {  	s1 =	sld [smem:$0x3FA9]  }
0x28: {  	s2 =	sld [smem:$0x3FAA]  }
0x29: {  	s4 =	sld [smem:$0x3FAC]  }
0x2a: {  	p0 =	seq.s32 s5, $0x0;
	s5 =	sld [smem:$0x3FAD]  }
0x2b: {  	s6 =	sld [smem:$0x3FAE]  }
0x2c: {  	s7 =	sld [smem:$0x3FAF]  }
0x2d: {  	s3 =	simm.s32 $0x108;
	s8 =	sld [smem:$0x3FB0]  }
0x2e: {  	s3 =	simm.s32 @!p0 $0x1082;
	s9 =	sld [smem:$0x3FB1]  }
0x2f: {  	lr =	sadd.s32 s0, s3;
	s0 =	sld [smem:$0x3FA8]  }
0x30: {  	s3 =	sld [smem:$0x3FAB]  }
0x31: {  	[smem:$0x3FB4] =	sst s10  }
0x32: {  	s10 =	sld [smem:$0x3FB2];
	_ =	sdelay $0x3  }
0x33: {  	p0 =	seq.s32 s10, $0x1;
	s10 =	sld [smem:$0x3FB4];
	_ =	sdelay $0x3  }
0x34: {  	[smem:$0x3FB4] =	sst s10  }
0x35: {  	s10 =	sld [smem:$0x3FB3];
	_ =	sdelay $0x3  }
0x36: {  	p1 =	seq.s32 s10, $0x1;
	s10 =	sld [smem:$0x3FB4];
	_ =	sdelay $0x3  }
0x37: {  	[smem:$0x3FB4] =	sst s10  }
0x38: {  	s10 =	sld [smem:$0x3FB5]  }
0x39: {  	_ = 	snop;
	(pc) =	sbr.ind lr, $3  }
0x3a: {  	_ = 	snop  }
0x3b: {  	_ = 	snop  }
0x3c: {  	p2 =	seq.s32 s10, $0x1;
	s10 =	sld [smem:$0x3FB4]  }
0x3d: {  	_ =	shalt  }
0x3e: {  	_ =	shalt  }
0x3f: {  	_ =	shalt  }
0x40: {  	_ =	shalt  }
0x41: {  	_ =	shalt  }
0x42: {  	_ =	shalt  }
0x43: {  	_ =	shalt  }
0x44: {  	_ =	shalt  }
0x45: {  	_ =	shalt  }
0x46: {  	_ =	shalt  }
0x47: {  	_ =	shalt  }
0x48: {  	_ =	shalt  }
0x49: {  	_ =	shalt  }
0x4a: {  	_ =	shalt  }
0x4b: {  	_ =	shalt  }
0x4c: {  	_ =	shalt  }
0x4d: {  	_ =	shalt  }
0x4e: {  	_ =	shalt  }
0x4f: {  	_ =	shalt  }
0x50: {  	_ =	shalt  }
0x51: {  	_ =	shalt  }
0x52: {  	_ =	shalt  }
0x53: {  	_ =	shalt  }
0x54: {  	_ =	shalt  }
0x55: {  	_ =	shalt  }
0x56: {  	_ =	shalt  }
0x57: {  	_ =	shalt  }
0x58: {  	_ =	shalt  }
0x59: {  	_ =	shalt  }
0x5a: {  	_ =	shalt  }
0x5b: {  	_ =	shalt  }
0x5c: {  	_ =	shalt  }
0x5d: {  	_ =	shalt  }
0x5e: {  	_ =	shalt  }
0x5f: {  	_ =	shalt  }
0x60: {  	_ =	shalt  }
0x61: {  	_ =	shalt  }
0x62: {  	_ =	shalt  }
0x63: {  	_ =	shalt  }
0x64: {  	_ =	shalt  }
0x65: {  	_ =	shalt  }
0x66: {  	_ =	shalt  }
0x67: {  	_ =	shalt  }
0x68: {  	_ =	shalt  }
0x69: {  	_ =	shalt  }
0x6a: {  	_ =	shalt  }
0x6b: {  	_ =	shalt  }
0x6c: {  	_ =	shalt  }
0x6d: {  	_ =	shalt  }
0x6e: {  	_ =	shalt  }
0x6f: {  	_ =	shalt  }
0x70: {  	_ =	shalt  }
0x71: {  	_ =	shalt  }
0x72: {  	_ =	shalt  }
0x73: {  	_ =	shalt  }
0x74: {  	_ =	shalt  }
0x75: {  	_ =	shalt  }
0x76: {  	_ =	shalt  }
0x77: {  	_ =	shalt  }
0x78: {  	_ =	shalt  }
0x79: {  	_ =	shalt  }
0x7a: {  	_ =	shalt  }
0x7b: {  	_ =	shalt  }
0x7c: {  	_ =	shalt  }
0x7d: {  	_ =	shalt  }
0x7e: {  	_ =	shalt  }
0x7f: {  	_ =	shalt  }
0x80: {  	_ =	shalt  }
0x81: {  	_ =	shalt  }
0x82: {  	_ =	shalt  }
0x83: {  	_ =	shalt  }
0x84: {  	_ =	shalt  }
0x85: {  	_ =	shalt  }
0x86: {  	_ =	shalt  }
0x87: {  	_ =	shalt  }
.Lfunc_end0:
.L_simem_size_0:
called_computation_lowered:
.L_overlay_start_0:
0x88: {  	s2 =	sld [smem:$0x3FD9]  }
0x89: {  	s3 =	sld [smem:$0x3FFE];
	_ =	sdelay $0x1  }
0x8a: {  	s1 =	srdreg.scid  }
0x8b: {  	s0 =	sand.u32 $0x1, s1  }
0x8c: {  	s16 =	sshll.u32 s0, $0xA;
	s2 =	sadd.s32 s3, s2  }
0x8d: {  	s2 =	sadd.s32 s2, s16  }
0x8e: {  	[smem:$0x3FC0] =	sst s2  }
0x8f: {  	_ = 	snop  }
0x90: {  	(tm) =	ssettm $0x1  }
0x91: {  	s17 =	sld [smem:$0x3FFB];
	_ =	sdelay $0x3  }
0x92: {  	_ =	strace s17  }
0x93: {  	s2 =	sld [smem:$0x3FFC];
	_ =	sdelay $0x3  }
0x94: {  	_ =	strace s2  }
0x95: {  	s2 =	sld [smem:$0x3FFD];
	_ =	sdelay $0x3  }
0x96: {  	_ =	strace s2  }
0x97: {  	_ =	strace $0x8FFFFFFF  }
0x98: {  	s18 =	sld [smem:$0x3FDB];
	_ =	sdelay $0x1  }
0x99: {  	s19 =	simm.s32 $_scs_section_size  }
0x9a: {  	s4 =	simm.s32 $_size__tile_overlayer_lowered;
	s5 =	simm.s32 $_tile_overlayer_lowered  }
0x9b: {  	s22 =	simm.s32 $0x1BFF;
	s21 =	sshll.u32 s5, $0x1;
	s2 =	sadd.s32 s19, s18  }
0x9c: {  	s6 =	simm.s32 $0x0;
	s20 =	sshll.u32 s4, $0x1;
	s4 =	sadd.s32 s21, s2  }
0x9d: {  	[timem:s6], [sflag:s22] =	dma.local [hbm:s4], s20  }
0x9e: {  	_ =	swait.ge [sflag:s22], s20  }
0x9f: {  	s3 =	ssub.s32 $0x0, s20;
	[sflag:s22] =	ssyncset.done $0x0  }
0xa0: {  	[sflag:s22] =	ssyncadd.s32 s3;
	_ =	sdelay $0x1  }
0xa1: {  	s23 =	simm.s32 $0x1B8B  }
0xa2: {  	_ =	swait.ge [sflag:s23], $0x1  }
0xa3: {  	[sflag:s23] =	ssyncset.done $0x0  }
0xa4: {  	s25 =	simm.s32 $0x1B8E;
	s24 =	sld [smem:$0x3FFE];
	[sflag:s23] =	ssyncadd.s32 $0xFFFFFFFF  }
0xa5: {  	s26 =	simm.s32 $execute0_lowered;
	[smem:$0x3FD2] =	sst s25  }
0xa6: {  	s4 =	sshll.u32 s26, $0x1;
	_ =	strace $0x80000046;
	[dreg:$0x1] =	wrdreg $0xFFFFFFFF  }
0xa7: {  	s28 =	simm.s32 $_size_execute0_lowered;
	s2 =	sadd.s32 s2, s4;
	[dreg:$0x0] =	wrdreg $0x0  }
0xa8: {  	s4 =	sshll.u32 s28, $0x1;
	[dreg:$0x2] =	wrdreg s2  }
0xa9: {  	[dreg:$0x3] =	wrdreg s4  }
0xaa: {  	[dreg:$0x4] =	wrdreg $0xC0  }
0xab: {  	_ =	task [dreg:s6], $0x5FFFF  }
0xac: {  	[dreg:$0x1] =	wrdreg $0xFFFFFFFF  }
0xad: {  	[dreg:$0x0] =	wrdreg $0x60  }
0xae: {  	[dreg:$0x2] =	wrdreg s24  }
0xaf: {  	[dreg:$0x3] =	wrdreg $0x30000  }
0xb0: {  	[dreg:$0x4] =	wrdreg $0x9  }
0xb1: {  	_ =	task.clear_ibuf [dreg:s6], $0x5FFFF;
	_ =	strace $0x90000046  }
0xb2: {  	s29 =	simm.s32 $0x9;
	_ =	strace $0x80000048  }
0xb3: {  	_ =	swait.ge [sflag:s29], $0x1  }
0xb4: {  	[sflag:s29] =	ssyncadd.s32 $0xFFFFFFFF  }
0xb5: {  	_ =	strace $0x90000048  }
0xb6: {  	_ =	sfence  }
0xb7: {  	s30 =	sld [smem:$0x0];
	_ =	sdelay $0x2  }
0xb8: {  	s31 =	sshll.u32 s1, $0xD;
	s1 =	sshrl.u32 s1, $0x2  }
0xb9: {  	s3 =	sand.u32 $0x4000, s31;
	s1 =	sadd.s32 s1, s30  }
0xba: {  	s0 =	sor.u32 s3, s0;
	s1 =	sshll.u32 s1, $0x11  }
0xbb: {  	s0 =	sor.u32 s1, s0  }
0xbc: {  	s0 =	sadd.s32 $0x8F2B, s0  }
0xbd: {  	[sflag:s0] =	ssyncadd.remote.s32 $0x1  }
0xbe: {  	_ =	sfence.sel $0xFFFF  }
0xbf: {  	[dreg:$0x0] =	wrdreg $0xFFFFFFFF;
	(pc) =	sbr.abs _section_cstart, $3  }
0xc0: {  	[dreg:$0x1] =	wrdreg $0xFFFFFFFF  }
0xc1: {  	_ =	task.clear_ibuf [dreg:s6], $0x2FFFF;
	_ =	strace $0x9FFFFFFF  }
0xc2: {  	(tm) =	ssettm $0x7FFFFFFF  }
0xc3: {  	_ =	shalt  }
tec
execute0_lowered:
.L_overlay_start_1:
0x0: {  	(tag) =	ssettag $0x1  }
0x1: {  	s6 =	rddreg [dreg:$0x0];
	s1 =	srdreg.scid  }
0x2: {  	s0 =	stileid.u32;
	s2 =	rddreg [dreg:$0x1]  }
0x3: {  	s3 =	simm.s32 $0x0;
	s15 =	simm.s32 $0x1;
	s16 =	simm.s32 $0x80  }
0x4: {  	s17 =	simm.s32 $0x2;
	s19 =	simm.s32 $0x0;
	s4 =	sand.u32 $0x1, s1  }
0x5: {  	s5 =	sshll.u32 s0, $0x1;
	s1 =	rddreg [dreg:$0x2];
	s7 =	smul.u32 $0xA000, s0  }
0x6: {  	[smem:$0x7FF] =	sst s3;
	s12 =	smul.u32 $0x2800, s0;
	s13 =	sadd.s32 $0x16800, s6  }
0x7: {  	p0 =	seq.s32 s0, $0xF;
	s5 =	sor.u32 s4, s5;
	_ =	strace $0x80000047  }
0x8: {  	s9 =	ssub.s32 $0x2, s4;
	s10 =	smul.u32 $0x27100, s4;
	s4 =	sadd.s32 $0x16000, s6  }
0x9: {  	s5 =	smul.u32 $0x500, s5;
	s11 =	sshrl.u32 s9, $0x1;
	s7 =	sshrl.u32 s7, $0x2  }
0xa: {  	s18 =	sadd.s32 s12, s2;
	s9 =	ssub.s32 s9, s11;
	s29 =	sadd.s32 s12, s10  }
0xb: {  	s14 =	sadd.s32 s7, s2;
	s31 =	sshrl.u32 s10, $0x3;
	s10 =	sadd.s32 $0x25800, s2  }
0xc: {  	s11 =	sshll.u32 @!p0 s0, $0x6;
	s18 =	sshrl.u32 @!p0 s18, $0x3;
	s8 =	sadd.s32 s5, s6  }
0xd: {  	s5 =	sadd.s32 $0x16600, s6;
	s30 =	sshrl.u32 s29, $0x3;
	s9 =	smax.u32 s9, $0x1  }
0xe: {  	s10 =	sshrl.u32 @p0 s10, $0x3;
	s11 =	sor.u32 @!p0 $0x1C03, s11;
	s12 =	sshrl.u32 @!p0 s14, $0x3  }
0xf: {  	s14 =	simm.s32 $0x3;
	s6 =	sadd.s32 $0x2000, s8;
	s8 =	sadd.s32 s13, s31  }
0x10: {  	s7 =	sadd.s32 s13, s30;
	s13 =	simm.s32 $0x2800;
	s8 =	sadd.s32 $0x4B00, s8  }
.LBB2_1:
0x11: {  	[tilespmem:s3], [sflag:$0x1] =	stream.linear.gather [hbm4b:s6+s3], $0x2800, $0x38;
	[tilespmem:$0x5910] =	vst v63  }
0x12: {  	s20 =	simm.s32 @p0 $0x1FC3  }
0x13: {  	[spmem:s10], [sflag:s20] =	dma.local @p0 [hbm:s4], $0x320  }
0x14: {  	s20 =	simm.s32 @p0 $0x3  }
0x15: {  	_ =	swait.ge @p0 [sflag:s20], $0x320  }
0x16: {  	[sflag:s20] =	ssyncset.done @p0 $0x0  }
0x17: {  	[sflag:s20] =	ssyncadd.s32 @p0 $0xFFFFFCE0;
	s20 =	simm.s32 @!p0 $0x3  }
0x18: {  	[spmem:s12], [sflag:s11] =	dma.local @!p0 [hbm:s4], $0x500  }
0x19: {  	_ =	swait.ge @!p0 [sflag:s20], $0x500  }
0x1a: {  	[sflag:s20] =	ssyncset.done @!p0 $0x0  }
0x1b: {  	[sflag:s20] =	ssyncadd.s32 @!p0 $0xFFFFFB00  }
0x1c: {  	[tilespmem:s13], [sflag:$0x3] =	stream.linear.gather [hbm4b:s5+s3], $0x800, $0x38;
	[tilespmem:$0x5910] =	vst v63  }
0x1d: {  	_ =	swait.ge [sflag:s14], $0x800  }
0x1e: {  	[sflag:s14] =	ssyncset.done $0x0  }
0x1f: {  	[sflag:s14] =	ssyncadd.s32 $0xFFFFF800  }
0x20: {  	_ =	swait.ge [sflag:s15], $0x2800  }
0x21: {  	[sflag:s15] =	ssyncset.done $0x0  }
0x22: {  	[sflag:s15] =	ssyncadd.s32 $0xFFFFD800  }
0x23: {  	s28 =	simm.s32 $0x0;
	[bflag:$0x0] =	sbarrier.arrive $0xFFFF  }
0x24: {  	[spmem:s2] =	stream.indirect.scatter.add.f32 [tilespmem:s13], [sflag:$0x2], $0x10, s28, s16, $0xb8;
	[tilespmem:$0x5910] =	vst v63  }
0x25: {  	s29 =	simm.s32 $0x80  }
0x26: {  	[spmem:s2] =	stream.indirect.scatter.add.f32 [tilespmem:s13], [sflag:$0x2], $0x10, s29, s16, $0xb8;
	[tilespmem:$0x5910] =	vst v63  }
0x27: {  	s30 =	simm.s32 $0x100  }
0x28: {  	[spmem:s2] =	stream.indirect.scatter.add.f32 [tilespmem:s13], [sflag:$0x2], $0x10, s30, s16, $0xb8;
	[tilespmem:$0x5910] =	vst v63  }
0x29: {  	s31 =	simm.s32 $0x180  }
0x2a: {  	[spmem:s2] =	stream.indirect.scatter.add.f32 [tilespmem:s13], [sflag:$0x2], $0x10, s31, s16, $0xb8;
	[tilespmem:$0x5910] =	vst v63  }
0x2b: {  	_ =	swait.ge [sflag:s17], $0x800  }
0x2c: {  	[sflag:s17] =	ssyncset.done $0x0  }
0x2d: {  	[sflag:s17] =	ssyncadd.s32 $0xFFFFF800  }
0x2e: {  	_ =	swait.ge [sflag:s17], $0x800  }
0x2f: {  	[sflag:s17] =	ssyncset.done $0x0  }
0x30: {  	[sflag:s17] =	ssyncadd.s32 $0xFFFFF800  }
0x31: {  	_ =	swait.ge [sflag:s17], $0x800  }
0x32: {  	[sflag:s17] =	ssyncset.done $0x0  }
0x33: {  	[sflag:s17] =	ssyncadd.s32 $0xFFFFF800  }
0x34: {  	_ =	swait.ge [sflag:s17], $0x800  }
0x35: {  	s21 =	simm.s32 $0x1000;
	s20 =	simm.s32 $0x800;
	[sflag:s17] =	ssyncset.done $0x0  }
.LBB2_2:
0x36: {  	s22 =	sshra.s32 s20, $0x2  }
0x37: {  	[sflag:s17] =	ssyncadd.s32 $0xFFFFF800;
	s20 =	smov.u32 s21;
	s23 =	sadd.s32 $0x800, s21  }
0x38: {  	[spmem:s2] =	stream.indirect.scatter.add.f32 [tilespmem:s13], [sflag:$0x2], $0x10, s22, s16, $0xb8;
	[tilespmem:$0x5910] =	vst v63  }
0x39: {  	p1 =	sne.s32 s21, $0x9800;
	s21 =	sadd.s32 $0x80, s22  }
0x3a: {  	[spmem:s2] =	stream.indirect.scatter.add.f32 [tilespmem:s13], [sflag:$0x2], $0x10, s21, s16, $0xb8;
	[tilespmem:$0x5910] =	vst v63  }
0x3b: {  	s21 =	sadd.s32 $0x100, s22  }
0x3c: {  	[spmem:s2] =	stream.indirect.scatter.add.f32 [tilespmem:s13], [sflag:$0x2], $0x10, s21, s16, $0xb8;
	[tilespmem:$0x5910] =	vst v63  }
0x3d: {  	s21 =	sadd.s32 $0x180, s22  }
0x3e: {  	[spmem:s2] =	stream.indirect.scatter.add.f32 [tilespmem:s13], [sflag:$0x2], $0x10, s21, s16, $0xb8;
	[tilespmem:$0x5910] =	vst v63  }
0x3f: {  	_ =	swait.ge [sflag:s17], $0x800  }
0x40: {  	[sflag:s17] =	ssyncset.done $0x0  }
0x41: {  	[sflag:s17] =	ssyncadd.s32 $0xFFFFF800  }
0x42: {  	_ =	swait.ge [sflag:s17], $0x800  }
0x43: {  	[sflag:s17] =	ssyncset.done $0x0  }
0x44: {  	[sflag:s17] =	ssyncadd.s32 $0xFFFFF800  }
.Ltmp0:
0x45: {  	_ =	swait.ge [sflag:s17], $0x800;
	(pc) =	sbr.rel @p1 .LBB2_2-.Ltmp0, $4  }
0x46: {  	[sflag:s17] =	ssyncset.done $0x0  }
0x47: {  	[sflag:s17] =	ssyncadd.s32 $0xFFFFF800  }
0x48: {  	_ =	swait.ge [sflag:s17], $0x800  }
0x49: {  	s21 =	smov.u32 s23;
	[sflag:s17] =	ssyncset.done $0x0  }
0x4a: {  	s20 =	sshra.s32 s20, $0x2;
	[sflag:s17] =	ssyncadd.s32 $0xFFFFF800  }
0x4b: {  	[spmem:s2] =	stream.indirect.scatter.add.f32 [tilespmem:s13], [sflag:$0x2], $0x10, s20, s16, $0xb8;
	[tilespmem:$0x5910] =	vst v63  }
0x4c: {  	s21 =	sadd.s32 $0x80, s20  }
0x4d: {  	[spmem:s2] =	stream.indirect.scatter.add.f32 [tilespmem:s13], [sflag:$0x2], $0x10, s21, s16, $0xb8;
	[tilespmem:$0x5910] =	vst v63  }
0x4e: {  	s31 =	sadd.s32 $0x100, s20  }
0x4f: {  	[spmem:s2] =	stream.indirect.scatter.add.f32 [tilespmem:s13], [sflag:$0x2], $0x10, s31, s16, $0xb8;
	[tilespmem:$0x5910] =	vst v63  }
0x50: {  	s20 =	sadd.s32 $0x180, s20  }
0x51: {  	[spmem:s2] =	stream.indirect.scatter.add.f32 [tilespmem:s13], [sflag:$0x2], $0x10, s20, s16, $0xb8;
	[tilespmem:$0x5910] =	vst v63  }
0x52: {  	_ =	swait.ge [sflag:s17], $0x800  }
0x53: {  	[sflag:s17] =	ssyncset.done $0x0  }
0x54: {  	[sflag:s17] =	ssyncadd.s32 $0xFFFFF800  }
0x55: {  	_ =	swait.ge [sflag:s17], $0x800  }
0x56: {  	[sflag:s17] =	ssyncset.done $0x0  }
0x57: {  	[sflag:s17] =	ssyncadd.s32 $0xFFFFF800  }
0x58: {  	_ =	swait.ge [sflag:s17], $0x800  }
0x59: {  	[sflag:s17] =	ssyncset.done $0x0  }
0x5a: {  	[sflag:s17] =	ssyncadd.s32 $0xFFFFF800  }
0x5b: {  	_ =	swait.ge [sflag:s17], $0x800  }
0x5c: {  	[sflag:s17] =	ssyncset.done $0x0  }
0x5d: {  	[sflag:s17] =	ssyncadd.s32 $0xFFFFF800  }
0x5e: {  	s20 =	simm.s32 @p0 $0x1FC3;
	[bflag:$0x0] =	sbarrier.arrive $0xFFFF  }
0x5f: {  	[hbm:s8], [sflag:s20] =	dma.local @p0 [spmem:s10], $0x320  }
0x60: {  	s20 =	simm.s32 @p0 $0x3  }
0x61: {  	s19 =	sadd.s32 $0x1, s19;
	_ =	swait.ge @p0 [sflag:s20], $0x320  }
0x62: {  	p1 =	sne.s32 s19, s9;
	[sflag:s20] =	ssyncset.done @p0 $0x0  }
.Ltmp1:
0x63: {  	[sflag:s20] =	ssyncadd.s32 @p0 $0xFFFFFCE0;
	s20 =	simm.s32 @!p0 $0x3;
	(pc) =	sbr.rel @p1 .LBB2_1-.Ltmp1, $4  }
0x64: {  	[hbm:s7], [sflag:s11] =	dma.local @!p0 [spmem:s18], $0x500  }
0x65: {  	_ =	swait.ge @!p0 [sflag:s20], $0x500  }
0x66: {  	[sflag:s20] =	ssyncset.done @!p0 $0x0  }
0x67: {  	[sflag:s20] =	ssyncadd.s32 @!p0 $0xFFFFFB00  }
0x68: {  	_ =	sfence.sel $0x180000  }
0x69: {  	[bflag:$0x0] =	sbarrier.arrive $0xFFFF  }
0x6a: {  	p0 =	sne.s32 s0, $0x0;
	_ =	strace $0x90000047  }
0x6b: {  	s0 =	sadd.s32 @!p0 $0x100000, s1;
	[bflag:$0x2] =	sbarrier.arrive $0xFFFF  }
0x6c: {  	[sflag:s0] =	ssyncadd.tile.s32 @!p0 $0x1;
	_ =	shalt  }
.Lfunc_end2:
_tile_overlayer_lowered:
.L_overlay_start_2:
0x6d: {  	(tag) =	ssettag $0x2  }
0x6e: {  	s0 =	rddreg [dreg:$0x0];
	s2 =	stileid.u32  }
0x6f: {  	s1 =	rddreg [dreg:$0x1];
	p0 =	sne.s32 s2, $0x0  }
0x70: {  	s3 =	rddreg [dreg:$0x2];
	[bflag:$0x3] =	sbarrier.arrive $0xFFFF;
	s2 =	simm.s32 @!p0 $0x1C03  }
0x71: {  	[timem:s3], [sflag:s2] =	dma.local @!p0 [hbm:s0], s1  }
0x72: {  	s0 =	simm.s32 @!p0 $0x3  }
0x73: {  	_ =	swait.ge @!p0 [sflag:s0], s1  }
0x74: {  	s1 =	ssub.s32 @!p0 $0x0, s1;
	[sflag:s0] =	ssyncset.done @!p0 $0x0  }
0x75: {  	[sflag:s0] =	ssyncadd.s32 @!p0 s1  }
0x76: {  	[bflag:$0x3] =	sbarrier.arrive $0xFFFF  }
0x77: {  	_ =	shalt  }

</sc_bundles>
